<compile_context>
chip_gen: v7x
topology: tpu7x:2x2x1
jax: 0.10.2.dev20260603
libtpu: 0.0.44.dev20260713+nightly
codegen_flags: <defaults>
</compile_context>

<pallas_src>
import functools

import jax
import jax.numpy as jnp
from jax import lax
from jax.experimental import pallas as pl
from jax.experimental.pallas import tpu as pltpu
from jax.experimental.pallas import tpu_sc as plsc

N = 10000
E = 160000
D = 256
HALF = 128

ROW_BLK = 1024
NPAD = 10240
N_BLKS = NPAD // ROW_BLK

CHUNK = 128
NBUF = 2
TILES = 16
EPAD = 163840
CH_SC = EPAD // TILES // CHUNK
CH_STG = CH_SC // 2
DCH = 128
DW = 128
CH_DEG = EPAD // (2 * TILES) // DCH
ROWS_T = NPAD // TILES


def _deg_body(col3, zeros_hbm, ones_hbm, deg_out, col_vm, ones_vm, acc_sh):
    c = lax.axis_index("c")
    s = lax.axis_index("s")
    pltpu.sync_copy(zeros_hbm.at[pl.ds(s * ROWS_T, ROWS_T)],
                    acc_sh.at[pl.ds(s * ROWS_T, ROWS_T)])
    pltpu.sync_copy(ones_hbm, ones_vm)
    pltpu.sync_copy(col3.at[c * TILES + s], col_vm)
    plsc.subcore_barrier()

    def body(j, carry):
        pltpu.sync_copy(ones_vm, acc_sh.at[col_vm.at[j]], add=True)
        return carry

    lax.fori_loop(0, CH_DEG, body, 0)
    plsc.subcore_barrier()
    pltpu.sync_copy(acc_sh.at[pl.ds(s * ROWS_T, ROWS_T)],
                    deg_out.at[c, pl.ds(s * ROWS_T, ROWS_T)])


@functools.cache
def _deg_call():
    mesh = plsc.VectorSubcoreMesh(core_axis_name="c", subcore_axis_name="s")
    return pl.kernel(
        _deg_body,
        out_type=jax.ShapeDtypeStruct((2, NPAD, DW), jnp.float32),
        mesh=mesh,
        scratch_types=[
            pltpu.VMEM((CH_DEG, DCH), jnp.int32),
            pltpu.VMEM((DCH, DW), jnp.float32),
            pltpu.VMEM_SHARED((NPAD, DW), jnp.float32),
        ],
    )


def _scatter_body(g_flat, row3, col3, acc_out, row_vm, col_vm,
                  buf0, buf1, sem0, sem1, acc_sh):
    c = lax.axis_index("c")
    s = lax.axis_index("s")
    base = c * NPAD
    pltpu.sync_copy(g_flat.at[pl.ds(base + s * ROWS_T, ROWS_T)],
                    acc_sh.at[pl.ds(s * ROWS_T, ROWS_T)])
    plsc.subcore_barrier()

    ring = ((buf0, sem0), (buf1, sem1))

    def body(j, carry):
        base = NBUF * j
        for k, (buf, sem) in enumerate(ring):
            ck = base + k
            pltpu.make_async_copy(g_flat.at[row_vm.at[ck]], buf, sem).wait()
            pltpu.sync_copy(buf, acc_sh.at[col_vm.at[ck]], add=True)

            @pl.when(ck + NBUF < CH_STG)
            def _():
                pltpu.async_copy(g_flat.at[row_vm.at[ck + NBUF]], buf, sem)

        return carry

    for h in range(CH_SC // CH_STG):
        pltpu.sync_copy(row3.at[c, s, pl.ds(h * CH_STG, CH_STG)], row_vm)
        pltpu.sync_copy(col3.at[s, pl.ds(h * CH_STG, CH_STG)], col_vm)
        for k, (buf, sem) in enumerate(ring):
            pltpu.async_copy(g_flat.at[row_vm.at[k]], buf, sem)
        lax.fori_loop(0, CH_STG // NBUF, body, 0)
    plsc.subcore_barrier()
    pltpu.sync_copy(acc_sh.at[pl.ds(s * ROWS_T, ROWS_T)],
                    acc_out.at[pl.ds(base + s * ROWS_T, ROWS_T)])


@functools.cache
def _scatter_call():
    mesh = plsc.VectorSubcoreMesh(core_axis_name="c", subcore_axis_name="s")
    return pl.kernel(
        _scatter_body,
        out_type=jax.ShapeDtypeStruct((2 * NPAD, HALF), jnp.float32),
        mesh=mesh,
        scratch_types=[
            pltpu.VMEM((CH_STG, CHUNK), jnp.int32),
            pltpu.VMEM((CH_STG, CHUNK), jnp.int32),
            pltpu.VMEM((CHUNK, HALF), jnp.float32),
            pltpu.VMEM((CHUNK, HALF), jnp.float32),
            pltpu.SemaphoreType.DMA,
            pltpu.SemaphoreType.DMA,
            pltpu.VMEM_SHARED((NPAD, HALF), jnp.float32),
        ],
    )



def _dinv_from(degp_ref):
    deg = degp_ref[0, :, 0:1] + degp_ref[1, :, 0:1] + 1.0
    return lax.rsqrt(deg)


def _mm_first_body(x_ref, w_ref, degp_ref, g_ref):
    dinv = _dinv_from(degp_ref)
    h = jnp.dot(x_ref[...], w_ref[...], preferred_element_type=jnp.float32)
    g = h * dinv
    g_ref[0] = g[:, :HALF]
    g_ref[1] = g[:, HALF:]


def _mm_mid_body(acc_ref, degp_ref, b_ref, w_ref, g_ref):
    dinv = _dinv_from(degp_ref)
    t = jnp.concatenate([acc_ref[0], acc_ref[1]], axis=1) * dinv + b_ref[...]
    t = jnp.maximum(t, 0.0)
    h = jnp.dot(t, w_ref[...], preferred_element_type=jnp.float32)
    g = h * dinv
    g_ref[0] = g[:, :HALF]
    g_ref[1] = g[:, HALF:]


def _mm_final_body(acc_ref, degp_ref, b_ref, out_ref):
    dinv = _dinv_from(degp_ref)
    out_ref[...] = (jnp.concatenate([acc_ref[0], acc_ref[1]], axis=1) * dinv
                    + b_ref[...])


_degp_spec = pl.BlockSpec((2, ROW_BLK, DW), lambda i: (0, i, 0))
_acc_spec = pl.BlockSpec((2, ROW_BLK, HALF), lambda i: (0, i, 0))
_g_spec = pl.BlockSpec((2, ROW_BLK, HALF), lambda i: (0, i, 0))
_w_spec = pl.BlockSpec((D, D), lambda i: (0, 0))
_b_spec = pl.BlockSpec((1, D), lambda i: (0, 0))

_mm_first = pl.pallas_call(
    _mm_first_body,
    grid=(N_BLKS,),
    in_specs=[pl.BlockSpec((ROW_BLK, D), lambda i: (i, 0)), _w_spec, _degp_spec],
    out_specs=_g_spec,
    out_shape=jax.ShapeDtypeStruct((2, NPAD, HALF), jnp.float32),
)

_mm_mid = pl.pallas_call(
    _mm_mid_body,
    grid=(N_BLKS,),
    in_specs=[_acc_spec, _degp_spec, _b_spec, _w_spec],
    out_specs=_g_spec,
    out_shape=jax.ShapeDtypeStruct((2, NPAD, HALF), jnp.float32),
)

_mm_final = pl.pallas_call(
    _mm_final_body,
    grid=(N_BLKS,),
    in_specs=[_acc_spec, _degp_spec, _b_spec],
    out_specs=pl.BlockSpec((ROW_BLK, D), lambda i: (i, 0)),
    out_shape=jax.ShapeDtypeStruct((NPAD, D), jnp.float32),
)



def kernel(x, edge_index, batch, W1, b1, W2, b2, W3, b3):
    del batch
    row = edge_index[0]
    col = edge_index[1]
    pad = EPAD - E
    rowp = jnp.concatenate([row, jnp.zeros((pad,), jnp.int32)])
    colp = jnp.concatenate([col, jnp.full((pad,), N, jnp.int32)])

    col_deg3 = colp.reshape(2 * TILES, CH_DEG, DCH)
    col3 = colp.reshape(TILES, CH_SC, CHUNK)
    row3 = (rowp.reshape(1, TILES, CH_SC, CHUNK)
            + jnp.array([0, NPAD], jnp.int32).reshape(2, 1, 1, 1))

    zeros_h = jnp.zeros((NPAD, DW), jnp.float32)
    ones_h = jnp.ones((DCH, DW), jnp.float32)
    degp = _deg_call()(col_deg3, zeros_h, ones_h)

    x_pad = jnp.concatenate([x, jnp.zeros((NPAD - N, D), x.dtype)], axis=0)
    b1r = b1.reshape(1, D)
    b2r = b2.reshape(1, D)
    b3r = b3.reshape(1, D)

    scatter = _scatter_call()
    g1 = _mm_first(x_pad, W1, degp)
    acc1 = scatter(g1.reshape(2 * NPAD, HALF), row3, col3)
    g2 = _mm_mid(acc1.reshape(2, NPAD, HALF), degp, b1r, W2)
    acc2 = scatter(g2.reshape(2 * NPAD, HALF), row3, col3)
    g3 = _mm_mid(acc2.reshape(2, NPAD, HALF), degp, b2r, W3)
    acc3 = scatter(g3.reshape(2 * NPAD, HALF), row3, col3)
    out = _mm_final(acc3.reshape(2, NPAD, HALF), degp, b3r)
    return out[:N]

# --- scband reference (transcript-rebuilt; emitter-appended) ---
"""Pipeline reference for scband-gnn-26963804685187 (READ-ONLY COPY).

The authoritative reference and input builder live on the scoring server;
editing this copy changes nothing except your own understanding.
"""

import jax, jax.numpy as jnp
import numpy as np

N_NODES = 10000
N_EDGES = 160000
D = 256


def gcn_conv(x, edge_index, W, b):
    n = x.shape[0]
    loops = jnp.arange(n, dtype=edge_index.dtype)
    ei = jnp.concatenate([edge_index, jnp.stack([loops, loops])], axis=1)
    row, col = ei[0], ei[1]
    deg = jax.ops.segment_sum(jnp.ones(ei.shape[1], x.dtype), col, num_segments=n)
    deg_inv_sqrt = jnp.where(deg > 0, 1.0 / jnp.sqrt(deg), 0.0)
    norm = deg_inv_sqrt[row] * deg_inv_sqrt[col]
    h = x @ W
    msg = h[row] * norm[:, None]
    out = jax.ops.segment_sum(msg, col, num_segments=n)
    return out + b


def setup_inputs(seed: int = 0):
    key = jax.random.key(seed)
    ks = jax.random.split(key, 10)
    x = jax.random.normal(ks[0], (N_NODES, D), dtype=jnp.float32)
    edge_index = jax.random.randint(ks[1], (2, N_EDGES), 0, N_NODES, dtype=jnp.int32)
    batch = jnp.zeros((N_NODES,), dtype=jnp.int32)
    scale = 1.0 / np.sqrt(D)
    W1 = jax.random.normal(ks[2], (D, D), dtype=jnp.float32) * scale
    b1 = jnp.zeros((D,), dtype=jnp.float32)
    W2 = jax.random.normal(ks[3], (D, D), dtype=jnp.float32) * scale
    b2 = jnp.zeros((D,), dtype=jnp.float32)
    W3 = jax.random.normal(ks[4], (D, D), dtype=jnp.float32) * scale
    b3 = jnp.zeros((D,), dtype=jnp.float32)
    return {"x": x, "edge_index": edge_index, "batch": batch,
            "W1": W1, "b1": b1, "W2": W2, "b2": b2, "W3": W3, "b3": b3}


def reference(x, edge_index, batch, W1, b1, W2, b2, W3, b3):
    # 3-layer GCN, mode='node' so batch is unused; dropout is identity in eval.
    h = gcn_conv(x, edge_index, W1, b1)
    h = jax.nn.relu(h)
    h = gcn_conv(h, edge_index, W2, b2)
    h = jax.nn.relu(h)
    h = gcn_conv(h, edge_index, W3, b3)
    return h

if __name__ == "__main__":
    import jax
    _d = setup_inputs()
    print(jax.jit(kernel)(*tuple(_d.values())))

</pallas_src>

<mosaic_0001>
#map = affine_map<(d0, d1) -> (0, 0)>
#map1 = affine_map<(d0, d1) -> (0, 0, 0, 0)>
#map2 = affine_map<(d0, d1) -> (0, 0, 0)>
module attributes {stable_mosaic.version = 14 : i64} {
  func.func @_scatter_body(%arg0: i32, %arg1: i32, %arg2: memref<20480x128xf32, #tpu.memory_space<hbm>>, %arg3: memref<2x16x80x128xi32, #tpu.memory_space<hbm>>, %arg4: memref<16x80x128xi32, #tpu.memory_space<hbm>>, %arg5: memref<20480x128xf32, #tpu.memory_space<hbm>>, %arg6: memref<40x128xi32, #tpu.memory_space<vmem>>, %arg7: memref<40x128xi32, #tpu.memory_space<vmem>>, %arg8: memref<128x128xf32, #tpu.memory_space<vmem>>, %arg9: memref<128x128xf32, #tpu.memory_space<vmem>>, %arg10: memref<!tpu.dma_semaphore, #tpu.memory_space<semaphore_mem>>, %arg11: memref<!tpu.dma_semaphore, #tpu.memory_space<semaphore_mem>>, %arg12: memref<10240x128xf32, #tpu.memory_space<vmem_shared>>) attributes {dimension_semantics = [#tpu.dimension_semantics<core_parallel>, #tpu.dimension_semantics<subcore_parallel>], iteration_bounds = array<i64: 2, 16>, scalar_prefetch = 0 : i64, scratch_operands = 7 : i64, tpu.core_type = #tpu.core_type<sc_vector_subcore>, window_params = [{transform_indices = #map}, {transform_indices = #map1}, {transform_indices = #map2}, {transform_indices = #map}]} {
    %mul3A = arith.constant 10240 : i32
    %mul3A_0 = arith.muli %arg0, %mul3A : i32
    %mul3A_1 = arith.constant 640 : i32
    %mul3A_2 = arith.muli %arg1, %mul3A_1 : i32
    %add3A = arith.addi %mul3A_0, %mul3A_2 : i32
    %mul3A_3 = arith.constant 640 : i32
    %mul3A_4 = arith.muli %arg1, %mul3A_3 : i32
    "tpu.region"() ({
      %run_scoped3A = tpu.sem_alloc : memref<!tpu.dma_semaphore, #tpu.memory_space<semaphore_mem>>
      %dma_start3A_49 = arith.constant 0 : i32
      %dma_start3A_50 = tpu.memref_slice %arg12[%mul3A_4, %dma_start3A_49] : memref<10240x128xf32, #tpu.memory_space<vmem_shared>> -> memref<640x128xf32, #tpu.memory_space<vmem_shared>>
      %dma_start3A_51 = arith.constant 0 : i32
      %dma_start3A_52 = tpu.memref_slice %arg2[%add3A, %dma_start3A_51] : memref<20480x128xf32, #tpu.memory_space<hbm>> -> memref<640x128xf32, #tpu.memory_space<hbm>>
      tpu.enqueue_dma source(%dma_start3A_52 : memref<640x128xf32, #tpu.memory_space<hbm>>) target(%dma_start3A_50 : memref<640x128xf32, #tpu.memory_space<vmem_shared>>) target_semaphore(%run_scoped3A : memref<!tpu.dma_semaphore, #tpu.memory_space<semaphore_mem>>)
      %dma_wait3A = arith.constant 0 : i32
      %dma_wait3A_53 = tpu.memref_slice %arg12[%mul3A_4, %dma_wait3A] : memref<10240x128xf32, #tpu.memory_space<vmem_shared>> -> memref<640x128xf32, #tpu.memory_space<vmem_shared>>
      %dma_wait3A_54 = arith.constant 0 : i32
      %dma_wait3A_55 = tpu.memref_slice %arg2[%add3A, %dma_wait3A_54] : memref<20480x128xf32, #tpu.memory_space<hbm>> -> memref<640x128xf32, #tpu.memory_space<hbm>>
      tpu.wait_dma2 semaphore(%run_scoped3A : memref<!tpu.dma_semaphore, #tpu.memory_space<semaphore_mem>>) src(%dma_wait3A_55 : memref<640x128xf32, #tpu.memory_space<hbm>>) dst(%dma_wait3A_53 : memref<640x128xf32, #tpu.memory_space<vmem_shared>>)
      tpu.yield
    }) : () -> ()
    %barrier3A = arith.constant 0 : index
    tpu.barrier barrier_id(%barrier3A)
    "tpu.region"() ({
      %run_scoped3A = tpu.sem_alloc : memref<!tpu.dma_semaphore, #tpu.memory_space<semaphore_mem>>
      %dma_start3A_49 = arith.constant 0 : i32
      %dma_start3A_50 = arith.constant 0 : i32
      %dma_start3A_51 = tpu.memref_slice %arg3[%arg0, %arg1, %dma_start3A_49, %dma_start3A_50] : memref<2x16x80x128xi32, #tpu.memory_space<hbm>> -> memref<1x1x40x128xi32, #tpu.memory_space<hbm>>
      %dma_start3A_52 = tpu.memref_squeeze %dma_start3A_51 : memref<1x1x40x128xi32, #tpu.memory_space<hbm>> -> memref<40x128xi32, #tpu.memory_space<hbm>>
      %dma_start3A_53 = arith.constant 0 : i32
      %dma_start3A_54 = arith.constant 0 : i32
      %dma_start3A_55 = tpu.memref_slice %arg3[%arg0, %arg1, %dma_start3A_53, %dma_start3A_54] : memref<2x16x80x128xi32, #tpu.memory_space<hbm>> -> memref<1x1x40x128xi32, #tpu.memory_space<hbm>>
      %dma_start3A_56 = tpu.memref_squeeze %dma_start3A_55 : memref<1x1x40x128xi32, #tpu.memory_space<hbm>> -> memref<40x128xi32, #tpu.memory_space<hbm>>
      tpu.enqueue_dma source(%dma_start3A_56 : memref<40x128xi32, #tpu.memory_space<hbm>>) target(%arg6 : memref<40x128xi32, #tpu.memory_space<vmem>>) target_semaphore(%run_scoped3A : memref<!tpu.dma_semaphore, #tpu.memory_space<semaphore_mem>>)
      %dma_wait3A = arith.constant 0 : i32
      %dma_wait3A_57 = arith.constant 0 : i32
      %dma_wait3A_58 = tpu.memref_slice %arg3[%arg0, %arg1, %dma_wait3A, %dma_wait3A_57] : memref<2x16x80x128xi32, #tpu.memory_space<hbm>> -> memref<1x1x40x128xi32, #tpu.memory_space<hbm>>
      %dma_wait3A_59 = tpu.memref_squeeze %dma_wait3A_58 : memref<1x1x40x128xi32, #tpu.memory_space<hbm>> -> memref<40x128xi32, #tpu.memory_space<hbm>>
      %dma_wait3A_60 = arith.constant 0 : i32
      %dma_wait3A_61 = arith.constant 0 : i32
      %dma_wait3A_62 = tpu.memref_slice %arg3[%arg0, %arg1, %dma_wait3A_60, %dma_wait3A_61] : memref<2x16x80x128xi32, #tpu.memory_space<hbm>> -> memref<1x1x40x128xi32, #tpu.memory_space<hbm>>
      %dma_wait3A_63 = tpu.memref_squeeze %dma_wait3A_62 : memref<1x1x40x128xi32, #tpu.memory_space<hbm>> -> memref<40x128xi32, #tpu.memory_space<hbm>>
      tpu.wait_dma2 semaphore(%run_scoped3A : memref<!tpu.dma_semaphore, #tpu.memory_space<semaphore_mem>>) src(%dma_wait3A_63 : memref<40x128xi32, #tpu.memory_space<hbm>>) dst(%arg6 : memref<40x128xi32, #tpu.memory_space<vmem>>)
      tpu.yield
    }) : () -> ()
    "tpu.region"() ({
      %run_scoped3A = tpu.sem_alloc : memref<!tpu.dma_semaphore, #tpu.memory_space<semaphore_mem>>
      %dma_start3A_49 = arith.constant 0 : i32
      %dma_start3A_50 = arith.constant 0 : i32
      %dma_start3A_51 = tpu.memref_slice %arg4[%arg1, %dma_start3A_49, %dma_start3A_50] : memref<16x80x128xi32, #tpu.memory_space<hbm>> -> memref<1x40x128xi32, #tpu.memory_space<hbm>>
      %dma_start3A_52 = tpu.memref_squeeze %dma_start3A_51 : memref<1x40x128xi32, #tpu.memory_space<hbm>> -> memref<40x128xi32, #tpu.memory_space<hbm>>
      %dma_start3A_53 = arith.constant 0 : i32
      %dma_start3A_54 = arith.constant 0 : i32
      %dma_start3A_55 = tpu.memref_slice %arg4[%arg1, %dma_start3A_53, %dma_start3A_54] : memref<16x80x128xi32, #tpu.memory_space<hbm>> -> memref<1x40x128xi32, #tpu.memory_space<hbm>>
      %dma_start3A_56 = tpu.memref_squeeze %dma_start3A_55 : memref<1x40x128xi32, #tpu.memory_space<hbm>> -> memref<40x128xi32, #tpu.memory_space<hbm>>
      tpu.enqueue_dma source(%dma_start3A_56 : memref<40x128xi32, #tpu.memory_space<hbm>>) target(%arg7 : memref<40x128xi32, #tpu.memory_space<vmem>>) target_semaphore(%run_scoped3A : memref<!tpu.dma_semaphore, #tpu.memory_space<semaphore_mem>>)
      %dma_wait3A = arith.constant 0 : i32
      %dma_wait3A_57 = arith.constant 0 : i32
      %dma_wait3A_58 = tpu.memref_slice %arg4[%arg1, %dma_wait3A, %dma_wait3A_57] : memref<16x80x128xi32, #tpu.memory_space<hbm>> -> memref<1x40x128xi32, #tpu.memory_space<hbm>>
      %dma_wait3A_59 = tpu.memref_squeeze %dma_wait3A_58 : memref<1x40x128xi32, #tpu.memory_space<hbm>> -> memref<40x128xi32, #tpu.memory_space<hbm>>
      %dma_wait3A_60 = arith.constant 0 : i32
      %dma_wait3A_61 = arith.constant 0 : i32
      %dma_wait3A_62 = tpu.memref_slice %arg4[%arg1, %dma_wait3A_60, %dma_wait3A_61] : memref<16x80x128xi32, #tpu.memory_space<hbm>> -> memref<1x40x128xi32, #tpu.memory_space<hbm>>
      %dma_wait3A_63 = tpu.memref_squeeze %dma_wait3A_62 : memref<1x40x128xi32, #tpu.memory_space<hbm>> -> memref<40x128xi32, #tpu.memory_space<hbm>>
      tpu.wait_dma2 semaphore(%run_scoped3A : memref<!tpu.dma_semaphore, #tpu.memory_space<semaphore_mem>>) src(%dma_wait3A_63 : memref<40x128xi32, #tpu.memory_space<hbm>>) dst(%arg7 : memref<40x128xi32, #tpu.memory_space<vmem>>)
      tpu.yield
    }) : () -> ()
    %dma_start3A = arith.constant 0 : i32
    %dma_start3A_5 = arith.constant 0 : i32
    %dma_start3A_6 = tpu.memref_slice %arg6[%dma_start3A, %dma_start3A_5] : memref<40x128xi32, #tpu.memory_space<vmem>> -> memref<1x128xi32, #tpu.memory_space<vmem>>
    %dma_start3A_7 = tpu.memref_squeeze %dma_start3A_6 : memref<1x128xi32, #tpu.memory_space<vmem>> -> memref<128xi32, #tpu.memory_space<vmem>>
    %dma_start3A_8 = arith.constant 0 : i32
    %dma_start3A_9 = arith.constant 0 : i32
    %dma_start3A_10 = tpu.memref_slice %arg2[%dma_start3A_8, %dma_start3A_9] : memref<20480x128xf32, #tpu.memory_space<hbm>> -> memref<20480x128xf32, #tpu.memory_space<hbm>>
    tpu.enqueue_indirect_dma source(%dma_start3A_10 : memref<20480x128xf32, #tpu.memory_space<hbm>>) target(%arg8 : memref<128x128xf32, #tpu.memory_space<vmem>>) offsets(%dma_start3A_7 : memref<128xi32, #tpu.memory_space<vmem>>) semaphore(%arg10 : memref<!tpu.dma_semaphore, #tpu.memory_space<semaphore_mem>>)
    %dma_start3A_11 = arith.constant 1 : i32
    %dma_start3A_12 = arith.constant 0 : i32
    %dma_start3A_13 = tpu.memref_slice %arg6[%dma_start3A_11, %dma_start3A_12] : memref<40x128xi32, #tpu.memory_space<vmem>> -> memref<1x128xi32, #tpu.memory_space<vmem>>
    %dma_start3A_14 = tpu.memref_squeeze %dma_start3A_13 : memref<1x128xi32, #tpu.memory_space<vmem>> -> memref<128xi32, #tpu.memory_space<vmem>>
    %dma_start3A_15 = arith.constant 0 : i32
    %dma_start3A_16 = arith.constant 0 : i32
    %dma_start3A_17 = tpu.memref_slice %arg2[%dma_start3A_15, %dma_start3A_16] : memref<20480x128xf32, #tpu.memory_space<hbm>> -> memref<20480x128xf32, #tpu.memory_space<hbm>>
    tpu.enqueue_indirect_dma source(%dma_start3A_17 : memref<20480x128xf32, #tpu.memory_space<hbm>>) target(%arg9 : memref<128x128xf32, #tpu.memory_space<vmem>>) offsets(%dma_start3A_14 : memref<128xi32, #tpu.memory_space<vmem>>) semaphore(%arg11 : memref<!tpu.dma_semaphore, #tpu.memory_space<semaphore_mem>>)
    %scan3A = arith.constant 0 : i32
    %scan3A_18 = arith.constant 0 : i32
    %scan3A_19 = arith.constant 20 : i32
    %scan3A_20 = arith.addi %scan3A_18, %scan3A_19 : i32
    %scan3A_21 = arith.constant 1 : i32
    scf.for %scan3A_49 = %scan3A_18 to %scan3A_20 step %scan3A_21  : i32 {
      %mul3A_50 = arith.constant 2 : i32
      %mul3A_51 = arith.muli %mul3A_50, %scan3A_49 : i32
      %add3A_52 = arith.constant 0 : i32
      %add3A_53 = arith.addi %mul3A_51, %add3A_52 : i32
      %dma_wait3A = arith.constant 0 : i32
      %dma_wait3A_54 = tpu.memref_slice %arg6[%add3A_53, %dma_wait3A] : memref<40x128xi32, #tpu.memory_space<vmem>> -> memref<1x128xi32, #tpu.memory_space<vmem>>
      %dma_wait3A_55 = tpu.memref_squeeze %dma_wait3A_54 : memref<1x128xi32, #tpu.memory_space<vmem>> -> memref<128xi32, #tpu.memory_space<vmem>>
      %dma_wait3A_56 = arith.constant 0 : i32
      %dma_wait3A_57 = arith.constant 0 : i32
      %dma_wait3A_58 = tpu.memref_slice %arg2[%dma_wait3A_56, %dma_wait3A_57] : memref<20480x128xf32, #tpu.memory_space<hbm>> -> memref<20480x128xf32, #tpu.memory_space<hbm>>
      tpu.wait_indirect_dma semaphore(%arg10 : memref<!tpu.dma_semaphore, #tpu.memory_space<semaphore_mem>>) src(%dma_wait3A_58 : memref<20480x128xf32, #tpu.memory_space<hbm>>) dst(%arg8 : memref<128x128xf32, #tpu.memory_space<vmem>>)
      "tpu.region"() ({
        %run_scoped3A = tpu.sem_alloc : memref<!tpu.dma_semaphore, #tpu.memory_space<semaphore_mem>>
        %dma_start3A_78 = arith.constant 0 : i32
        %dma_start3A_79 = tpu.memref_slice %arg7[%add3A_53, %dma_start3A_78] : memref<40x128xi32, #tpu.memory_space<vmem>> -> memref<1x128xi32, #tpu.memory_space<vmem>>
        %dma_start3A_80 = tpu.memref_squeeze %dma_start3A_79 : memref<1x128xi32, #tpu.memory_space<vmem>> -> memref<128xi32, #tpu.memory_space<vmem>>
        %dma_start3A_81 = arith.constant 0 : i32
        %dma_start3A_82 = arith.constant 0 : i32
        %dma_start3A_83 = tpu.memref_slice %arg12[%dma_start3A_81, %dma_start3A_82] : memref<10240x128xf32, #tpu.memory_space<vmem_shared>> -> memref<10240x128xf32, #tpu.memory_space<vmem_shared>>
        tpu.enqueue_indirect_dma source(%arg8 : memref<128x128xf32, #tpu.memory_space<vmem>>) target(%dma_start3A_83 : memref<10240x128xf32, #tpu.memory_space<vmem_shared>>) offsets(%dma_start3A_80 : memref<128xi32, #tpu.memory_space<vmem>>) semaphore(%run_scoped3A : memref<!tpu.dma_semaphore, #tpu.memory_space<semaphore_mem>>) {add = true}
        %dma_wait3A_84 = arith.constant 0 : i32
        %dma_wait3A_85 = tpu.memref_slice %arg7[%add3A_53, %dma_wait3A_84] : memref<40x128xi32, #tpu.memory_space<vmem>> -> memref<1x128xi32, #tpu.memory_space<vmem>>
        %dma_wait3A_86 = tpu.memref_squeeze %dma_wait3A_85 : memref<1x128xi32, #tpu.memory_space<vmem>> -> memref<128xi32, #tpu.memory_space<vmem>>
        %dma_wait3A_87 = arith.constant 0 : i32
        %dma_wait3A_88 = arith.constant 0 : i32
        %dma_wait3A_89 = tpu.memref_slice %arg12[%dma_wait3A_87, %dma_wait3A_88] : memref<10240x128xf32, #tpu.memory_space<vmem_shared>> -> memref<10240x128xf32, #tpu.memory_space<vmem_shared>>
        tpu.wait_indirect_dma semaphore(%run_scoped3A : memref<!tpu.dma_semaphore, #tpu.memory_space<semaphore_mem>>) src(%arg8 : memref<128x128xf32, #tpu.memory_space<vmem>>) dst(%dma_wait3A_89 : memref<10240x128xf32, #tpu.memory_space<vmem_shared>>)
        tpu.yield
      }) : () -> ()
      %add3A_59 = arith.constant 2 : i32
      %add3A_60 = arith.addi %add3A_53, %add3A_59 : i32
      %lt3A = arith.constant 40 : i32
      %lt3A_61 = arith.cmpi slt, %add3A_60, %lt3A : i32
      %convert_element_type3A = arith.extui %lt3A_61 : i1 to i32
      %cond3A = arith.constant 0 : i32
      %cond3A_62 = arith.cmpi ne, %convert_element_type3A, %cond3A : i32
      scf.if %cond3A_62 {
        %add3A_78 = arith.constant 2 : i32
        %add3A_79 = arith.addi %add3A_53, %add3A_78 : i32
        %dma_start3A_80 = arith.constant 0 : i32
        %dma_start3A_81 = tpu.memref_slice %arg6[%add3A_79, %dma_start3A_80] : memref<40x128xi32, #tpu.memory_space<vmem>> -> memref<1x128xi32, #tpu.memory_space<vmem>>
        %dma_start3A_82 = tpu.memref_squeeze %dma_start3A_81 : memref<1x128xi32, #tpu.memory_space<vmem>> -> memref<128xi32, #tpu.memory_space<vmem>>
        %dma_start3A_83 = arith.constant 0 : i32
        %dma_start3A_84 = arith.constant 0 : i32
        %dma_start3A_85 = tpu.memref_slice %arg2[%dma_start3A_83, %dma_start3A_84] : memref<20480x128xf32, #tpu.memory_space<hbm>> -> memref<20480x128xf32, #tpu.memory_space<hbm>>
        tpu.enqueue_indirect_dma source(%dma_start3A_85 : memref<20480x128xf32, #tpu.memory_space<hbm>>) target(%arg8 : memref<128x128xf32, #tpu.memory_space<vmem>>) offsets(%dma_start3A_82 : memref<128xi32, #tpu.memory_space<vmem>>) semaphore(%arg10 : memref<!tpu.dma_semaphore, #tpu.memory_space<semaphore_mem>>)
      } else {
      }
      %add3A_63 = arith.constant 1 : i32
      %add3A_64 = arith.addi %mul3A_51, %add3A_63 : i32
      %dma_wait3A_65 = arith.constant 0 : i32
      %dma_wait3A_66 = tpu.memref_slice %arg6[%add3A_64, %dma_wait3A_65] : memref<40x128xi32, #tpu.memory_space<vmem>> -> memref<1x128xi32, #tpu.memory_space<vmem>>
      %dma_wait3A_67 = tpu.memref_squeeze %dma_wait3A_66 : memref<1x128xi32, #tpu.memory_space<vmem>> -> memref<128xi32, #tpu.memory_space<vmem>>
      %dma_wait3A_68 = arith.constant 0 : i32
      %dma_wait3A_69 = arith.constant 0 : i32
      %dma_wait3A_70 = tpu.memref_slice %arg2[%dma_wait3A_68, %dma_wait3A_69] : memref<20480x128xf32, #tpu.memory_space<hbm>> -> memref<20480x128xf32, #tpu.memory_space<hbm>>
      tpu.wait_indirect_dma semaphore(%arg11 : memref<!tpu.dma_semaphore, #tpu.memory_space<semaphore_mem>>) src(%dma_wait3A_70 : memref<20480x128xf32, #tpu.memory_space<hbm>>) dst(%arg9 : memref<128x128xf32, #tpu.memory_space<vmem>>)
      "tpu.region"() ({
        %run_scoped3A = tpu.sem_alloc : memref<!tpu.dma_semaphore, #tpu.memory_space<semaphore_mem>>
        %dma_start3A_78 = arith.constant 0 : i32
        %dma_start3A_79 = tpu.memref_slice %arg7[%add3A_64, %dma_start3A_78] : memref<40x128xi32, #tpu.memory_space<vmem>> -> memref<1x128xi32, #tpu.memory_space<vmem>>
        %dma_start3A_80 = tpu.memref_squeeze %dma_start3A_79 : memref<1x128xi32, #tpu.memory_space<vmem>> -> memref<128xi32, #tpu.memory_space<vmem>>
        %dma_start3A_81 = arith.constant 0 : i32
        %dma_start3A_82 = arith.constant 0 : i32
        %dma_start3A_83 = tpu.memref_slice %arg12[%dma_start3A_81, %dma_start3A_82] : memref<10240x128xf32, #tpu.memory_space<vmem_shared>> -> memref<10240x128xf32, #tpu.memory_space<vmem_shared>>
        tpu.enqueue_indirect_dma source(%arg9 : memref<128x128xf32, #tpu.memory_space<vmem>>) target(%dma_start3A_83 : memref<10240x128xf32, #tpu.memory_space<vmem_shared>>) offsets(%dma_start3A_80 : memref<128xi32, #tpu.memory_space<vmem>>) semaphore(%run_scoped3A : memref<!tpu.dma_semaphore, #tpu.memory_space<semaphore_mem>>) {add = true}
        %dma_wait3A_84 = arith.constant 0 : i32
        %dma_wait3A_85 = tpu.memref_slice %arg7[%add3A_64, %dma_wait3A_84] : memref<40x128xi32, #tpu.memory_space<vmem>> -> memref<1x128xi32, #tpu.memory_space<vmem>>
        %dma_wait3A_86 = tpu.memref_squeeze %dma_wait3A_85 : memref<1x128xi32, #tpu.memory_space<vmem>> -> memref<128xi32, #tpu.memory_space<vmem>>
        %dma_wait3A_87 = arith.constant 0 : i32
        %dma_wait3A_88 = arith.constant 0 : i32
        %dma_wait3A_89 = tpu.memref_slice %arg12[%dma_wait3A_87, %dma_wait3A_88] : memref<10240x128xf32, #tpu.memory_space<vmem_shared>> -> memref<10240x128xf32, #tpu.memory_space<vmem_shared>>
        tpu.wait_indirect_dma semaphore(%run_scoped3A : memref<!tpu.dma_semaphore, #tpu.memory_space<semaphore_mem>>) src(%arg9 : memref<128x128xf32, #tpu.memory_space<vmem>>) dst(%dma_wait3A_89 : memref<10240x128xf32, #tpu.memory_space<vmem_shared>>)
        tpu.yield
      }) : () -> ()
      %add3A_71 = arith.constant 2 : i32
      %add3A_72 = arith.addi %add3A_64, %add3A_71 : i32
      %lt3A_73 = arith.constant 40 : i32
      %lt3A_74 = arith.cmpi slt, %add3A_72, %lt3A_73 : i32
      %convert_element_type3A_75 = arith.extui %lt3A_74 : i1 to i32
      %cond3A_76 = arith.constant 0 : i32
      %cond3A_77 = arith.cmpi ne, %convert_element_type3A_75, %cond3A_76 : i32
      scf.if %cond3A_77 {
        %add3A_78 = arith.constant 2 : i32
        %add3A_79 = arith.addi %add3A_64, %add3A_78 : i32
        %dma_start3A_80 = arith.constant 0 : i32
        %dma_start3A_81 = tpu.memref_slice %arg6[%add3A_79, %dma_start3A_80] : memref<40x128xi32, #tpu.memory_space<vmem>> -> memref<1x128xi32, #tpu.memory_space<vmem>>
        %dma_start3A_82 = tpu.memref_squeeze %dma_start3A_81 : memref<1x128xi32, #tpu.memory_space<vmem>> -> memref<128xi32, #tpu.memory_space<vmem>>
        %dma_start3A_83 = arith.constant 0 : i32
        %dma_start3A_84 = arith.constant 0 : i32
        %dma_start3A_85 = tpu.memref_slice %arg2[%dma_start3A_83, %dma_start3A_84] : memref<20480x128xf32, #tpu.memory_space<hbm>> -> memref<20480x128xf32, #tpu.memory_space<hbm>>
        tpu.enqueue_indirect_dma source(%dma_start3A_85 : memref<20480x128xf32, #tpu.memory_space<hbm>>) target(%arg9 : memref<128x128xf32, #tpu.memory_space<vmem>>) offsets(%dma_start3A_82 : memref<128xi32, #tpu.memory_space<vmem>>) semaphore(%arg11 : memref<!tpu.dma_semaphore, #tpu.memory_space<semaphore_mem>>)
      } else {
      }
    }
    %scan3A_22 = arith.constant 20 : i32
    "tpu.region"() ({
      %run_scoped3A = tpu.sem_alloc : memref<!tpu.dma_semaphore, #tpu.memory_space<semaphore_mem>>
      %dma_start3A_49 = arith.constant 40 : i32
      %dma_start3A_50 = arith.constant 0 : i32
      %dma_start3A_51 = tpu.memref_slice %arg3[%arg0, %arg1, %dma_start3A_49, %dma_start3A_50] : memref<2x16x80x128xi32, #tpu.memory_space<hbm>> -> memref<1x1x40x128xi32, #tpu.memory_space<hbm>>
      %dma_start3A_52 = tpu.memref_squeeze %dma_start3A_51 : memref<1x1x40x128xi32, #tpu.memory_space<hbm>> -> memref<40x128xi32, #tpu.memory_space<hbm>>
      %dma_start3A_53 = arith.constant 40 : i32
      %dma_start3A_54 = arith.constant 0 : i32
      %dma_start3A_55 = tpu.memref_slice %arg3[%arg0, %arg1, %dma_start3A_53, %dma_start3A_54] : memref<2x16x80x128xi32, #tpu.memory_space<hbm>> -> memref<1x1x40x128xi32, #tpu.memory_space<hbm>>
      %dma_start3A_56 = tpu.memref_squeeze %dma_start3A_55 : memref<1x1x40x128xi32, #tpu.memory_space<hbm>> -> memref<40x128xi32, #tpu.memory_space<hbm>>
      tpu.enqueue_dma source(%dma_start3A_56 : memref<40x128xi32, #tpu.memory_space<hbm>>) target(%arg6 : memref<40x128xi32, #tpu.memory_space<vmem>>) target_semaphore(%run_scoped3A : memref<!tpu.dma_semaphore, #tpu.memory_space<semaphore_mem>>)
      %dma_wait3A = arith.constant 40 : i32
      %dma_wait3A_57 = arith.constant 0 : i32
      %dma_wait3A_58 = tpu.memref_slice %arg3[%arg0, %arg1, %dma_wait3A, %dma_wait3A_57] : memref<2x16x80x128xi32, #tpu.memory_space<hbm>> -> memref<1x1x40x128xi32, #tpu.memory_space<hbm>>
      %dma_wait3A_59 = tpu.memref_squeeze %dma_wait3A_58 : memref<1x1x40x128xi32, #tpu.memory_space<hbm>> -> memref<40x128xi32, #tpu.memory_space<hbm>>
      %dma_wait3A_60 = arith.constant 40 : i32
      %dma_wait3A_61 = arith.constant 0 : i32
      %dma_wait3A_62 = tpu.memref_slice %arg3[%arg0, %arg1, %dma_wait3A_60, %dma_wait3A_61] : memref<2x16x80x128xi32, #tpu.memory_space<hbm>> -> memref<1x1x40x128xi32, #tpu.memory_space<hbm>>
      %dma_wait3A_63 = tpu.memref_squeeze %dma_wait3A_62 : memref<1x1x40x128xi32, #tpu.memory_space<hbm>> -> memref<40x128xi32, #tpu.memory_space<hbm>>
      tpu.wait_dma2 semaphore(%run_scoped3A : memref<!tpu.dma_semaphore, #tpu.memory_space<semaphore_mem>>) src(%dma_wait3A_63 : memref<40x128xi32, #tpu.memory_space<hbm>>) dst(%arg6 : memref<40x128xi32, #tpu.memory_space<vmem>>)
      tpu.yield
    }) : () -> ()
    "tpu.region"() ({
      %run_scoped3A = tpu.sem_alloc : memref<!tpu.dma_semaphore, #tpu.memory_space<semaphore_mem>>
      %dma_start3A_49 = arith.constant 40 : i32
      %dma_start3A_50 = arith.constant 0 : i32
      %dma_start3A_51 = tpu.memref_slice %arg4[%arg1, %dma_start3A_49, %dma_start3A_50] : memref<16x80x128xi32, #tpu.memory_space<hbm>> -> memref<1x40x128xi32, #tpu.memory_space<hbm>>
      %dma_start3A_52 = tpu.memref_squeeze %dma_start3A_51 : memref<1x40x128xi32, #tpu.memory_space<hbm>> -> memref<40x128xi32, #tpu.memory_space<hbm>>
      %dma_start3A_53 = arith.constant 40 : i32
      %dma_start3A_54 = arith.constant 0 : i32
      %dma_start3A_55 = tpu.memref_slice %arg4[%arg1, %dma_start3A_53, %dma_start3A_54] : memref<16x80x128xi32, #tpu.memory_space<hbm>> -> memref<1x40x128xi32, #tpu.memory_space<hbm>>
      %dma_start3A_56 = tpu.memref_squeeze %dma_start3A_55 : memref<1x40x128xi32, #tpu.memory_space<hbm>> -> memref<40x128xi32, #tpu.memory_space<hbm>>
      tpu.enqueue_dma source(%dma_start3A_56 : memref<40x128xi32, #tpu.memory_space<hbm>>) target(%arg7 : memref<40x128xi32, #tpu.memory_space<vmem>>) target_semaphore(%run_scoped3A : memref<!tpu.dma_semaphore, #tpu.memory_space<semaphore_mem>>)
      %dma_wait3A = arith.constant 40 : i32
      %dma_wait3A_57 = arith.constant 0 : i32
      %dma_wait3A_58 = tpu.memref_slice %arg4[%arg1, %dma_wait3A, %dma_wait3A_57] : memref<16x80x128xi32, #tpu.memory_space<hbm>> -> memref<1x40x128xi32, #tpu.memory_space<hbm>>
      %dma_wait3A_59 = tpu.memref_squeeze %dma_wait3A_58 : memref<1x40x128xi32, #tpu.memory_space<hbm>> -> memref<40x128xi32, #tpu.memory_space<hbm>>
      %dma_wait3A_60 = arith.constant 40 : i32
      %dma_wait3A_61 = arith.constant 0 : i32
      %dma_wait3A_62 = tpu.memref_slice %arg4[%arg1, %dma_wait3A_60, %dma_wait3A_61] : memref<16x80x128xi32, #tpu.memory_space<hbm>> -> memref<1x40x128xi32, #tpu.memory_space<hbm>>
      %dma_wait3A_63 = tpu.memref_squeeze %dma_wait3A_62 : memref<1x40x128xi32, #tpu.memory_space<hbm>> -> memref<40x128xi32, #tpu.memory_space<hbm>>
      tpu.wait_dma2 semaphore(%run_scoped3A : memref<!tpu.dma_semaphore, #tpu.memory_space<semaphore_mem>>) src(%dma_wait3A_63 : memref<40x128xi32, #tpu.memory_space<hbm>>) dst(%arg7 : memref<40x128xi32, #tpu.memory_space<vmem>>)
      tpu.yield
    }) : () -> ()
    %dma_start3A_23 = arith.constant 0 : i32
    %dma_start3A_24 = arith.constant 0 : i32
    %dma_start3A_25 = tpu.memref_slice %arg6[%dma_start3A_23, %dma_start3A_24] : memref<40x128xi32, #tpu.memory_space<vmem>> -> memref<1x128xi32, #tpu.memory_space<vmem>>
    %dma_start3A_26 = tpu.memref_squeeze %dma_start3A_25 : memref<1x128xi32, #tpu.memory_space<vmem>> -> memref<128xi32, #tpu.memory_space<vmem>>
    %dma_start3A_27 = arith.constant 0 : i32
    %dma_start3A_28 = arith.constant 0 : i32
    %dma_start3A_29 = tpu.memref_slice %arg2[%dma_start3A_27, %dma_start3A_28] : memref<20480x128xf32, #tpu.memory_space<hbm>> -> memref<20480x128xf32, #tpu.memory_space<hbm>>
    tpu.enqueue_indirect_dma source(%dma_start3A_29 : memref<20480x128xf32, #tpu.memory_space<hbm>>) target(%arg8 : memref<128x128xf32, #tpu.memory_space<vmem>>) offsets(%dma_start3A_26 : memref<128xi32, #tpu.memory_space<vmem>>) semaphore(%arg10 : memref<!tpu.dma_semaphore, #tpu.memory_space<semaphore_mem>>)
    %dma_start3A_30 = arith.constant 1 : i32
    %dma_start3A_31 = arith.constant 0 : i32
    %dma_start3A_32 = tpu.memref_slice %arg6[%dma_start3A_30, %dma_start3A_31] : memref<40x128xi32, #tpu.memory_space<vmem>> -> memref<1x128xi32, #tpu.memory_space<vmem>>
    %dma_start3A_33 = tpu.memref_squeeze %dma_start3A_32 : memref<1x128xi32, #tpu.memory_space<vmem>> -> memref<128xi32, #tpu.memory_space<vmem>>
    %dma_start3A_34 = arith.constant 0 : i32
    %dma_start3A_35 = arith.constant 0 : i32
    %dma_start3A_36 = tpu.memref_slice %arg2[%dma_start3A_34, %dma_start3A_35] : memref<20480x128xf32, #tpu.memory_space<hbm>> -> memref<20480x128xf32, #tpu.memory_space<hbm>>
    tpu.enqueue_indirect_dma source(%dma_start3A_36 : memref<20480x128xf32, #tpu.memory_space<hbm>>) target(%arg9 : memref<128x128xf32, #tpu.memory_space<vmem>>) offsets(%dma_start3A_33 : memref<128xi32, #tpu.memory_space<vmem>>) semaphore(%arg11 : memref<!tpu.dma_semaphore, #tpu.memory_space<semaphore_mem>>)
    %scan3A_37 = arith.constant 0 : i32
    %scan3A_38 = arith.constant 0 : i32
    %scan3A_39 = arith.constant 20 : i32
    %scan3A_40 = arith.addi %scan3A_38, %scan3A_39 : i32
    %scan3A_41 = arith.constant 1 : i32
    scf.for %scan3A_49 = %scan3A_38 to %scan3A_40 step %scan3A_41  : i32 {
      %mul3A_50 = arith.constant 2 : i32
      %mul3A_51 = arith.muli %mul3A_50, %scan3A_49 : i32
      %add3A_52 = arith.constant 0 : i32
      %add3A_53 = arith.addi %mul3A_51, %add3A_52 : i32
      %dma_wait3A = arith.constant 0 : i32
      %dma_wait3A_54 = tpu.memref_slice %arg6[%add3A_53, %dma_wait3A] : memref<40x128xi32, #tpu.memory_space<vmem>> -> memref<1x128xi32, #tpu.memory_space<vmem>>
      %dma_wait3A_55 = tpu.memref_squeeze %dma_wait3A_54 : memref<1x128xi32, #tpu.memory_space<vmem>> -> memref<128xi32, #tpu.memory_space<vmem>>
      %dma_wait3A_56 = arith.constant 0 : i32
      %dma_wait3A_57 = arith.constant 0 : i32
      %dma_wait3A_58 = tpu.memref_slice %arg2[%dma_wait3A_56, %dma_wait3A_57] : memref<20480x128xf32, #tpu.memory_space<hbm>> -> memref<20480x128xf32, #tpu.memory_space<hbm>>
      tpu.wait_indirect_dma semaphore(%arg10 : memref<!tpu.dma_semaphore, #tpu.memory_space<semaphore_mem>>) src(%dma_wait3A_58 : memref<20480x128xf32, #tpu.memory_space<hbm>>) dst(%arg8 : memref<128x128xf32, #tpu.memory_space<vmem>>)
      "tpu.region"() ({
        %run_scoped3A = tpu.sem_alloc : memref<!tpu.dma_semaphore, #tpu.memory_space<semaphore_mem>>
        %dma_start3A_78 = arith.constant 0 : i32
        %dma_start3A_79 = tpu.memref_slice %arg7[%add3A_53, %dma_start3A_78] : memref<40x128xi32, #tpu.memory_space<vmem>> -> memref<1x128xi32, #tpu.memory_space<vmem>>
        %dma_start3A_80 = tpu.memref_squeeze %dma_start3A_79 : memref<1x128xi32, #tpu.memory_space<vmem>> -> memref<128xi32, #tpu.memory_space<vmem>>
        %dma_start3A_81 = arith.constant 0 : i32
        %dma_start3A_82 = arith.constant 0 : i32
        %dma_start3A_83 = tpu.memref_slice %arg12[%dma_start3A_81, %dma_start3A_82] : memref<10240x128xf32, #tpu.memory_space<vmem_shared>> -> memref<10240x128xf32, #tpu.memory_space<vmem_shared>>
        tpu.enqueue_indirect_dma source(%arg8 : memref<128x128xf32, #tpu.memory_space<vmem>>) target(%dma_start3A_83 : memref<10240x128xf32, #tpu.memory_space<vmem_shared>>) offsets(%dma_start3A_80 : memref<128xi32, #tpu.memory_space<vmem>>) semaphore(%run_scoped3A : memref<!tpu.dma_semaphore, #tpu.memory_space<semaphore_mem>>) {add = true}
        %dma_wait3A_84 = arith.constant 0 : i32
        %dma_wait3A_85 = tpu.memref_slice %arg7[%add3A_53, %dma_wait3A_84] : memref<40x128xi32, #tpu.memory_space<vmem>> -> memref<1x128xi32, #tpu.memory_space<vmem>>
        %dma_wait3A_86 = tpu.memref_squeeze %dma_wait3A_85 : memref<1x128xi32, #tpu.memory_space<vmem>> -> memref<128xi32, #tpu.memory_space<vmem>>
        %dma_wait3A_87 = arith.constant 0 : i32
        %dma_wait3A_88 = arith.constant 0 : i32
        %dma_wait3A_89 = tpu.memref_slice %arg12[%dma_wait3A_87, %dma_wait3A_88] : memref<10240x128xf32, #tpu.memory_space<vmem_shared>> -> memref<10240x128xf32, #tpu.memory_space<vmem_shared>>
        tpu.wait_indirect_dma semaphore(%run_scoped3A : memref<!tpu.dma_semaphore, #tpu.memory_space<semaphore_mem>>) src(%arg8 : memref<128x128xf32, #tpu.memory_space<vmem>>) dst(%dma_wait3A_89 : memref<10240x128xf32, #tpu.memory_space<vmem_shared>>)
        tpu.yield
      }) : () -> ()
      %add3A_59 = arith.constant 2 : i32
      %add3A_60 = arith.addi %add3A_53, %add3A_59 : i32
      %lt3A = arith.constant 40 : i32
      %lt3A_61 = arith.cmpi slt, %add3A_60, %lt3A : i32
      %convert_element_type3A = arith.extui %lt3A_61 : i1 to i32
      %cond3A = arith.constant 0 : i32
      %cond3A_62 = arith.cmpi ne, %convert_element_type3A, %cond3A : i32
      scf.if %cond3A_62 {
        %add3A_78 = arith.constant 2 : i32
        %add3A_79 = arith.addi %add3A_53, %add3A_78 : i32
        %dma_start3A_80 = arith.constant 0 : i32
        %dma_start3A_81 = tpu.memref_slice %arg6[%add3A_79, %dma_start3A_80] : memref<40x128xi32, #tpu.memory_space<vmem>> -> memref<1x128xi32, #tpu.memory_space<vmem>>
        %dma_start3A_82 = tpu.memref_squeeze %dma_start3A_81 : memref<1x128xi32, #tpu.memory_space<vmem>> -> memref<128xi32, #tpu.memory_space<vmem>>
        %dma_start3A_83 = arith.constant 0 : i32
        %dma_start3A_84 = arith.constant 0 : i32
        %dma_start3A_85 = tpu.memref_slice %arg2[%dma_start3A_83, %dma_start3A_84] : memref<20480x128xf32, #tpu.memory_space<hbm>> -> memref<20480x128xf32, #tpu.memory_space<hbm>>
        tpu.enqueue_indirect_dma source(%dma_start3A_85 : memref<20480x128xf32, #tpu.memory_space<hbm>>) target(%arg8 : memref<128x128xf32, #tpu.memory_space<vmem>>) offsets(%dma_start3A_82 : memref<128xi32, #tpu.memory_space<vmem>>) semaphore(%arg10 : memref<!tpu.dma_semaphore, #tpu.memory_space<semaphore_mem>>)
      } else {
      }
      %add3A_63 = arith.constant 1 : i32
      %add3A_64 = arith.addi %mul3A_51, %add3A_63 : i32
      %dma_wait3A_65 = arith.constant 0 : i32
      %dma_wait3A_66 = tpu.memref_slice %arg6[%add3A_64, %dma_wait3A_65] : memref<40x128xi32, #tpu.memory_space<vmem>> -> memref<1x128xi32, #tpu.memory_space<vmem>>
      %dma_wait3A_67 = tpu.memref_squeeze %dma_wait3A_66 : memref<1x128xi32, #tpu.memory_space<vmem>> -> memref<128xi32, #tpu.memory_space<vmem>>
      %dma_wait3A_68 = arith.constant 0 : i32
      %dma_wait3A_69 = arith.constant 0 : i32
      %dma_wait3A_70 = tpu.memref_slice %arg2[%dma_wait3A_68, %dma_wait3A_69] : memref<20480x128xf32, #tpu.memory_space<hbm>> -> memref<20480x128xf32, #tpu.memory_space<hbm>>
      tpu.wait_indirect_dma semaphore(%arg11 : memref<!tpu.dma_semaphore, #tpu.memory_space<semaphore_mem>>) src(%dma_wait3A_70 : memref<20480x128xf32, #tpu.memory_space<hbm>>) dst(%arg9 : memref<128x128xf32, #tpu.memory_space<vmem>>)
      "tpu.region"() ({
        %run_scoped3A = tpu.sem_alloc : memref<!tpu.dma_semaphore, #tpu.memory_space<semaphore_mem>>
        %dma_start3A_78 = arith.constant 0 : i32
        %dma_start3A_79 = tpu.memref_slice %arg7[%add3A_64, %dma_start3A_78] : memref<40x128xi32, #tpu.memory_space<vmem>> -> memref<1x128xi32, #tpu.memory_space<vmem>>
        %dma_start3A_80 = tpu.memref_squeeze %dma_start3A_79 : memref<1x128xi32, #tpu.memory_space<vmem>> -> memref<128xi32, #tpu.memory_space<vmem>>
        %dma_start3A_81 = arith.constant 0 : i32
        %dma_start3A_82 = arith.constant 0 : i32
        %dma_start3A_83 = tpu.memref_slice %arg12[%dma_start3A_81, %dma_start3A_82] : memref<10240x128xf32, #tpu.memory_space<vmem_shared>> -> memref<10240x128xf32, #tpu.memory_space<vmem_shared>>
        tpu.enqueue_indirect_dma source(%arg9 : memref<128x128xf32, #tpu.memory_space<vmem>>) target(%dma_start3A_83 : memref<10240x128xf32, #tpu.memory_space<vmem_shared>>) offsets(%dma_start3A_80 : memref<128xi32, #tpu.memory_space<vmem>>) semaphore(%run_scoped3A : memref<!tpu.dma_semaphore, #tpu.memory_space<semaphore_mem>>) {add = true}
        %dma_wait3A_84 = arith.constant 0 : i32
        %dma_wait3A_85 = tpu.memref_slice %arg7[%add3A_64, %dma_wait3A_84] : memref<40x128xi32, #tpu.memory_space<vmem>> -> memref<1x128xi32, #tpu.memory_space<vmem>>
        %dma_wait3A_86 = tpu.memref_squeeze %dma_wait3A_85 : memref<1x128xi32, #tpu.memory_space<vmem>> -> memref<128xi32, #tpu.memory_space<vmem>>
        %dma_wait3A_87 = arith.constant 0 : i32
        %dma_wait3A_88 = arith.constant 0 : i32
        %dma_wait3A_89 = tpu.memref_slice %arg12[%dma_wait3A_87, %dma_wait3A_88] : memref<10240x128xf32, #tpu.memory_space<vmem_shared>> -> memref<10240x128xf32, #tpu.memory_space<vmem_shared>>
        tpu.wait_indirect_dma semaphore(%run_scoped3A : memref<!tpu.dma_semaphore, #tpu.memory_space<semaphore_mem>>) src(%arg9 : memref<128x128xf32, #tpu.memory_space<vmem>>) dst(%dma_wait3A_89 : memref<10240x128xf32, #tpu.memory_space<vmem_shared>>)
        tpu.yield
      }) : () -> ()
      %add3A_71 = arith.constant 2 : i32
      %add3A_72 = arith.addi %add3A_64, %add3A_71 : i32
      %lt3A_73 = arith.constant 40 : i32
      %lt3A_74 = arith.cmpi slt, %add3A_72, %lt3A_73 : i32
      %convert_element_type3A_75 = arith.extui %lt3A_74 : i1 to i32
      %cond3A_76 = arith.constant 0 : i32
      %cond3A_77 = arith.cmpi ne, %convert_element_type3A_75, %cond3A_76 : i32
      scf.if %cond3A_77 {
        %add3A_78 = arith.constant 2 : i32
        %add3A_79 = arith.addi %add3A_64, %add3A_78 : i32
        %dma_start3A_80 = arith.constant 0 : i32
        %dma_start3A_81 = tpu.memref_slice %arg6[%add3A_79, %dma_start3A_80] : memref<40x128xi32, #tpu.memory_space<vmem>> -> memref<1x128xi32, #tpu.memory_space<vmem>>
        %dma_start3A_82 = tpu.memref_squeeze %dma_start3A_81 : memref<1x128xi32, #tpu.memory_space<vmem>> -> memref<128xi32, #tpu.memory_space<vmem>>
        %dma_start3A_83 = arith.constant 0 : i32
        %dma_start3A_84 = arith.constant 0 : i32
        %dma_start3A_85 = tpu.memref_slice %arg2[%dma_start3A_83, %dma_start3A_84] : memref<20480x128xf32, #tpu.memory_space<hbm>> -> memref<20480x128xf32, #tpu.memory_space<hbm>>
        tpu.enqueue_indirect_dma source(%dma_start3A_85 : memref<20480x128xf32, #tpu.memory_space<hbm>>) target(%arg9 : memref<128x128xf32, #tpu.memory_space<vmem>>) offsets(%dma_start3A_82 : memref<128xi32, #tpu.memory_space<vmem>>) semaphore(%arg11 : memref<!tpu.dma_semaphore, #tpu.memory_space<semaphore_mem>>)
      } else {
      }
    }
    %scan3A_42 = arith.constant 20 : i32
    %barrier3A_43 = arith.constant 0 : index
    tpu.barrier barrier_id(%barrier3A_43)
    %mul3A_44 = arith.constant 640 : i32
    %mul3A_45 = arith.muli %arg1, %mul3A_44 : i32
    %mul3A_46 = arith.constant 640 : i32
    %mul3A_47 = arith.muli %arg1, %mul3A_46 : i32
    %add3A_48 = arith.addi %mul3A_0, %mul3A_47 : i32
    "tpu.region"() ({
      %run_scoped3A = tpu.sem_alloc : memref<!tpu.dma_semaphore, #tpu.memory_space<semaphore_mem>>
      %dma_start3A_49 = arith.constant 0 : i32
      %dma_start3A_50 = tpu.memref_slice %arg5[%add3A_48, %dma_start3A_49] : memref<20480x128xf32, #tpu.memory_space<hbm>> -> memref<640x128xf32, #tpu.memory_space<hbm>>
      %dma_start3A_51 = arith.constant 0 : i32
      %dma_start3A_52 = tpu.memref_slice %arg12[%mul3A_45, %dma_start3A_51] : memref<10240x128xf32, #tpu.memory_space<vmem_shared>> -> memref<640x128xf32, #tpu.memory_space<vmem_shared>>
      tpu.enqueue_dma source(%dma_start3A_52 : memref<640x128xf32, #tpu.memory_space<vmem_shared>>) target(%dma_start3A_50 : memref<640x128xf32, #tpu.memory_space<hbm>>) target_semaphore(%run_scoped3A : memref<!tpu.dma_semaphore, #tpu.memory_space<semaphore_mem>>)
      %dma_wait3A = arith.constant 0 : i32
      %dma_wait3A_53 = tpu.memref_slice %arg5[%add3A_48, %dma_wait3A] : memref<20480x128xf32, #tpu.memory_space<hbm>> -> memref<640x128xf32, #tpu.memory_space<hbm>>
      %dma_wait3A_54 = arith.constant 0 : i32
      %dma_wait3A_55 = tpu.memref_slice %arg12[%mul3A_45, %dma_wait3A_54] : memref<10240x128xf32, #tpu.memory_space<vmem_shared>> -> memref<640x128xf32, #tpu.memory_space<vmem_shared>>
      tpu.wait_dma2 semaphore(%run_scoped3A : memref<!tpu.dma_semaphore, #tpu.memory_space<semaphore_mem>>) src(%dma_wait3A_55 : memref<640x128xf32, #tpu.memory_space<vmem_shared>>) dst(%dma_wait3A_53 : memref<640x128xf32, #tpu.memory_space<hbm>>)
      tpu.yield
    }) : () -> ()
    return
  }
}

#map = affine_map<(d0, d1) -> (0, 0, 0)>
#map1 = affine_map<(d0, d1) -> (0, 0)>
module attributes {stable_mosaic.version = 14 : i64} {
  func.func @_deg_body(%arg0: i32, %arg1: i32, %arg2: memref<32x40x128xi32, #tpu.memory_space<hbm>>, %arg3: memref<10240x128xf32, #tpu.memory_space<hbm>>, %arg4: memref<128x128xf32, #tpu.memory_space<hbm>>, %arg5: memref<2x10240x128xf32, #tpu.memory_space<hbm>>, %arg6: memref<40x128xi32, #tpu.memory_space<vmem>>, %arg7: memref<128x128xf32, #tpu.memory_space<vmem>>, %arg8: memref<10240x128xf32, #tpu.memory_space<vmem_shared>>) attributes {dimension_semantics = [#tpu.dimension_semantics<core_parallel>, #tpu.dimension_semantics<subcore_parallel>], iteration_bounds = array<i64: 2, 16>, scalar_prefetch = 0 : i64, scratch_operands = 3 : i64, tpu.core_type = #tpu.core_type<sc_vector_subcore>, window_params = [{transform_indices = #map}, {transform_indices = #map1}, {transform_indices = #map1}, {transform_indices = #map}]} {
    %mul3A = arith.constant 640 : i32
    %mul3A_0 = arith.muli %arg1, %mul3A : i32
    %mul3A_1 = arith.constant 640 : i32
    %mul3A_2 = arith.muli %arg1, %mul3A_1 : i32
    "tpu.region"() ({
      %run_scoped3A = tpu.sem_alloc : memref<!tpu.dma_semaphore, #tpu.memory_space<semaphore_mem>>
      %dma_start3A = arith.constant 0 : i32
      %dma_start3A_15 = tpu.memref_slice %arg8[%mul3A_2, %dma_start3A] : memref<10240x128xf32, #tpu.memory_space<vmem_shared>> -> memref<640x128xf32, #tpu.memory_space<vmem_shared>>
      %dma_start3A_16 = arith.constant 0 : i32
      %dma_start3A_17 = tpu.memref_slice %arg3[%mul3A_0, %dma_start3A_16] : memref<10240x128xf32, #tpu.memory_space<hbm>> -> memref<640x128xf32, #tpu.memory_space<hbm>>
      tpu.enqueue_dma source(%dma_start3A_17 : memref<640x128xf32, #tpu.memory_space<hbm>>) target(%dma_start3A_15 : memref<640x128xf32, #tpu.memory_space<vmem_shared>>) target_semaphore(%run_scoped3A : memref<!tpu.dma_semaphore, #tpu.memory_space<semaphore_mem>>)
      %dma_wait3A = arith.constant 0 : i32
      %dma_wait3A_18 = tpu.memref_slice %arg8[%mul3A_2, %dma_wait3A] : memref<10240x128xf32, #tpu.memory_space<vmem_shared>> -> memref<640x128xf32, #tpu.memory_space<vmem_shared>>
      %dma_wait3A_19 = arith.constant 0 : i32
      %dma_wait3A_20 = tpu.memref_slice %arg3[%mul3A_0, %dma_wait3A_19] : memref<10240x128xf32, #tpu.memory_space<hbm>> -> memref<640x128xf32, #tpu.memory_space<hbm>>
      tpu.wait_dma2 semaphore(%run_scoped3A : memref<!tpu.dma_semaphore, #tpu.memory_space<semaphore_mem>>) src(%dma_wait3A_20 : memref<640x128xf32, #tpu.memory_space<hbm>>) dst(%dma_wait3A_18 : memref<640x128xf32, #tpu.memory_space<vmem_shared>>)
      tpu.yield
    }) : () -> ()
    "tpu.region"() ({
      %run_scoped3A = tpu.sem_alloc : memref<!tpu.dma_semaphore, #tpu.memory_space<semaphore_mem>>
      tpu.enqueue_dma source(%arg4 : memref<128x128xf32, #tpu.memory_space<hbm>>) target(%arg7 : memref<128x128xf32, #tpu.memory_space<vmem>>) target_semaphore(%run_scoped3A : memref<!tpu.dma_semaphore, #tpu.memory_space<semaphore_mem>>)
      tpu.wait_dma2 semaphore(%run_scoped3A : memref<!tpu.dma_semaphore, #tpu.memory_space<semaphore_mem>>) src(%arg4 : memref<128x128xf32, #tpu.memory_space<hbm>>) dst(%arg7 : memref<128x128xf32, #tpu.memory_space<vmem>>)
      tpu.yield
    }) : () -> ()
    %mul3A_3 = arith.constant 16 : i32
    %mul3A_4 = arith.muli %arg0, %mul3A_3 : i32
    %add3A = arith.addi %mul3A_4, %arg1 : i32
    "tpu.region"() ({
      %run_scoped3A = tpu.sem_alloc : memref<!tpu.dma_semaphore, #tpu.memory_space<semaphore_mem>>
      %dma_start3A = arith.constant 0 : i32
      %dma_start3A_15 = arith.constant 0 : i32
      %dma_start3A_16 = tpu.memref_slice %arg2[%add3A, %dma_start3A, %dma_start3A_15] : memref<32x40x128xi32, #tpu.memory_space<hbm>> -> memref<1x40x128xi32, #tpu.memory_space<hbm>>
      %dma_start3A_17 = tpu.memref_squeeze %dma_start3A_16 : memref<1x40x128xi32, #tpu.memory_space<hbm>> -> memref<40x128xi32, #tpu.memory_space<hbm>>
      %dma_start3A_18 = arith.constant 0 : i32
      %dma_start3A_19 = arith.constant 0 : i32
      %dma_start3A_20 = tpu.memref_slice %arg2[%add3A, %dma_start3A_18, %dma_start3A_19] : memref<32x40x128xi32, #tpu.memory_space<hbm>> -> memref<1x40x128xi32, #tpu.memory_space<hbm>>
      %dma_start3A_21 = tpu.memref_squeeze %dma_start3A_20 : memref<1x40x128xi32, #tpu.memory_space<hbm>> -> memref<40x128xi32, #tpu.memory_space<hbm>>
      tpu.enqueue_dma source(%dma_start3A_21 : memref<40x128xi32, #tpu.memory_space<hbm>>) target(%arg6 : memref<40x128xi32, #tpu.memory_space<vmem>>) target_semaphore(%run_scoped3A : memref<!tpu.dma_semaphore, #tpu.memory_space<semaphore_mem>>)
      %dma_wait3A = arith.constant 0 : i32
      %dma_wait3A_22 = arith.constant 0 : i32
      %dma_wait3A_23 = tpu.memref_slice %arg2[%add3A, %dma_wait3A, %dma_wait3A_22] : memref<32x40x128xi32, #tpu.memory_space<hbm>> -> memref<1x40x128xi32, #tpu.memory_space<hbm>>
      %dma_wait3A_24 = tpu.memref_squeeze %dma_wait3A_23 : memref<1x40x128xi32, #tpu.memory_space<hbm>> -> memref<40x128xi32, #tpu.memory_space<hbm>>
      %dma_wait3A_25 = arith.constant 0 : i32
      %dma_wait3A_26 = arith.constant 0 : i32
      %dma_wait3A_27 = tpu.memref_slice %arg2[%add3A, %dma_wait3A_25, %dma_wait3A_26] : memref<32x40x128xi32, #tpu.memory_space<hbm>> -> memref<1x40x128xi32, #tpu.memory_space<hbm>>
      %dma_wait3A_28 = tpu.memref_squeeze %dma_wait3A_27 : memref<1x40x128xi32, #tpu.memory_space<hbm>> -> memref<40x128xi32, #tpu.memory_space<hbm>>
      tpu.wait_dma2 semaphore(%run_scoped3A : memref<!tpu.dma_semaphore, #tpu.memory_space<semaphore_mem>>) src(%dma_wait3A_28 : memref<40x128xi32, #tpu.memory_space<hbm>>) dst(%arg6 : memref<40x128xi32, #tpu.memory_space<vmem>>)
      tpu.yield
    }) : () -> ()
    %barrier3A = arith.constant 0 : index
    tpu.barrier barrier_id(%barrier3A)
    %scan3A = arith.constant 0 : i32
    %scan3A_5 = arith.constant 0 : i32
    %scan3A_6 = arith.constant 40 : i32
    %scan3A_7 = arith.addi %scan3A_5, %scan3A_6 : i32
    %scan3A_8 = arith.constant 1 : i32
    scf.for %scan3A_15 = %scan3A_5 to %scan3A_7 step %scan3A_8  : i32 {
      "tpu.region"() ({
        %run_scoped3A = tpu.sem_alloc : memref<!tpu.dma_semaphore, #tpu.memory_space<semaphore_mem>>
        %dma_start3A = arith.constant 0 : i32
        %dma_start3A_16 = tpu.memref_slice %arg6[%scan3A_15, %dma_start3A] : memref<40x128xi32, #tpu.memory_space<vmem>> -> memref<1x128xi32, #tpu.memory_space<vmem>>
        %dma_start3A_17 = tpu.memref_squeeze %dma_start3A_16 : memref<1x128xi32, #tpu.memory_space<vmem>> -> memref<128xi32, #tpu.memory_space<vmem>>
        %dma_start3A_18 = arith.constant 0 : i32
        %dma_start3A_19 = arith.constant 0 : i32
        %dma_start3A_20 = tpu.memref_slice %arg8[%dma_start3A_18, %dma_start3A_19] : memref<10240x128xf32, #tpu.memory_space<vmem_shared>> -> memref<10240x128xf32, #tpu.memory_space<vmem_shared>>
        tpu.enqueue_indirect_dma source(%arg7 : memref<128x128xf32, #tpu.memory_space<vmem>>) target(%dma_start3A_20 : memref<10240x128xf32, #tpu.memory_space<vmem_shared>>) offsets(%dma_start3A_17 : memref<128xi32, #tpu.memory_space<vmem>>) semaphore(%run_scoped3A : memref<!tpu.dma_semaphore, #tpu.memory_space<semaphore_mem>>) {add = true}
        %dma_wait3A = arith.constant 0 : i32
        %dma_wait3A_21 = tpu.memref_slice %arg6[%scan3A_15, %dma_wait3A] : memref<40x128xi32, #tpu.memory_space<vmem>> -> memref<1x128xi32, #tpu.memory_space<vmem>>
        %dma_wait3A_22 = tpu.memref_squeeze %dma_wait3A_21 : memref<1x128xi32, #tpu.memory_space<vmem>> -> memref<128xi32, #tpu.memory_space<vmem>>
        %dma_wait3A_23 = arith.constant 0 : i32
        %dma_wait3A_24 = arith.constant 0 : i32
        %dma_wait3A_25 = tpu.memref_slice %arg8[%dma_wait3A_23, %dma_wait3A_24] : memref<10240x128xf32, #tpu.memory_space<vmem_shared>> -> memref<10240x128xf32, #tpu.memory_space<vmem_shared>>
        tpu.wait_indirect_dma semaphore(%run_scoped3A : memref<!tpu.dma_semaphore, #tpu.memory_space<semaphore_mem>>) src(%arg7 : memref<128x128xf32, #tpu.memory_space<vmem>>) dst(%dma_wait3A_25 : memref<10240x128xf32, #tpu.memory_space<vmem_shared>>)
        tpu.yield
      }) : () -> ()
    }
    %scan3A_9 = arith.constant 40 : i32
    %barrier3A_10 = arith.constant 0 : index
    tpu.barrier barrier_id(%barrier3A_10)
    %mul3A_11 = arith.constant 640 : i32
    %mul3A_12 = arith.muli %arg1, %mul3A_11 : i32
    %mul3A_13 = arith.constant 640 : i32
    %mul3A_14 = arith.muli %arg1, %mul3A_13 : i32
    "tpu.region"() ({
      %run_scoped3A = tpu.sem_alloc : memref<!tpu.dma_semaphore, #tpu.memory_space<semaphore_mem>>
      %dma_start3A = arith.constant 0 : i32
      %dma_start3A_15 = tpu.memref_slice %arg5[%arg0, %mul3A_14, %dma_start3A] : memref<2x10240x128xf32, #tpu.memory_space<hbm>> -> memref<1x640x128xf32, #tpu.memory_space<hbm>>
      %dma_start3A_16 = tpu.memref_squeeze %dma_start3A_15 : memref<1x640x128xf32, #tpu.memory_space<hbm>> -> memref<640x128xf32, #tpu.memory_space<hbm>>
      %dma_start3A_17 = arith.constant 0 : i32
      %dma_start3A_18 = tpu.memref_slice %arg8[%mul3A_12, %dma_start3A_17] : memref<10240x128xf32, #tpu.memory_space<vmem_shared>> -> memref<640x128xf32, #tpu.memory_space<vmem_shared>>
      tpu.enqueue_dma source(%dma_start3A_18 : memref<640x128xf32, #tpu.memory_space<vmem_shared>>) target(%dma_start3A_16 : memref<640x128xf32, #tpu.memory_space<hbm>>) target_semaphore(%run_scoped3A : memref<!tpu.dma_semaphore, #tpu.memory_space<semaphore_mem>>)
      %dma_wait3A = arith.constant 0 : i32
      %dma_wait3A_19 = tpu.memref_slice %arg5[%arg0, %mul3A_14, %dma_wait3A] : memref<2x10240x128xf32, #tpu.memory_space<hbm>> -> memref<1x640x128xf32, #tpu.memory_space<hbm>>
      %dma_wait3A_20 = tpu.memref_squeeze %dma_wait3A_19 : memref<1x640x128xf32, #tpu.memory_space<hbm>> -> memref<640x128xf32, #tpu.memory_space<hbm>>
      %dma_wait3A_21 = arith.constant 0 : i32
      %dma_wait3A_22 = tpu.memref_slice %arg8[%mul3A_12, %dma_wait3A_21] : memref<10240x128xf32, #tpu.memory_space<vmem_shared>> -> memref<640x128xf32, #tpu.memory_space<vmem_shared>>
      tpu.wait_dma2 semaphore(%run_scoped3A : memref<!tpu.dma_semaphore, #tpu.memory_space<semaphore_mem>>) src(%dma_wait3A_22 : memref<640x128xf32, #tpu.memory_space<vmem_shared>>) dst(%dma_wait3A_20 : memref<640x128xf32, #tpu.memory_space<hbm>>)
      tpu.yield
    }) : () -> ()
    return
  }
}

#map = affine_map<(d0, d1) -> (0, 0)>
#map1 = affine_map<(d0, d1) -> (0, 0, 0, 0)>
#map2 = affine_map<(d0, d1) -> (0, 0, 0)>
module attributes {stable_mosaic.version = 14 : i64} {
  func.func @_scatter_body(%arg0: i32, %arg1: i32, %arg2: memref<20480x128xf32, #tpu.memory_space<hbm>>, %arg3: memref<2x16x80x128xi32, #tpu.memory_space<hbm>>, %arg4: memref<16x80x128xi32, #tpu.memory_space<hbm>>, %arg5: memref<20480x128xf32, #tpu.memory_space<hbm>>, %arg6: memref<40x128xi32, #tpu.memory_space<vmem>>, %arg7: memref<40x128xi32, #tpu.memory_space<vmem>>, %arg8: memref<128x128xf32, #tpu.memory_space<vmem>>, %arg9: memref<128x128xf32, #tpu.memory_space<vmem>>, %arg10: memref<!tpu.dma_semaphore, #tpu.memory_space<semaphore_mem>>, %arg11: memref<!tpu.dma_semaphore, #tpu.memory_space<semaphore_mem>>, %arg12: memref<10240x128xf32, #tpu.memory_space<vmem_shared>>) attributes {dimension_semantics = [#tpu.dimension_semantics<core_parallel>, #tpu.dimension_semantics<subcore_parallel>], iteration_bounds = array<i64: 2, 16>, scalar_prefetch = 0 : i64, scratch_operands = 7 : i64, tpu.core_type = #tpu.core_type<sc_vector_subcore>, window_params = [{transform_indices = #map}, {transform_indices = #map1}, {transform_indices = #map2}, {transform_indices = #map}]} {
    %mul3A = arith.constant 10240 : i32
    %mul3A_0 = arith.muli %arg0, %mul3A : i32
    %mul3A_1 = arith.constant 640 : i32
    %mul3A_2 = arith.muli %arg1, %mul3A_1 : i32
    %add3A = arith.addi %mul3A_0, %mul3A_2 : i32
    %mul3A_3 = arith.constant 640 : i32
    %mul3A_4 = arith.muli %arg1, %mul3A_3 : i32
    "tpu.region"() ({
      %run_scoped3A = tpu.sem_alloc : memref<!tpu.dma_semaphore, #tpu.memory_space<semaphore_mem>>
      %dma_start3A_49 = arith.constant 0 : i32
      %dma_start3A_50 = tpu.memref_slice %arg12[%mul3A_4, %dma_start3A_49] : memref<10240x128xf32, #tpu.memory_space<vmem_shared>> -> memref<640x128xf32, #tpu.memory_space<vmem_shared>>
      %dma_start3A_51 = arith.constant 0 : i32
      %dma_start3A_52 = tpu.memref_slice %arg2[%add3A, %dma_start3A_51] : memref<20480x128xf32, #tpu.memory_space<hbm>> -> memref<640x128xf32, #tpu.memory_space<hbm>>
      tpu.enqueue_dma source(%dma_start3A_52 : memref<640x128xf32, #tpu.memory_space<hbm>>) target(%dma_start3A_50 : memref<640x128xf32, #tpu.memory_space<vmem_shared>>) target_semaphore(%run_scoped3A : memref<!tpu.dma_semaphore, #tpu.memory_space<semaphore_mem>>)
      %dma_wait3A = arith.constant 0 : i32
      %dma_wait3A_53 = tpu.memref_slice %arg12[%mul3A_4, %dma_wait3A] : memref<10240x128xf32, #tpu.memory_space<vmem_shared>> -> memref<640x128xf32, #tpu.memory_space<vmem_shared>>
      %dma_wait3A_54 = arith.constant 0 : i32
      %dma_wait3A_55 = tpu.memref_slice %arg2[%add3A, %dma_wait3A_54] : memref<20480x128xf32, #tpu.memory_space<hbm>> -> memref<640x128xf32, #tpu.memory_space<hbm>>
      tpu.wait_dma2 semaphore(%run_scoped3A : memref<!tpu.dma_semaphore, #tpu.memory_space<semaphore_mem>>) src(%dma_wait3A_55 : memref<640x128xf32, #tpu.memory_space<hbm>>) dst(%dma_wait3A_53 : memref<640x128xf32, #tpu.memory_space<vmem_shared>>)
      tpu.yield
    }) : () -> ()
    %barrier3A = arith.constant 0 : index
    tpu.barrier barrier_id(%barrier3A)
    "tpu.region"() ({
      %run_scoped3A = tpu.sem_alloc : memref<!tpu.dma_semaphore, #tpu.memory_space<semaphore_mem>>
      %dma_start3A_49 = arith.constant 0 : i32
      %dma_start3A_50 = arith.constant 0 : i32
      %dma_start3A_51 = tpu.memref_slice %arg3[%arg0, %arg1, %dma_start3A_49, %dma_start3A_50] : memref<2x16x80x128xi32, #tpu.memory_space<hbm>> -> memref<1x1x40x128xi32, #tpu.memory_space<hbm>>
      %dma_start3A_52 = tpu.memref_squeeze %dma_start3A_51 : memref<1x1x40x128xi32, #tpu.memory_space<hbm>> -> memref<40x128xi32, #tpu.memory_space<hbm>>
      %dma_start3A_53 = arith.constant 0 : i32
      %dma_start3A_54 = arith.constant 0 : i32
      %dma_start3A_55 = tpu.memref_slice %arg3[%arg0, %arg1, %dma_start3A_53, %dma_start3A_54] : memref<2x16x80x128xi32, #tpu.memory_space<hbm>> -> memref<1x1x40x128xi32, #tpu.memory_space<hbm>>
      %dma_start3A_56 = tpu.memref_squeeze %dma_start3A_55 : memref<1x1x40x128xi32, #tpu.memory_space<hbm>> -> memref<40x128xi32, #tpu.memory_space<hbm>>
      tpu.enqueue_dma source(%dma_start3A_56 : memref<40x128xi32, #tpu.memory_space<hbm>>) target(%arg6 : memref<40x128xi32, #tpu.memory_space<vmem>>) target_semaphore(%run_scoped3A : memref<!tpu.dma_semaphore, #tpu.memory_space<semaphore_mem>>)
      %dma_wait3A = arith.constant 0 : i32
      %dma_wait3A_57 = arith.constant 0 : i32
      %dma_wait3A_58 = tpu.memref_slice %arg3[%arg0, %arg1, %dma_wait3A, %dma_wait3A_57] : memref<2x16x80x128xi32, #tpu.memory_space<hbm>> -> memref<1x1x40x128xi32, #tpu.memory_space<hbm>>
      %dma_wait3A_59 = tpu.memref_squeeze %dma_wait3A_58 : memref<1x1x40x128xi32, #tpu.memory_space<hbm>> -> memref<40x128xi32, #tpu.memory_space<hbm>>
      %dma_wait3A_60 = arith.constant 0 : i32
      %dma_wait3A_61 = arith.constant 0 : i32
      %dma_wait3A_62 = tpu.memref_slice %arg3[%arg0, %arg1, %dma_wait3A_60, %dma_wait3A_61] : memref<2x16x80x128xi32, #tpu.memory_space<hbm>> -> memref<1x1x40x128xi32, #tpu.memory_space<hbm>>
      %dma_wait3A_63 = tpu.memref_squeeze %dma_wait3A_62 : memref<1x1x40x128xi32, #tpu.memory_space<hbm>> -> memref<40x128xi32, #tpu.memory_space<hbm>>
      tpu.wait_dma2 semaphore(%run_scoped3A : memref<!tpu.dma_semaphore, #tpu.memory_space<semaphore_mem>>) src(%dma_wait3A_63 : memref<40x128xi32, #tpu.memory_space<hbm>>) dst(%arg6 : memref<40x128xi32, #tpu.memory_space<vmem>>)
      tpu.yield
    }) : () -> ()
    "tpu.region"() ({
      %run_scoped3A = tpu.sem_alloc : memref<!tpu.dma_semaphore, #tpu.memory_space<semaphore_mem>>
      %dma_start3A_49 = arith.constant 0 : i32
      %dma_start3A_50 = arith.constant 0 : i32
      %dma_start3A_51 = tpu.memref_slice %arg4[%arg1, %dma_start3A_49, %dma_start3A_50] : memref<16x80x128xi32, #tpu.memory_space<hbm>> -> memref<1x40x128xi32, #tpu.memory_space<hbm>>
      %dma_start3A_52 = tpu.memref_squeeze %dma_start3A_51 : memref<1x40x128xi32, #tpu.memory_space<hbm>> -> memref<40x128xi32, #tpu.memory_space<hbm>>
      %dma_start3A_53 = arith.constant 0 : i32
      %dma_start3A_54 = arith.constant 0 : i32
      %dma_start3A_55 = tpu.memref_slice %arg4[%arg1, %dma_start3A_53, %dma_start3A_54] : memref<16x80x128xi32, #tpu.memory_space<hbm>> -> memref<1x40x128xi32, #tpu.memory_space<hbm>>
      %dma_start3A_56 = tpu.memref_squeeze %dma_start3A_55 : memref<1x40x128xi32, #tpu.memory_space<hbm>> -> memref<40x128xi32, #tpu.memory_space<hbm>>
      tpu.enqueue_dma source(%dma_start3A_56 : memref<40x128xi32, #tpu.memory_space<hbm>>) target(%arg7 : memref<40x128xi32, #tpu.memory_space<vmem>>) target_semaphore(%run_scoped3A : memref<!tpu.dma_semaphore, #tpu.memory_space<semaphore_mem>>)
      %dma_wait3A = arith.constant 0 : i32
      %dma_wait3A_57 = arith.constant 0 : i32
      %dma_wait3A_58 = tpu.memref_slice %arg4[%arg1, %dma_wait3A, %dma_wait3A_57] : memref<16x80x128xi32, #tpu.memory_space<hbm>> -> memref<1x40x128xi32, #tpu.memory_space<hbm>>
      %dma_wait3A_59 = tpu.memref_squeeze %dma_wait3A_58 : memref<1x40x128xi32, #tpu.memory_space<hbm>> -> memref<40x128xi32, #tpu.memory_space<hbm>>
      %dma_wait3A_60 = arith.constant 0 : i32
      %dma_wait3A_61 = arith.constant 0 : i32
      %dma_wait3A_62 = tpu.memref_slice %arg4[%arg1, %dma_wait3A_60, %dma_wait3A_61] : memref<16x80x128xi32, #tpu.memory_space<hbm>> -> memref<1x40x128xi32, #tpu.memory_space<hbm>>
      %dma_wait3A_63 = tpu.memref_squeeze %dma_wait3A_62 : memref<1x40x128xi32, #tpu.memory_space<hbm>> -> memref<40x128xi32, #tpu.memory_space<hbm>>
      tpu.wait_dma2 semaphore(%run_scoped3A : memref<!tpu.dma_semaphore, #tpu.memory_space<semaphore_mem>>) src(%dma_wait3A_63 : memref<40x128xi32, #tpu.memory_space<hbm>>) dst(%arg7 : memref<40x128xi32, #tpu.memory_space<vmem>>)
      tpu.yield
    }) : () -> ()
    %dma_start3A = arith.constant 0 : i32
    %dma_start3A_5 = arith.constant 0 : i32
    %dma_start3A_6 = tpu.memref_slice %arg6[%dma_start3A, %dma_start3A_5] : memref<40x128xi32, #tpu.memory_space<vmem>> -> memref<1x128xi32, #tpu.memory_space<vmem>>
    %dma_start3A_7 = tpu.memref_squeeze %dma_start3A_6 : memref<1x128xi32, #tpu.memory_space<vmem>> -> memref<128xi32, #tpu.memory_space<vmem>>
    %dma_start3A_8 = arith.constant 0 : i32
    %dma_start3A_9 = arith.constant 0 : i32
    %dma_start3A_10 = tpu.memref_slice %arg2[%dma_start3A_8, %dma_start3A_9] : memref<20480x128xf32, #tpu.memory_space<hbm>> -> memref<20480x128xf32, #tpu.memory_space<hbm>>
    tpu.enqueue_indirect_dma source(%dma_start3A_10 : memref<20480x128xf32, #tpu.memory_space<hbm>>) target(%arg8 : memref<128x128xf32, #tpu.memory_space<vmem>>) offsets(%dma_start3A_7 : memref<128xi32, #tpu.memory_space<vmem>>) semaphore(%arg10 : memref<!tpu.dma_semaphore, #tpu.memory_space<semaphore_mem>>)
    %dma_start3A_11 = arith.constant 1 : i32
    %dma_start3A_12 = arith.constant 0 : i32
    %dma_start3A_13 = tpu.memref_slice %arg6[%dma_start3A_11, %dma_start3A_12] : memref<40x128xi32, #tpu.memory_space<vmem>> -> memref<1x128xi32, #tpu.memory_space<vmem>>
    %dma_start3A_14 = tpu.memref_squeeze %dma_start3A_13 : memref<1x128xi32, #tpu.memory_space<vmem>> -> memref<128xi32, #tpu.memory_space<vmem>>
    %dma_start3A_15 = arith.constant 0 : i32
    %dma_start3A_16 = arith.constant 0 : i32
    %dma_start3A_17 = tpu.memref_slice %arg2[%dma_start3A_15, %dma_start3A_16] : memref<20480x128xf32, #tpu.memory_space<hbm>> -> memref<20480x128xf32, #tpu.memory_space<hbm>>
    tpu.enqueue_indirect_dma source(%dma_start3A_17 : memref<20480x128xf32, #tpu.memory_space<hbm>>) target(%arg9 : memref<128x128xf32, #tpu.memory_space<vmem>>) offsets(%dma_start3A_14 : memref<128xi32, #tpu.memory_space<vmem>>) semaphore(%arg11 : memref<!tpu.dma_semaphore, #tpu.memory_space<semaphore_mem>>)
    %scan3A = arith.constant 0 : i32
    %scan3A_18 = arith.constant 0 : i32
    %scan3A_19 = arith.constant 20 : i32
    %scan3A_20 = arith.addi %scan3A_18, %scan3A_19 : i32
    %scan3A_21 = arith.constant 1 : i32
    scf.for %scan3A_49 = %scan3A_18 to %scan3A_20 step %scan3A_21  : i32 {
      %mul3A_50 = arith.constant 2 : i32
      %mul3A_51 = arith.muli %mul3A_50, %scan3A_49 : i32
      %add3A_52 = arith.constant 0 : i32
      %add3A_53 = arith.addi %mul3A_51, %add3A_52 : i32
      %dma_wait3A = arith.constant 0 : i32
      %dma_wait3A_54 = tpu.memref_slice %arg6[%add3A_53, %dma_wait3A] : memref<40x128xi32, #tpu.memory_space<vmem>> -> memref<1x128xi32, #tpu.memory_space<vmem>>
      %dma_wait3A_55 = tpu.memref_squeeze %dma_wait3A_54 : memref<1x128xi32, #tpu.memory_space<vmem>> -> memref<128xi32, #tpu.memory_space<vmem>>
      %dma_wait3A_56 = arith.constant 0 : i32
      %dma_wait3A_57 = arith.constant 0 : i32
      %dma_wait3A_58 = tpu.memref_slice %arg2[%dma_wait3A_56, %dma_wait3A_57] : memref<20480x128xf32, #tpu.memory_space<hbm>> -> memref<20480x128xf32, #tpu.memory_space<hbm>>
      tpu.wait_indirect_dma semaphore(%arg10 : memref<!tpu.dma_semaphore, #tpu.memory_space<semaphore_mem>>) src(%dma_wait3A_58 : memref<20480x128xf32, #tpu.memory_space<hbm>>) dst(%arg8 : memref<128x128xf32, #tpu.memory_space<vmem>>)
      "tpu.region"() ({
        %run_scoped3A = tpu.sem_alloc : memref<!tpu.dma_semaphore, #tpu.memory_space<semaphore_mem>>
        %dma_start3A_78 = arith.constant 0 : i32
        %dma_start3A_79 = tpu.memref_slice %arg7[%add3A_53, %dma_start3A_78] : memref<40x128xi32, #tpu.memory_space<vmem>> -> memref<1x128xi32, #tpu.memory_space<vmem>>
        %dma_start3A_80 = tpu.memref_squeeze %dma_start3A_79 : memref<1x128xi32, #tpu.memory_space<vmem>> -> memref<128xi32, #tpu.memory_space<vmem>>
        %dma_start3A_81 = arith.constant 0 : i32
        %dma_start3A_82 = arith.constant 0 : i32
        %dma_start3A_83 = tpu.memref_slice %arg12[%dma_start3A_81, %dma_start3A_82] : memref<10240x128xf32, #tpu.memory_space<vmem_shared>> -> memref<10240x128xf32, #tpu.memory_space<vmem_shared>>
        tpu.enqueue_indirect_dma source(%arg8 : memref<128x128xf32, #tpu.memory_space<vmem>>) target(%dma_start3A_83 : memref<10240x128xf32, #tpu.memory_space<vmem_shared>>) offsets(%dma_start3A_80 : memref<128xi32, #tpu.memory_space<vmem>>) semaphore(%run_scoped3A : memref<!tpu.dma_semaphore, #tpu.memory_space<semaphore_mem>>) {add = true}
        %dma_wait3A_84 = arith.constant 0 : i32
        %dma_wait3A_85 = tpu.memref_slice %arg7[%add3A_53, %dma_wait3A_84] : memref<40x128xi32, #tpu.memory_space<vmem>> -> memref<1x128xi32, #tpu.memory_space<vmem>>
        %dma_wait3A_86 = tpu.memref_squeeze %dma_wait3A_85 : memref<1x128xi32, #tpu.memory_space<vmem>> -> memref<128xi32, #tpu.memory_space<vmem>>
        %dma_wait3A_87 = arith.constant 0 : i32
        %dma_wait3A_88 = arith.constant 0 : i32
        %dma_wait3A_89 = tpu.memref_slice %arg12[%dma_wait3A_87, %dma_wait3A_88] : memref<10240x128xf32, #tpu.memory_space<vmem_shared>> -> memref<10240x128xf32, #tpu.memory_space<vmem_shared>>
        tpu.wait_indirect_dma semaphore(%run_scoped3A : memref<!tpu.dma_semaphore, #tpu.memory_space<semaphore_mem>>) src(%arg8 : memref<128x128xf32, #tpu.memory_space<vmem>>) dst(%dma_wait3A_89 : memref<10240x128xf32, #tpu.memory_space<vmem_shared>>)
        tpu.yield
      }) : () -> ()
      %add3A_59 = arith.constant 2 : i32
      %add3A_60 = arith.addi %add3A_53, %add3A_59 : i32
      %lt3A = arith.constant 40 : i32
      %lt3A_61 = arith.cmpi slt, %add3A_60, %lt3A : i32
      %convert_element_type3A = arith.extui %lt3A_61 : i1 to i32
      %cond3A = arith.constant 0 : i32
      %cond3A_62 = arith.cmpi ne, %convert_element_type3A, %cond3A : i32
      scf.if %cond3A_62 {
        %add3A_78 = arith.constant 2 : i32
        %add3A_79 = arith.addi %add3A_53, %add3A_78 : i32
        %dma_start3A_80 = arith.constant 0 : i32
        %dma_start3A_81 = tpu.memref_slice %arg6[%add3A_79, %dma_start3A_80] : memref<40x128xi32, #tpu.memory_space<vmem>> -> memref<1x128xi32, #tpu.memory_space<vmem>>
        %dma_start3A_82 = tpu.memref_squeeze %dma_start3A_81 : memref<1x128xi32, #tpu.memory_space<vmem>> -> memref<128xi32, #tpu.memory_space<vmem>>
        %dma_start3A_83 = arith.constant 0 : i32
        %dma_start3A_84 = arith.constant 0 : i32
        %dma_start3A_85 = tpu.memref_slice %arg2[%dma_start3A_83, %dma_start3A_84] : memref<20480x128xf32, #tpu.memory_space<hbm>> -> memref<20480x128xf32, #tpu.memory_space<hbm>>
        tpu.enqueue_indirect_dma source(%dma_start3A_85 : memref<20480x128xf32, #tpu.memory_space<hbm>>) target(%arg8 : memref<128x128xf32, #tpu.memory_space<vmem>>) offsets(%dma_start3A_82 : memref<128xi32, #tpu.memory_space<vmem>>) semaphore(%arg10 : memref<!tpu.dma_semaphore, #tpu.memory_space<semaphore_mem>>)
      } else {
      }
      %add3A_63 = arith.constant 1 : i32
      %add3A_64 = arith.addi %mul3A_51, %add3A_63 : i32
      %dma_wait3A_65 = arith.constant 0 : i32
      %dma_wait3A_66 = tpu.memref_slice %arg6[%add3A_64, %dma_wait3A_65] : memref<40x128xi32, #tpu.memory_space<vmem>> -> memref<1x128xi32, #tpu.memory_space<vmem>>
      %dma_wait3A_67 = tpu.memref_squeeze %dma_wait3A_66 : memref<1x128xi32, #tpu.memory_space<vmem>> -> memref<128xi32, #tpu.memory_space<vmem>>
      %dma_wait3A_68 = arith.constant 0 : i32
      %dma_wait3A_69 = arith.constant 0 : i32
      %dma_wait3A_70 = tpu.memref_slice %arg2[%dma_wait3A_68, %dma_wait3A_69] : memref<20480x128xf32, #tpu.memory_space<hbm>> -> memref<20480x128xf32, #tpu.memory_space<hbm>>
      tpu.wait_indirect_dma semaphore(%arg11 : memref<!tpu.dma_semaphore, #tpu.memory_space<semaphore_mem>>) src(%dma_wait3A_70 : memref<20480x128xf32, #tpu.memory_space<hbm>>) dst(%arg9 : memref<128x128xf32, #tpu.memory_space<vmem>>)
      "tpu.region"() ({
        %run_scoped3A = tpu.sem_alloc : memref<!tpu.dma_semaphore, #tpu.memory_space<semaphore_mem>>
        %dma_start3A_78 = arith.constant 0 : i32
        %dma_start3A_79 = tpu.memref_slice %arg7[%add3A_64, %dma_start3A_78] : memref<40x128xi32, #tpu.memory_space<vmem>> -> memref<1x128xi32, #tpu.memory_space<vmem>>
        %dma_start3A_80 = tpu.memref_squeeze %dma_start3A_79 : memref<1x128xi32, #tpu.memory_space<vmem>> -> memref<128xi32, #tpu.memory_space<vmem>>
        %dma_start3A_81 = arith.constant 0 : i32
        %dma_start3A_82 = arith.constant 0 : i32
        %dma_start3A_83 = tpu.memref_slice %arg12[%dma_start3A_81, %dma_start3A_82] : memref<10240x128xf32, #tpu.memory_space<vmem_shared>> -> memref<10240x128xf32, #tpu.memory_space<vmem_shared>>
        tpu.enqueue_indirect_dma source(%arg9 : memref<128x128xf32, #tpu.memory_space<vmem>>) target(%dma_start3A_83 : memref<10240x128xf32, #tpu.memory_space<vmem_shared>>) offsets(%dma_start3A_80 : memref<128xi32, #tpu.memory_space<vmem>>) semaphore(%run_scoped3A : memref<!tpu.dma_semaphore, #tpu.memory_space<semaphore_mem>>) {add = true}
        %dma_wait3A_84 = arith.constant 0 : i32
        %dma_wait3A_85 = tpu.memref_slice %arg7[%add3A_64, %dma_wait3A_84] : memref<40x128xi32, #tpu.memory_space<vmem>> -> memref<1x128xi32, #tpu.memory_space<vmem>>
        %dma_wait3A_86 = tpu.memref_squeeze %dma_wait3A_85 : memref<1x128xi32, #tpu.memory_space<vmem>> -> memref<128xi32, #tpu.memory_space<vmem>>
        %dma_wait3A_87 = arith.constant 0 : i32
        %dma_wait3A_88 = arith.constant 0 : i32
        %dma_wait3A_89 = tpu.memref_slice %arg12[%dma_wait3A_87, %dma_wait3A_88] : memref<10240x128xf32, #tpu.memory_space<vmem_shared>> -> memref<10240x128xf32, #tpu.memory_space<vmem_shared>>
        tpu.wait_indirect_dma semaphore(%run_scoped3A : memref<!tpu.dma_semaphore, #tpu.memory_space<semaphore_mem>>) src(%arg9 : memref<128x128xf32, #tpu.memory_space<vmem>>) dst(%dma_wait3A_89 : memref<10240x128xf32, #tpu.memory_space<vmem_shared>>)
        tpu.yield
      }) : () -> ()
      %add3A_71 = arith.constant 2 : i32
      %add3A_72 = arith.addi %add3A_64, %add3A_71 : i32
      %lt3A_73 = arith.constant 40 : i32
      %lt3A_74 = arith.cmpi slt, %add3A_72, %lt3A_73 : i32
      %convert_element_type3A_75 = arith.extui %lt3A_74 : i1 to i32
      %cond3A_76 = arith.constant 0 : i32
      %cond3A_77 = arith.cmpi ne, %convert_element_type3A_75, %cond3A_76 : i32
      scf.if %cond3A_77 {
        %add3A_78 = arith.constant 2 : i32
        %add3A_79 = arith.addi %add3A_64, %add3A_78 : i32
        %dma_start3A_80 = arith.constant 0 : i32
        %dma_start3A_81 = tpu.memref_slice %arg6[%add3A_79, %dma_start3A_80] : memref<40x128xi32, #tpu.memory_space<vmem>> -> memref<1x128xi32, #tpu.memory_space<vmem>>
        %dma_start3A_82 = tpu.memref_squeeze %dma_start3A_81 : memref<1x128xi32, #tpu.memory_space<vmem>> -> memref<128xi32, #tpu.memory_space<vmem>>
        %dma_start3A_83 = arith.constant 0 : i32
        %dma_start3A_84 = arith.constant 0 : i32
        %dma_start3A_85 = tpu.memref_slice %arg2[%dma_start3A_83, %dma_start3A_84] : memref<20480x128xf32, #tpu.memory_space<hbm>> -> memref<20480x128xf32, #tpu.memory_space<hbm>>
        tpu.enqueue_indirect_dma source(%dma_start3A_85 : memref<20480x128xf32, #tpu.memory_space<hbm>>) target(%arg9 : memref<128x128xf32, #tpu.memory_space<vmem>>) offsets(%dma_start3A_82 : memref<128xi32, #tpu.memory_space<vmem>>) semaphore(%arg11 : memref<!tpu.dma_semaphore, #tpu.memory_space<semaphore_mem>>)
      } else {
      }
    }
    %scan3A_22 = arith.constant 20 : i32
    "tpu.region"() ({
      %run_scoped3A = tpu.sem_alloc : memref<!tpu.dma_semaphore, #tpu.memory_space<semaphore_mem>>
      %dma_start3A_49 = arith.constant 40 : i32
      %dma_start3A_50 = arith.constant 0 : i32
      %dma_start3A_51 = tpu.memref_slice %arg3[%arg0, %arg1, %dma_start3A_49, %dma_start3A_50] : memref<2x16x80x128xi32, #tpu.memory_space<hbm>> -> memref<1x1x40x128xi32, #tpu.memory_space<hbm>>
      %dma_start3A_52 = tpu.memref_squeeze %dma_start3A_51 : memref<1x1x40x128xi32, #tpu.memory_space<hbm>> -> memref<40x128xi32, #tpu.memory_space<hbm>>
      %dma_start3A_53 = arith.constant 40 : i32
      %dma_start3A_54 = arith.constant 0 : i32
      %dma_start3A_55 = tpu.memref_slice %arg3[%arg0, %arg1, %dma_start3A_53, %dma_start3A_54] : memref<2x16x80x128xi32, #tpu.memory_space<hbm>> -> memref<1x1x40x128xi32, #tpu.memory_space<hbm>>
      %dma_start3A_56 = tpu.memref_squeeze %dma_start3A_55 : memref<1x1x40x128xi32, #tpu.memory_space<hbm>> -> memref<40x128xi32, #tpu.memory_space<hbm>>
      tpu.enqueue_dma source(%dma_start3A_56 : memref<40x128xi32, #tpu.memory_space<hbm>>) target(%arg6 : memref<40x128xi32, #tpu.memory_space<vmem>>) target_semaphore(%run_scoped3A : memref<!tpu.dma_semaphore, #tpu.memory_space<semaphore_mem>>)
      %dma_wait3A = arith.constant 40 : i32
      %dma_wait3A_57 = arith.constant 0 : i32
      %dma_wait3A_58 = tpu.memref_slice %arg3[%arg0, %arg1, %dma_wait3A, %dma_wait3A_57] : memref<2x16x80x128xi32, #tpu.memory_space<hbm>> -> memref<1x1x40x128xi32, #tpu.memory_space<hbm>>
      %dma_wait3A_59 = tpu.memref_squeeze %dma_wait3A_58 : memref<1x1x40x128xi32, #tpu.memory_space<hbm>> -> memref<40x128xi32, #tpu.memory_space<hbm>>
      %dma_wait3A_60 = arith.constant 40 : i32
      %dma_wait3A_61 = arith.constant 0 : i32
      %dma_wait3A_62 = tpu.memref_slice %arg3[%arg0, %arg1, %dma_wait3A_60, %dma_wait3A_61] : memref<2x16x80x128xi32, #tpu.memory_space<hbm>> -> memref<1x1x40x128xi32, #tpu.memory_space<hbm>>
      %dma_wait3A_63 = tpu.memref_squeeze %dma_wait3A_62 : memref<1x1x40x128xi32, #tpu.memory_space<hbm>> -> memref<40x128xi32, #tpu.memory_space<hbm>>
      tpu.wait_dma2 semaphore(%run_scoped3A : memref<!tpu.dma_semaphore, #tpu.memory_space<semaphore_mem>>) src(%dma_wait3A_63 : memref<40x128xi32, #tpu.memory_space<hbm>>) dst(%arg6 : memref<40x128xi32, #tpu.memory_space<vmem>>)
      tpu.yield
    }) : () -> ()
    "tpu.region"() ({
      %run_scoped3A = tpu.sem_alloc : memref<!tpu.dma_semaphore, #tpu.memory_space<semaphore_mem>>
      %dma_start3A_49 = arith.constant 40 : i32
      %dma_start3A_50 = arith.constant 0 : i32
      %dma_start3A_51 = tpu.memref_slice %arg4[%arg1, %dma_start3A_49, %dma_start3A_50] : memref<16x80x128xi32, #tpu.memory_space<hbm>> -> memref<1x40x128xi32, #tpu.memory_space<hbm>>
      %dma_start3A_52 = tpu.memref_squeeze %dma_start3A_51 : memref<1x40x128xi32, #tpu.memory_space<hbm>> -> memref<40x128xi32, #tpu.memory_space<hbm>>
      %dma_start3A_53 = arith.constant 40 : i32
      %dma_start3A_54 = arith.constant 0 : i32
      %dma_start3A_55 = tpu.memref_slice %arg4[%arg1, %dma_start3A_53, %dma_start3A_54] : memref<16x80x128xi32, #tpu.memory_space<hbm>> -> memref<1x40x128xi32, #tpu.memory_space<hbm>>
      %dma_start3A_56 = tpu.memref_squeeze %dma_start3A_55 : memref<1x40x128xi32, #tpu.memory_space<hbm>> -> memref<40x128xi32, #tpu.memory_space<hbm>>
      tpu.enqueue_dma source(%dma_start3A_56 : memref<40x128xi32, #tpu.memory_space<hbm>>) target(%arg7 : memref<40x128xi32, #tpu.memory_space<vmem>>) target_semaphore(%run_scoped3A : memref<!tpu.dma_semaphore, #tpu.memory_space<semaphore_mem>>)
      %dma_wait3A = arith.constant 40 : i32
      %dma_wait3A_57 = arith.constant 0 : i32
      %dma_wait3A_58 = tpu.memref_slice %arg4[%arg1, %dma_wait3A, %dma_wait3A_57] : memref<16x80x128xi32, #tpu.memory_space<hbm>> -> memref<1x40x128xi32, #tpu.memory_space<hbm>>
      %dma_wait3A_59 = tpu.memref_squeeze %dma_wait3A_58 : memref<1x40x128xi32, #tpu.memory_space<hbm>> -> memref<40x128xi32, #tpu.memory_space<hbm>>
      %dma_wait3A_60 = arith.constant 40 : i32
      %dma_wait3A_61 = arith.constant 0 : i32
      %dma_wait3A_62 = tpu.memref_slice %arg4[%arg1, %dma_wait3A_60, %dma_wait3A_61] : memref<16x80x128xi32, #tpu.memory_space<hbm>> -> memref<1x40x128xi32, #tpu.memory_space<hbm>>
      %dma_wait3A_63 = tpu.memref_squeeze %dma_wait3A_62 : memref<1x40x128xi32, #tpu.memory_space<hbm>> -> memref<40x128xi32, #tpu.memory_space<hbm>>
      tpu.wait_dma2 semaphore(%run_scoped3A : memref<!tpu.dma_semaphore, #tpu.memory_space<semaphore_mem>>) src(%dma_wait3A_63 : memref<40x128xi32, #tpu.memory_space<hbm>>) dst(%arg7 : memref<40x128xi32, #tpu.memory_space<vmem>>)
      tpu.yield
    }) : () -> ()
    %dma_start3A_23 = arith.constant 0 : i32
    %dma_start3A_24 = arith.constant 0 : i32
    %dma_start3A_25 = tpu.memref_slice %arg6[%dma_start3A_23, %dma_start3A_24] : memref<40x128xi32, #tpu.memory_space<vmem>> -> memref<1x128xi32, #tpu.memory_space<vmem>>
    %dma_start3A_26 = tpu.memref_squeeze %dma_start3A_25 : memref<1x128xi32, #tpu.memory_space<vmem>> -> memref<128xi32, #tpu.memory_space<vmem>>
    %dma_start3A_27 = arith.constant 0 : i32
    %dma_start3A_28 = arith.constant 0 : i32
    %dma_start3A_29 = tpu.memref_slice %arg2[%dma_start3A_27, %dma_start3A_28] : memref<20480x128xf32, #tpu.memory_space<hbm>> -> memref<20480x128xf32, #tpu.memory_space<hbm>>
    tpu.enqueue_indirect_dma source(%dma_start3A_29 : memref<20480x128xf32, #tpu.memory_space<hbm>>) target(%arg8 : memref<128x128xf32, #tpu.memory_space<vmem>>) offsets(%dma_start3A_26 : memref<128xi32, #tpu.memory_space<vmem>>) semaphore(%arg10 : memref<!tpu.dma_semaphore, #tpu.memory_space<semaphore_mem>>)
    %dma_start3A_30 = arith.constant 1 : i32
    %dma_start3A_31 = arith.constant 0 : i32
    %dma_start3A_32 = tpu.memref_slice %arg6[%dma_start3A_30, %dma_start3A_31] : memref<40x128xi32, #tpu.memory_space<vmem>> -> memref<1x128xi32, #tpu.memory_space<vmem>>
    %dma_start3A_33 = tpu.memref_squeeze %dma_start3A_32 : memref<1x128xi32, #tpu.memory_space<vmem>> -> memref<128xi32, #tpu.memory_space<vmem>>
    %dma_start3A_34 = arith.constant 0 : i32
    %dma_start3A_35 = arith.constant 0 : i32
    %dma_start3A_36 = tpu.memref_slice %arg2[%dma_start3A_34, %dma_start3A_35] : memref<20480x128xf32, #tpu.memory_space<hbm>> -> memref<20480x128xf32, #tpu.memory_space<hbm>>
    tpu.enqueue_indirect_dma source(%dma_start3A_36 : memref<20480x128xf32, #tpu.memory_space<hbm>>) target(%arg9 : memref<128x128xf32, #tpu.memory_space<vmem>>) offsets(%dma_start3A_33 : memref<128xi32, #tpu.memory_space<vmem>>) semaphore(%arg11 : memref<!tpu.dma_semaphore, #tpu.memory_space<semaphore_mem>>)
    %scan3A_37 = arith.constant 0 : i32
    %scan3A_38 = arith.constant 0 : i32
    %scan3A_39 = arith.constant 20 : i32
    %scan3A_40 = arith.addi %scan3A_38, %scan3A_39 : i32
    %scan3A_41 = arith.constant 1 : i32
    scf.for %scan3A_49 = %scan3A_38 to %scan3A_40 step %scan3A_41  : i32 {
      %mul3A_50 = arith.constant 2 : i32
      %mul3A_51 = arith.muli %mul3A_50, %scan3A_49 : i32
      %add3A_52 = arith.constant 0 : i32
      %add3A_53 = arith.addi %mul3A_51, %add3A_52 : i32
      %dma_wait3A = arith.constant 0 : i32
      %dma_wait3A_54 = tpu.memref_slice %arg6[%add3A_53, %dma_wait3A] : memref<40x128xi32, #tpu.memory_space<vmem>> -> memref<1x128xi32, #tpu.memory_space<vmem>>
      %dma_wait3A_55 = tpu.memref_squeeze %dma_wait3A_54 : memref<1x128xi32, #tpu.memory_space<vmem>> -> memref<128xi32, #tpu.memory_space<vmem>>
      %dma_wait3A_56 = arith.constant 0 : i32
      %dma_wait3A_57 = arith.constant 0 : i32
      %dma_wait3A_58 = tpu.memref_slice %arg2[%dma_wait3A_56, %dma_wait3A_57] : memref<20480x128xf32, #tpu.memory_space<hbm>> -> memref<20480x128xf32, #tpu.memory_space<hbm>>
      tpu.wait_indirect_dma semaphore(%arg10 : memref<!tpu.dma_semaphore, #tpu.memory_space<semaphore_mem>>) src(%dma_wait3A_58 : memref<20480x128xf32, #tpu.memory_space<hbm>>) dst(%arg8 : memref<128x128xf32, #tpu.memory_space<vmem>>)
      "tpu.region"() ({
        %run_scoped3A = tpu.sem_alloc : memref<!tpu.dma_semaphore, #tpu.memory_space<semaphore_mem>>
        %dma_start3A_78 = arith.constant 0 : i32
        %dma_start3A_79 = tpu.memref_slice %arg7[%add3A_53, %dma_start3A_78] : memref<40x128xi32, #tpu.memory_space<vmem>> -> memref<1x128xi32, #tpu.memory_space<vmem>>
        %dma_start3A_80 = tpu.memref_squeeze %dma_start3A_79 : memref<1x128xi32, #tpu.memory_space<vmem>> -> memref<128xi32, #tpu.memory_space<vmem>>
        %dma_start3A_81 = arith.constant 0 : i32
        %dma_start3A_82 = arith.constant 0 : i32
        %dma_start3A_83 = tpu.memref_slice %arg12[%dma_start3A_81, %dma_start3A_82] : memref<10240x128xf32, #tpu.memory_space<vmem_shared>> -> memref<10240x128xf32, #tpu.memory_space<vmem_shared>>
        tpu.enqueue_indirect_dma source(%arg8 : memref<128x128xf32, #tpu.memory_space<vmem>>) target(%dma_start3A_83 : memref<10240x128xf32, #tpu.memory_space<vmem_shared>>) offsets(%dma_start3A_80 : memref<128xi32, #tpu.memory_space<vmem>>) semaphore(%run_scoped3A : memref<!tpu.dma_semaphore, #tpu.memory_space<semaphore_mem>>) {add = true}
        %dma_wait3A_84 = arith.constant 0 : i32
        %dma_wait3A_85 = tpu.memref_slice %arg7[%add3A_53, %dma_wait3A_84] : memref<40x128xi32, #tpu.memory_space<vmem>> -> memref<1x128xi32, #tpu.memory_space<vmem>>
        %dma_wait3A_86 = tpu.memref_squeeze %dma_wait3A_85 : memref<1x128xi32, #tpu.memory_space<vmem>> -> memref<128xi32, #tpu.memory_space<vmem>>
        %dma_wait3A_87 = arith.constant 0 : i32
        %dma_wait3A_88 = arith.constant 0 : i32
        %dma_wait3A_89 = tpu.memref_slice %arg12[%dma_wait3A_87, %dma_wait3A_88] : memref<10240x128xf32, #tpu.memory_space<vmem_shared>> -> memref<10240x128xf32, #tpu.memory_space<vmem_shared>>
        tpu.wait_indirect_dma semaphore(%run_scoped3A : memref<!tpu.dma_semaphore, #tpu.memory_space<semaphore_mem>>) src(%arg8 : memref<128x128xf32, #tpu.memory_space<vmem>>) dst(%dma_wait3A_89 : memref<10240x128xf32, #tpu.memory_space<vmem_shared>>)
        tpu.yield
      }) : () -> ()
      %add3A_59 = arith.constant 2 : i32
      %add3A_60 = arith.addi %add3A_53, %add3A_59 : i32
      %lt3A = arith.constant 40 : i32
      %lt3A_61 = arith.cmpi slt, %add3A_60, %lt3A : i32
      %convert_element_type3A = arith.extui %lt3A_61 : i1 to i32
      %cond3A = arith.constant 0 : i32
      %cond3A_62 = arith.cmpi ne, %convert_element_type3A, %cond3A : i32
      scf.if %cond3A_62 {
        %add3A_78 = arith.constant 2 : i32
        %add3A_79 = arith.addi %add3A_53, %add3A_78 : i32
        %dma_start3A_80 = arith.constant 0 : i32
        %dma_start3A_81 = tpu.memref_slice %arg6[%add3A_79, %dma_start3A_80] : memref<40x128xi32, #tpu.memory_space<vmem>> -> memref<1x128xi32, #tpu.memory_space<vmem>>
        %dma_start3A_82 = tpu.memref_squeeze %dma_start3A_81 : memref<1x128xi32, #tpu.memory_space<vmem>> -> memref<128xi32, #tpu.memory_space<vmem>>
        %dma_start3A_83 = arith.constant 0 : i32
        %dma_start3A_84 = arith.constant 0 : i32
        %dma_start3A_85 = tpu.memref_slice %arg2[%dma_start3A_83, %dma_start3A_84] : memref<20480x128xf32, #tpu.memory_space<hbm>> -> memref<20480x128xf32, #tpu.memory_space<hbm>>
        tpu.enqueue_indirect_dma source(%dma_start3A_85 : memref<20480x128xf32, #tpu.memory_space<hbm>>) target(%arg8 : memref<128x128xf32, #tpu.memory_space<vmem>>) offsets(%dma_start3A_82 : memref<128xi32, #tpu.memory_space<vmem>>) semaphore(%arg10 : memref<!tpu.dma_semaphore, #tpu.memory_space<semaphore_mem>>)
      } else {
      }
      %add3A_63 = arith.constant 1 : i32
      %add3A_64 = arith.addi %mul3A_51, %add3A_63 : i32
      %dma_wait3A_65 = arith.constant 0 : i32
      %dma_wait3A_66 = tpu.memref_slice %arg6[%add3A_64, %dma_wait3A_65] : memref<40x128xi32, #tpu.memory_space<vmem>> -> memref<1x128xi32, #tpu.memory_space<vmem>>
      %dma_wait3A_67 = tpu.memref_squeeze %dma_wait3A_66 : memref<1x128xi32, #tpu.memory_space<vmem>> -> memref<128xi32, #tpu.memory_space<vmem>>
      %dma_wait3A_68 = arith.constant 0 : i32
      %dma_wait3A_69 = arith.constant 0 : i32
      %dma_wait3A_70 = tpu.memref_slice %arg2[%dma_wait3A_68, %dma_wait3A_69] : memref<20480x128xf32, #tpu.memory_space<hbm>> -> memref<20480x128xf32, #tpu.memory_space<hbm>>
      tpu.wait_indirect_dma semaphore(%arg11 : memref<!tpu.dma_semaphore, #tpu.memory_space<semaphore_mem>>) src(%dma_wait3A_70 : memref<20480x128xf32, #tpu.memory_space<hbm>>) dst(%arg9 : memref<128x128xf32, #tpu.memory_space<vmem>>)
      "tpu.region"() ({
        %run_scoped3A = tpu.sem_alloc : memref<!tpu.dma_semaphore, #tpu.memory_space<semaphore_mem>>
        %dma_start3A_78 = arith.constant 0 : i32
        %dma_start3A_79 = tpu.memref_slice %arg7[%add3A_64, %dma_start3A_78] : memref<40x128xi32, #tpu.memory_space<vmem>> -> memref<1x128xi32, #tpu.memory_space<vmem>>
        %dma_start3A_80 = tpu.memref_squeeze %dma_start3A_79 : memref<1x128xi32, #tpu.memory_space<vmem>> -> memref<128xi32, #tpu.memory_space<vmem>>
        %dma_start3A_81 = arith.constant 0 : i32
        %dma_start3A_82 = arith.constant 0 : i32
        %dma_start3A_83 = tpu.memref_slice %arg12[%dma_start3A_81, %dma_start3A_82] : memref<10240x128xf32, #tpu.memory_space<vmem_shared>> -> memref<10240x128xf32, #tpu.memory_space<vmem_shared>>
        tpu.enqueue_indirect_dma source(%arg9 : memref<128x128xf32, #tpu.memory_space<vmem>>) target(%dma_start3A_83 : memref<10240x128xf32, #tpu.memory_space<vmem_shared>>) offsets(%dma_start3A_80 : memref<128xi32, #tpu.memory_space<vmem>>) semaphore(%run_scoped3A : memref<!tpu.dma_semaphore, #tpu.memory_space<semaphore_mem>>) {add = true}
        %dma_wait3A_84 = arith.constant 0 : i32
        %dma_wait3A_85 = tpu.memref_slice %arg7[%add3A_64, %dma_wait3A_84] : memref<40x128xi32, #tpu.memory_space<vmem>> -> memref<1x128xi32, #tpu.memory_space<vmem>>
        %dma_wait3A_86 = tpu.memref_squeeze %dma_wait3A_85 : memref<1x128xi32, #tpu.memory_space<vmem>> -> memref<128xi32, #tpu.memory_space<vmem>>
        %dma_wait3A_87 = arith.constant 0 : i32
        %dma_wait3A_88 = arith.constant 0 : i32
        %dma_wait3A_89 = tpu.memref_slice %arg12[%dma_wait3A_87, %dma_wait3A_88] : memref<10240x128xf32, #tpu.memory_space<vmem_shared>> -> memref<10240x128xf32, #tpu.memory_space<vmem_shared>>
        tpu.wait_indirect_dma semaphore(%run_scoped3A : memref<!tpu.dma_semaphore, #tpu.memory_space<semaphore_mem>>) src(%arg9 : memref<128x128xf32, #tpu.memory_space<vmem>>) dst(%dma_wait3A_89 : memref<10240x128xf32, #tpu.memory_space<vmem_shared>>)
        tpu.yield
      }) : () -> ()
      %add3A_71 = arith.constant 2 : i32
      %add3A_72 = arith.addi %add3A_64, %add3A_71 : i32
      %lt3A_73 = arith.constant 40 : i32
      %lt3A_74 = arith.cmpi slt, %add3A_72, %lt3A_73 : i32
      %convert_element_type3A_75 = arith.extui %lt3A_74 : i1 to i32
      %cond3A_76 = arith.constant 0 : i32
      %cond3A_77 = arith.cmpi ne, %convert_element_type3A_75, %cond3A_76 : i32
      scf.if %cond3A_77 {
        %add3A_78 = arith.constant 2 : i32
        %add3A_79 = arith.addi %add3A_64, %add3A_78 : i32
        %dma_start3A_80 = arith.constant 0 : i32
        %dma_start3A_81 = tpu.memref_slice %arg6[%add3A_79, %dma_start3A_80] : memref<40x128xi32, #tpu.memory_space<vmem>> -> memref<1x128xi32, #tpu.memory_space<vmem>>
        %dma_start3A_82 = tpu.memref_squeeze %dma_start3A_81 : memref<1x128xi32, #tpu.memory_space<vmem>> -> memref<128xi32, #tpu.memory_space<vmem>>
        %dma_start3A_83 = arith.constant 0 : i32
        %dma_start3A_84 = arith.constant 0 : i32
        %dma_start3A_85 = tpu.memref_slice %arg2[%dma_start3A_83, %dma_start3A_84] : memref<20480x128xf32, #tpu.memory_space<hbm>> -> memref<20480x128xf32, #tpu.memory_space<hbm>>
        tpu.enqueue_indirect_dma source(%dma_start3A_85 : memref<20480x128xf32, #tpu.memory_space<hbm>>) target(%arg9 : memref<128x128xf32, #tpu.memory_space<vmem>>) offsets(%dma_start3A_82 : memref<128xi32, #tpu.memory_space<vmem>>) semaphore(%arg11 : memref<!tpu.dma_semaphore, #tpu.memory_space<semaphore_mem>>)
      } else {
      }
    }
    %scan3A_42 = arith.constant 20 : i32
    %barrier3A_43 = arith.constant 0 : index
    tpu.barrier barrier_id(%barrier3A_43)
    %mul3A_44 = arith.constant 640 : i32
    %mul3A_45 = arith.muli %arg1, %mul3A_44 : i32
    %mul3A_46 = arith.constant 640 : i32
    %mul3A_47 = arith.muli %arg1, %mul3A_46 : i32
    %add3A_48 = arith.addi %mul3A_0, %mul3A_47 : i32
    "tpu.region"() ({
      %run_scoped3A = tpu.sem_alloc : memref<!tpu.dma_semaphore, #tpu.memory_space<semaphore_mem>>
      %dma_start3A_49 = arith.constant 0 : i32
      %dma_start3A_50 = tpu.memref_slice %arg5[%add3A_48, %dma_start3A_49] : memref<20480x128xf32, #tpu.memory_space<hbm>> -> memref<640x128xf32, #tpu.memory_space<hbm>>
      %dma_start3A_51 = arith.constant 0 : i32
      %dma_start3A_52 = tpu.memref_slice %arg12[%mul3A_45, %dma_start3A_51] : memref<10240x128xf32, #tpu.memory_space<vmem_shared>> -> memref<640x128xf32, #tpu.memory_space<vmem_shared>>
      tpu.enqueue_dma source(%dma_start3A_52 : memref<640x128xf32, #tpu.memory_space<vmem_shared>>) target(%dma_start3A_50 : memref<640x128xf32, #tpu.memory_space<hbm>>) target_semaphore(%run_scoped3A : memref<!tpu.dma_semaphore, #tpu.memory_space<semaphore_mem>>)
      %dma_wait3A = arith.constant 0 : i32
      %dma_wait3A_53 = tpu.memref_slice %arg5[%add3A_48, %dma_wait3A] : memref<20480x128xf32, #tpu.memory_space<hbm>> -> memref<640x128xf32, #tpu.memory_space<hbm>>
      %dma_wait3A_54 = arith.constant 0 : i32
      %dma_wait3A_55 = tpu.memref_slice %arg12[%mul3A_45, %dma_wait3A_54] : memref<10240x128xf32, #tpu.memory_space<vmem_shared>> -> memref<640x128xf32, #tpu.memory_space<vmem_shared>>
      tpu.wait_dma2 semaphore(%run_scoped3A : memref<!tpu.dma_semaphore, #tpu.memory_space<semaphore_mem>>) src(%dma_wait3A_55 : memref<640x128xf32, #tpu.memory_space<vmem_shared>>) dst(%dma_wait3A_53 : memref<640x128xf32, #tpu.memory_space<hbm>>)
      tpu.yield
    }) : () -> ()
    return
  }
}

#map = affine_map<(d0, d1) -> (0, 0)>
#map1 = affine_map<(d0, d1) -> (0, 0, 0, 0)>
#map2 = affine_map<(d0, d1) -> (0, 0, 0)>
module attributes {stable_mosaic.version = 14 : i64} {
  func.func @_scatter_body(%arg0: i32, %arg1: i32, %arg2: memref<20480x128xf32, #tpu.memory_space<hbm>>, %arg3: memref<2x16x80x128xi32, #tpu.memory_space<hbm>>, %arg4: memref<16x80x128xi32, #tpu.memory_space<hbm>>, %arg5: memref<20480x128xf32, #tpu.memory_space<hbm>>, %arg6: memref<40x128xi32, #tpu.memory_space<vmem>>, %arg7: memref<40x128xi32, #tpu.memory_space<vmem>>, %arg8: memref<128x128xf32, #tpu.memory_space<vmem>>, %arg9: memref<128x128xf32, #tpu.memory_space<vmem>>, %arg10: memref<!tpu.dma_semaphore, #tpu.memory_space<semaphore_mem>>, %arg11: memref<!tpu.dma_semaphore, #tpu.memory_space<semaphore_mem>>, %arg12: memref<10240x128xf32, #tpu.memory_space<vmem_shared>>) attributes {dimension_semantics = [#tpu.dimension_semantics<core_parallel>, #tpu.dimension_semantics<subcore_parallel>], iteration_bounds = array<i64: 2, 16>, scalar_prefetch = 0 : i64, scratch_operands = 7 : i64, tpu.core_type = #tpu.core_type<sc_vector_subcore>, window_params = [{transform_indices = #map}, {transform_indices = #map1}, {transform_indices = #map2}, {transform_indices = #map}]} {
    %mul3A = arith.constant 10240 : i32
    %mul3A_0 = arith.muli %arg0, %mul3A : i32
    %mul3A_1 = arith.constant 640 : i32
    %mul3A_2 = arith.muli %arg1, %mul3A_1 : i32
    %add3A = arith.addi %mul3A_0, %mul3A_2 : i32
    %mul3A_3 = arith.constant 640 : i32
    %mul3A_4 = arith.muli %arg1, %mul3A_3 : i32
    "tpu.region"() ({
      %run_scoped3A = tpu.sem_alloc : memref<!tpu.dma_semaphore, #tpu.memory_space<semaphore_mem>>
      %dma_start3A_49 = arith.constant 0 : i32
      %dma_start3A_50 = tpu.memref_slice %arg12[%mul3A_4, %dma_start3A_49] : memref<10240x128xf32, #tpu.memory_space<vmem_shared>> -> memref<640x128xf32, #tpu.memory_space<vmem_shared>>
      %dma_start3A_51 = arith.constant 0 : i32
      %dma_start3A_52 = tpu.memref_slice %arg2[%add3A, %dma_start3A_51] : memref<20480x128xf32, #tpu.memory_space<hbm>> -> memref<640x128xf32, #tpu.memory_space<hbm>>
      tpu.enqueue_dma source(%dma_start3A_52 : memref<640x128xf32, #tpu.memory_space<hbm>>) target(%dma_start3A_50 : memref<640x128xf32, #tpu.memory_space<vmem_shared>>) target_semaphore(%run_scoped3A : memref<!tpu.dma_semaphore, #tpu.memory_space<semaphore_mem>>)
      %dma_wait3A = arith.constant 0 : i32
      %dma_wait3A_53 = tpu.memref_slice %arg12[%mul3A_4, %dma_wait3A] : memref<10240x128xf32, #tpu.memory_space<vmem_shared>> -> memref<640x128xf32, #tpu.memory_space<vmem_shared>>
      %dma_wait3A_54 = arith.constant 0 : i32
      %dma_wait3A_55 = tpu.memref_slice %arg2[%add3A, %dma_wait3A_54] : memref<20480x128xf32, #tpu.memory_space<hbm>> -> memref<640x128xf32, #tpu.memory_space<hbm>>
      tpu.wait_dma2 semaphore(%run_scoped3A : memref<!tpu.dma_semaphore, #tpu.memory_space<semaphore_mem>>) src(%dma_wait3A_55 : memref<640x128xf32, #tpu.memory_space<hbm>>) dst(%dma_wait3A_53 : memref<640x128xf32, #tpu.memory_space<vmem_shared>>)
      tpu.yield
    }) : () -> ()
    %barrier3A = arith.constant 0 : index
    tpu.barrier barrier_id(%barrier3A)
    "tpu.region"() ({
      %run_scoped3A = tpu.sem_alloc : memref<!tpu.dma_semaphore, #tpu.memory_space<semaphore_mem>>
      %dma_start3A_49 = arith.constant 0 : i32
      %dma_start3A_50 = arith.constant 0 : i32
      %dma_start3A_51 = tpu.memref_slice %arg3[%arg0, %arg1, %dma_start3A_49, %dma_start3A_50] : memref<2x16x80x128xi32, #tpu.memory_space<hbm>> -> memref<1x1x40x128xi32, #tpu.memory_space<hbm>>
      %dma_start3A_52 = tpu.memref_squeeze %dma_start3A_51 : memref<1x1x40x128xi32, #tpu.memory_space<hbm>> -> memref<40x128xi32, #tpu.memory_space<hbm>>
      %dma_start3A_53 = arith.constant 0 : i32
      %dma_start3A_54 = arith.constant 0 : i32
      %dma_start3A_55 = tpu.memref_slice %arg3[%arg0, %arg1, %dma_start3A_53, %dma_start3A_54] : memref<2x16x80x128xi32, #tpu.memory_space<hbm>> -> memref<1x1x40x128xi32, #tpu.memory_space<hbm>>
      %dma_start3A_56 = tpu.memref_squeeze %dma_start3A_55 : memref<1x1x40x128xi32, #tpu.memory_space<hbm>> -> memref<40x128xi32, #tpu.memory_space<hbm>>
      tpu.enqueue_dma source(%dma_start3A_56 : memref<40x128xi32, #tpu.memory_space<hbm>>) target(%arg6 : memref<40x128xi32, #tpu.memory_space<vmem>>) target_semaphore(%run_scoped3A : memref<!tpu.dma_semaphore, #tpu.memory_space<semaphore_mem>>)
      %dma_wait3A = arith.constant 0 : i32
      %dma_wait3A_57 = arith.constant 0 : i32
      %dma_wait3A_58 = tpu.memref_slice %arg3[%arg0, %arg1, %dma_wait3A, %dma_wait3A_57] : memref<2x16x80x128xi32, #tpu.memory_space<hbm>> -> memref<1x1x40x128xi32, #tpu.memory_space<hbm>>
      %dma_wait3A_59 = tpu.memref_squeeze %dma_wait3A_58 : memref<1x1x40x128xi32, #tpu.memory_space<hbm>> -> memref<40x128xi32, #tpu.memory_space<hbm>>
      %dma_wait3A_60 = arith.constant 0 : i32
      %dma_wait3A_61 = arith.constant 0 : i32
      %dma_wait3A_62 = tpu.memref_slice %arg3[%arg0, %arg1, %dma_wait3A_60, %dma_wait3A_61] : memref<2x16x80x128xi32, #tpu.memory_space<hbm>> -> memref<1x1x40x128xi32, #tpu.memory_space<hbm>>
      %dma_wait3A_63 = tpu.memref_squeeze %dma_wait3A_62 : memref<1x1x40x128xi32, #tpu.memory_space<hbm>> -> memref<40x128xi32, #tpu.memory_space<hbm>>
      tpu.wait_dma2 semaphore(%run_scoped3A : memref<!tpu.dma_semaphore, #tpu.memory_space<semaphore_mem>>) src(%dma_wait3A_63 : memref<40x128xi32, #tpu.memory_space<hbm>>) dst(%arg6 : memref<40x128xi32, #tpu.memory_space<vmem>>)
      tpu.yield
    }) : () -> ()
    "tpu.region"() ({
      %run_scoped3A = tpu.sem_alloc : memref<!tpu.dma_semaphore, #tpu.memory_space<semaphore_mem>>
      %dma_start3A_49 = arith.constant 0 : i32
      %dma_start3A_50 = arith.constant 0 : i32
      %dma_start3A_51 = tpu.memref_slice %arg4[%arg1, %dma_start3A_49, %dma_start3A_50] : memref<16x80x128xi32, #tpu.memory_space<hbm>> -> memref<1x40x128xi32, #tpu.memory_space<hbm>>
      %dma_start3A_52 = tpu.memref_squeeze %dma_start3A_51 : memref<1x40x128xi32, #tpu.memory_space<hbm>> -> memref<40x128xi32, #tpu.memory_space<hbm>>
      %dma_start3A_53 = arith.constant 0 : i32
      %dma_start3A_54 = arith.constant 0 : i32
      %dma_start3A_55 = tpu.memref_slice %arg4[%arg1, %dma_start3A_53, %dma_start3A_54] : memref<16x80x128xi32, #tpu.memory_space<hbm>> -> memref<1x40x128xi32, #tpu.memory_space<hbm>>
      %dma_start3A_56 = tpu.memref_squeeze %dma_start3A_55 : memref<1x40x128xi32, #tpu.memory_space<hbm>> -> memref<40x128xi32, #tpu.memory_space<hbm>>
      tpu.enqueue_dma source(%dma_start3A_56 : memref<40x128xi32, #tpu.memory_space<hbm>>) target(%arg7 : memref<40x128xi32, #tpu.memory_space<vmem>>) target_semaphore(%run_scoped3A : memref<!tpu.dma_semaphore, #tpu.memory_space<semaphore_mem>>)
      %dma_wait3A = arith.constant 0 : i32
      %dma_wait3A_57 = arith.constant 0 : i32
      %dma_wait3A_58 = tpu.memref_slice %arg4[%arg1, %dma_wait3A, %dma_wait3A_57] : memref<16x80x128xi32, #tpu.memory_space<hbm>> -> memref<1x40x128xi32, #tpu.memory_space<hbm>>
      %dma_wait3A_59 = tpu.memref_squeeze %dma_wait3A_58 : memref<1x40x128xi32, #tpu.memory_space<hbm>> -> memref<40x128xi32, #tpu.memory_space<hbm>>
      %dma_wait3A_60 = arith.constant 0 : i32
      %dma_wait3A_61 = arith.constant 0 : i32
      %dma_wait3A_62 = tpu.memref_slice %arg4[%arg1, %dma_wait3A_60, %dma_wait3A_61] : memref<16x80x128xi32, #tpu.memory_space<hbm>> -> memref<1x40x128xi32, #tpu.memory_space<hbm>>
      %dma_wait3A_63 = tpu.memref_squeeze %dma_wait3A_62 : memref<1x40x128xi32, #tpu.memory_space<hbm>> -> memref<40x128xi32, #tpu.memory_space<hbm>>
      tpu.wait_dma2 semaphore(%run_scoped3A : memref<!tpu.dma_semaphore, #tpu.memory_space<semaphore_mem>>) src(%dma_wait3A_63 : memref<40x128xi32, #tpu.memory_space<hbm>>) dst(%arg7 : memref<40x128xi32, #tpu.memory_space<vmem>>)
      tpu.yield
    }) : () -> ()
    %dma_start3A = arith.constant 0 : i32
    %dma_start3A_5 = arith.constant 0 : i32
    %dma_start3A_6 = tpu.memref_slice %arg6[%dma_start3A, %dma_start3A_5] : memref<40x128xi32, #tpu.memory_space<vmem>> -> memref<1x128xi32, #tpu.memory_space<vmem>>
    %dma_start3A_7 = tpu.memref_squeeze %dma_start3A_6 : memref<1x128xi32, #tpu.memory_space<vmem>> -> memref<128xi32, #tpu.memory_space<vmem>>
    %dma_start3A_8 = arith.constant 0 : i32
    %dma_start3A_9 = arith.constant 0 : i32
    %dma_start3A_10 = tpu.memref_slice %arg2[%dma_start3A_8, %dma_start3A_9] : memref<20480x128xf32, #tpu.memory_space<hbm>> -> memref<20480x128xf32, #tpu.memory_space<hbm>>
    tpu.enqueue_indirect_dma source(%dma_start3A_10 : memref<20480x128xf32, #tpu.memory_space<hbm>>) target(%arg8 : memref<128x128xf32, #tpu.memory_space<vmem>>) offsets(%dma_start3A_7 : memref<128xi32, #tpu.memory_space<vmem>>) semaphore(%arg10 : memref<!tpu.dma_semaphore, #tpu.memory_space<semaphore_mem>>)
    %dma_start3A_11 = arith.constant 1 : i32
    %dma_start3A_12 = arith.constant 0 : i32
    %dma_start3A_13 = tpu.memref_slice %arg6[%dma_start3A_11, %dma_start3A_12] : memref<40x128xi32, #tpu.memory_space<vmem>> -> memref<1x128xi32, #tpu.memory_space<vmem>>
    %dma_start3A_14 = tpu.memref_squeeze %dma_start3A_13 : memref<1x128xi32, #tpu.memory_space<vmem>> -> memref<128xi32, #tpu.memory_space<vmem>>
    %dma_start3A_15 = arith.constant 0 : i32
    %dma_start3A_16 = arith.constant 0 : i32
    %dma_start3A_17 = tpu.memref_slice %arg2[%dma_start3A_15, %dma_start3A_16] : memref<20480x128xf32, #tpu.memory_space<hbm>> -> memref<20480x128xf32, #tpu.memory_space<hbm>>
    tpu.enqueue_indirect_dma source(%dma_start3A_17 : memref<20480x128xf32, #tpu.memory_space<hbm>>) target(%arg9 : memref<128x128xf32, #tpu.memory_space<vmem>>) offsets(%dma_start3A_14 : memref<128xi32, #tpu.memory_space<vmem>>) semaphore(%arg11 : memref<!tpu.dma_semaphore, #tpu.memory_space<semaphore_mem>>)
    %scan3A = arith.constant 0 : i32
    %scan3A_18 = arith.constant 0 : i32
    %scan3A_19 = arith.constant 20 : i32
    %scan3A_20 = arith.addi %scan3A_18, %scan3A_19 : i32
    %scan3A_21 = arith.constant 1 : i32
    scf.for %scan3A_49 = %scan3A_18 to %scan3A_20 step %scan3A_21  : i32 {
      %mul3A_50 = arith.constant 2 : i32
      %mul3A_51 = arith.muli %mul3A_50, %scan3A_49 : i32
      %add3A_52 = arith.constant 0 : i32
      %add3A_53 = arith.addi %mul3A_51, %add3A_52 : i32
      %dma_wait3A = arith.constant 0 : i32
      %dma_wait3A_54 = tpu.memref_slice %arg6[%add3A_53, %dma_wait3A] : memref<40x128xi32, #tpu.memory_space<vmem>> -> memref<1x128xi32, #tpu.memory_space<vmem>>
      %dma_wait3A_55 = tpu.memref_squeeze %dma_wait3A_54 : memref<1x128xi32, #tpu.memory_space<vmem>> -> memref<128xi32, #tpu.memory_space<vmem>>
      %dma_wait3A_56 = arith.constant 0 : i32
      %dma_wait3A_57 = arith.constant 0 : i32
      %dma_wait3A_58 = tpu.memref_slice %arg2[%dma_wait3A_56, %dma_wait3A_57] : memref<20480x128xf32, #tpu.memory_space<hbm>> -> memref<20480x128xf32, #tpu.memory_space<hbm>>
      tpu.wait_indirect_dma semaphore(%arg10 : memref<!tpu.dma_semaphore, #tpu.memory_space<semaphore_mem>>) src(%dma_wait3A_58 : memref<20480x128xf32, #tpu.memory_space<hbm>>) dst(%arg8 : memref<128x128xf32, #tpu.memory_space<vmem>>)
      "tpu.region"() ({
        %run_scoped3A = tpu.sem_alloc : memref<!tpu.dma_semaphore, #tpu.memory_space<semaphore_mem>>
        %dma_start3A_78 = arith.constant 0 : i32
        %dma_start3A_79 = tpu.memref_slice %arg7[%add3A_53, %dma_start3A_78] : memref<40x128xi32, #tpu.memory_space<vmem>> -> memref<1x128xi32, #tpu.memory_space<vmem>>
        %dma_start3A_80 = tpu.memref_squeeze %dma_start3A_79 : memref<1x128xi32, #tpu.memory_space<vmem>> -> memref<128xi32, #tpu.memory_space<vmem>>
        %dma_start3A_81 = arith.constant 0 : i32
        %dma_start3A_82 = arith.constant 0 : i32
        %dma_start3A_83 = tpu.memref_slice %arg12[%dma_start3A_81, %dma_start3A_82] : memref<10240x128xf32, #tpu.memory_space<vmem_shared>> -> memref<10240x128xf32, #tpu.memory_space<vmem_shared>>
        tpu.enqueue_indirect_dma source(%arg8 : memref<128x128xf32, #tpu.memory_space<vmem>>) target(%dma_start3A_83 : memref<10240x128xf32, #tpu.memory_space<vmem_shared>>) offsets(%dma_start3A_80 : memref<128xi32, #tpu.memory_space<vmem>>) semaphore(%run_scoped3A : memref<!tpu.dma_semaphore, #tpu.memory_space<semaphore_mem>>) {add = true}
        %dma_wait3A_84 = arith.constant 0 : i32
        %dma_wait3A_85 = tpu.memref_slice %arg7[%add3A_53, %dma_wait3A_84] : memref<40x128xi32, #tpu.memory_space<vmem>> -> memref<1x128xi32, #tpu.memory_space<vmem>>
        %dma_wait3A_86 = tpu.memref_squeeze %dma_wait3A_85 : memref<1x128xi32, #tpu.memory_space<vmem>> -> memref<128xi32, #tpu.memory_space<vmem>>
        %dma_wait3A_87 = arith.constant 0 : i32
        %dma_wait3A_88 = arith.constant 0 : i32
        %dma_wait3A_89 = tpu.memref_slice %arg12[%dma_wait3A_87, %dma_wait3A_88] : memref<10240x128xf32, #tpu.memory_space<vmem_shared>> -> memref<10240x128xf32, #tpu.memory_space<vmem_shared>>
        tpu.wait_indirect_dma semaphore(%run_scoped3A : memref<!tpu.dma_semaphore, #tpu.memory_space<semaphore_mem>>) src(%arg8 : memref<128x128xf32, #tpu.memory_space<vmem>>) dst(%dma_wait3A_89 : memref<10240x128xf32, #tpu.memory_space<vmem_shared>>)
        tpu.yield
      }) : () -> ()
      %add3A_59 = arith.constant 2 : i32
      %add3A_60 = arith.addi %add3A_53, %add3A_59 : i32
      %lt3A = arith.constant 40 : i32
      %lt3A_61 = arith.cmpi slt, %add3A_60, %lt3A : i32
      %convert_element_type3A = arith.extui %lt3A_61 : i1 to i32
      %cond3A = arith.constant 0 : i32
      %cond3A_62 = arith.cmpi ne, %convert_element_type3A, %cond3A : i32
      scf.if %cond3A_62 {
        %add3A_78 = arith.constant 2 : i32
        %add3A_79 = arith.addi %add3A_53, %add3A_78 : i32
        %dma_start3A_80 = arith.constant 0 : i32
        %dma_start3A_81 = tpu.memref_slice %arg6[%add3A_79, %dma_start3A_80] : memref<40x128xi32, #tpu.memory_space<vmem>> -> memref<1x128xi32, #tpu.memory_space<vmem>>
        %dma_start3A_82 = tpu.memref_squeeze %dma_start3A_81 : memref<1x128xi32, #tpu.memory_space<vmem>> -> memref<128xi32, #tpu.memory_space<vmem>>
        %dma_start3A_83 = arith.constant 0 : i32
        %dma_start3A_84 = arith.constant 0 : i32
        %dma_start3A_85 = tpu.memref_slice %arg2[%dma_start3A_83, %dma_start3A_84] : memref<20480x128xf32, #tpu.memory_space<hbm>> -> memref<20480x128xf32, #tpu.memory_space<hbm>>
        tpu.enqueue_indirect_dma source(%dma_start3A_85 : memref<20480x128xf32, #tpu.memory_space<hbm>>) target(%arg8 : memref<128x128xf32, #tpu.memory_space<vmem>>) offsets(%dma_start3A_82 : memref<128xi32, #tpu.memory_space<vmem>>) semaphore(%arg10 : memref<!tpu.dma_semaphore, #tpu.memory_space<semaphore_mem>>)
      } else {
      }
      %add3A_63 = arith.constant 1 : i32
      %add3A_64 = arith.addi %mul3A_51, %add3A_63 : i32
      %dma_wait3A_65 = arith.constant 0 : i32
      %dma_wait3A_66 = tpu.memref_slice %arg6[%add3A_64, %dma_wait3A_65] : memref<40x128xi32, #tpu.memory_space<vmem>> -> memref<1x128xi32, #tpu.memory_space<vmem>>
      %dma_wait3A_67 = tpu.memref_squeeze %dma_wait3A_66 : memref<1x128xi32, #tpu.memory_space<vmem>> -> memref<128xi32, #tpu.memory_space<vmem>>
      %dma_wait3A_68 = arith.constant 0 : i32
      %dma_wait3A_69 = arith.constant 0 : i32
      %dma_wait3A_70 = tpu.memref_slice %arg2[%dma_wait3A_68, %dma_wait3A_69] : memref<20480x128xf32, #tpu.memory_space<hbm>> -> memref<20480x128xf32, #tpu.memory_space<hbm>>
      tpu.wait_indirect_dma semaphore(%arg11 : memref<!tpu.dma_semaphore, #tpu.memory_space<semaphore_mem>>) src(%dma_wait3A_70 : memref<20480x128xf32, #tpu.memory_space<hbm>>) dst(%arg9 : memref<128x128xf32, #tpu.memory_space<vmem>>)
      "tpu.region"() ({
        %run_scoped3A = tpu.sem_alloc : memref<!tpu.dma_semaphore, #tpu.memory_space<semaphore_mem>>
        %dma_start3A_78 = arith.constant 0 : i32
        %dma_start3A_79 = tpu.memref_slice %arg7[%add3A_64, %dma_start3A_78] : memref<40x128xi32, #tpu.memory_space<vmem>> -> memref<1x128xi32, #tpu.memory_space<vmem>>
        %dma_start3A_80 = tpu.memref_squeeze %dma_start3A_79 : memref<1x128xi32, #tpu.memory_space<vmem>> -> memref<128xi32, #tpu.memory_space<vmem>>
        %dma_start3A_81 = arith.constant 0 : i32
        %dma_start3A_82 = arith.constant 0 : i32
        %dma_start3A_83 = tpu.memref_slice %arg12[%dma_start3A_81, %dma_start3A_82] : memref<10240x128xf32, #tpu.memory_space<vmem_shared>> -> memref<10240x128xf32, #tpu.memory_space<vmem_shared>>
        tpu.enqueue_indirect_dma source(%arg9 : memref<128x128xf32, #tpu.memory_space<vmem>>) target(%dma_start3A_83 : memref<10240x128xf32, #tpu.memory_space<vmem_shared>>) offsets(%dma_start3A_80 : memref<128xi32, #tpu.memory_space<vmem>>) semaphore(%run_scoped3A : memref<!tpu.dma_semaphore, #tpu.memory_space<semaphore_mem>>) {add = true}
        %dma_wait3A_84 = arith.constant 0 : i32
        %dma_wait3A_85 = tpu.memref_slice %arg7[%add3A_64, %dma_wait3A_84] : memref<40x128xi32, #tpu.memory_space<vmem>> -> memref<1x128xi32, #tpu.memory_space<vmem>>
        %dma_wait3A_86 = tpu.memref_squeeze %dma_wait3A_85 : memref<1x128xi32, #tpu.memory_space<vmem>> -> memref<128xi32, #tpu.memory_space<vmem>>
        %dma_wait3A_87 = arith.constant 0 : i32
        %dma_wait3A_88 = arith.constant 0 : i32
        %dma_wait3A_89 = tpu.memref_slice %arg12[%dma_wait3A_87, %dma_wait3A_88] : memref<10240x128xf32, #tpu.memory_space<vmem_shared>> -> memref<10240x128xf32, #tpu.memory_space<vmem_shared>>
        tpu.wait_indirect_dma semaphore(%run_scoped3A : memref<!tpu.dma_semaphore, #tpu.memory_space<semaphore_mem>>) src(%arg9 : memref<128x128xf32, #tpu.memory_space<vmem>>) dst(%dma_wait3A_89 : memref<10240x128xf32, #tpu.memory_space<vmem_shared>>)
        tpu.yield
      }) : () -> ()
      %add3A_71 = arith.constant 2 : i32
      %add3A_72 = arith.addi %add3A_64, %add3A_71 : i32
      %lt3A_73 = arith.constant 40 : i32
      %lt3A_74 = arith.cmpi slt, %add3A_72, %lt3A_73 : i32
      %convert_element_type3A_75 = arith.extui %lt3A_74 : i1 to i32
      %cond3A_76 = arith.constant 0 : i32
      %cond3A_77 = arith.cmpi ne, %convert_element_type3A_75, %cond3A_76 : i32
      scf.if %cond3A_77 {
        %add3A_78 = arith.constant 2 : i32
        %add3A_79 = arith.addi %add3A_64, %add3A_78 : i32
        %dma_start3A_80 = arith.constant 0 : i32
        %dma_start3A_81 = tpu.memref_slice %arg6[%add3A_79, %dma_start3A_80] : memref<40x128xi32, #tpu.memory_space<vmem>> -> memref<1x128xi32, #tpu.memory_space<vmem>>
        %dma_start3A_82 = tpu.memref_squeeze %dma_start3A_81 : memref<1x128xi32, #tpu.memory_space<vmem>> -> memref<128xi32, #tpu.memory_space<vmem>>
        %dma_start3A_83 = arith.constant 0 : i32
        %dma_start3A_84 = arith.constant 0 : i32
        %dma_start3A_85 = tpu.memref_slice %arg2[%dma_start3A_83, %dma_start3A_84] : memref<20480x128xf32, #tpu.memory_space<hbm>> -> memref<20480x128xf32, #tpu.memory_space<hbm>>
        tpu.enqueue_indirect_dma source(%dma_start3A_85 : memref<20480x128xf32, #tpu.memory_space<hbm>>) target(%arg9 : memref<128x128xf32, #tpu.memory_space<vmem>>) offsets(%dma_start3A_82 : memref<128xi32, #tpu.memory_space<vmem>>) semaphore(%arg11 : memref<!tpu.dma_semaphore, #tpu.memory_space<semaphore_mem>>)
      } else {
      }
    }
    %scan3A_22 = arith.constant 20 : i32
    "tpu.region"() ({
      %run_scoped3A = tpu.sem_alloc : memref<!tpu.dma_semaphore, #tpu.memory_space<semaphore_mem>>
      %dma_start3A_49 = arith.constant 40 : i32
      %dma_start3A_50 = arith.constant 0 : i32
      %dma_start3A_51 = tpu.memref_slice %arg3[%arg0, %arg1, %dma_start3A_49, %dma_start3A_50] : memref<2x16x80x128xi32, #tpu.memory_space<hbm>> -> memref<1x1x40x128xi32, #tpu.memory_space<hbm>>
      %dma_start3A_52 = tpu.memref_squeeze %dma_start3A_51 : memref<1x1x40x128xi32, #tpu.memory_space<hbm>> -> memref<40x128xi32, #tpu.memory_space<hbm>>
      %dma_start3A_53 = arith.constant 40 : i32
      %dma_start3A_54 = arith.constant 0 : i32
      %dma_start3A_55 = tpu.memref_slice %arg3[%arg0, %arg1, %dma_start3A_53, %dma_start3A_54] : memref<2x16x80x128xi32, #tpu.memory_space<hbm>> -> memref<1x1x40x128xi32, #tpu.memory_space<hbm>>
      %dma_start3A_56 = tpu.memref_squeeze %dma_start3A_55 : memref<1x1x40x128xi32, #tpu.memory_space<hbm>> -> memref<40x128xi32, #tpu.memory_space<hbm>>
      tpu.enqueue_dma source(%dma_start3A_56 : memref<40x128xi32, #tpu.memory_space<hbm>>) target(%arg6 : memref<40x128xi32, #tpu.memory_space<vmem>>) target_semaphore(%run_scoped3A : memref<!tpu.dma_semaphore, #tpu.memory_space<semaphore_mem>>)
      %dma_wait3A = arith.constant 40 : i32
      %dma_wait3A_57 = arith.constant 0 : i32
      %dma_wait3A_58 = tpu.memref_slice %arg3[%arg0, %arg1, %dma_wait3A, %dma_wait3A_57] : memref<2x16x80x128xi32, #tpu.memory_space<hbm>> -> memref<1x1x40x128xi32, #tpu.memory_space<hbm>>
      %dma_wait3A_59 = tpu.memref_squeeze %dma_wait3A_58 : memref<1x1x40x128xi32, #tpu.memory_space<hbm>> -> memref<40x128xi32, #tpu.memory_space<hbm>>
      %dma_wait3A_60 = arith.constant 40 : i32
      %dma_wait3A_61 = arith.constant 0 : i32
      %dma_wait3A_62 = tpu.memref_slice %arg3[%arg0, %arg1, %dma_wait3A_60, %dma_wait3A_61] : memref<2x16x80x128xi32, #tpu.memory_space<hbm>> -> memref<1x1x40x128xi32, #tpu.memory_space<hbm>>
      %dma_wait3A_63 = tpu.memref_squeeze %dma_wait3A_62 : memref<1x1x40x128xi32, #tpu.memory_space<hbm>> -> memref<40x128xi32, #tpu.memory_space<hbm>>
      tpu.wait_dma2 semaphore(%run_scoped3A : memref<!tpu.dma_semaphore, #tpu.memory_space<semaphore_mem>>) src(%dma_wait3A_63 : memref<40x128xi32, #tpu.memory_space<hbm>>) dst(%arg6 : memref<40x128xi32, #tpu.memory_space<vmem>>)
      tpu.yield
    }) : () -> ()
    "tpu.region"() ({
      %run_scoped3A = tpu.sem_alloc : memref<!tpu.dma_semaphore, #tpu.memory_space<semaphore_mem>>
      %dma_start3A_49 = arith.constant 40 : i32
      %dma_start3A_50 = arith.constant 0 : i32
      %dma_start3A_51 = tpu.memref_slice %arg4[%arg1, %dma_start3A_49, %dma_start3A_50] : memref<16x80x128xi32, #tpu.memory_space<hbm>> -> memref<1x40x128xi32, #tpu.memory_space<hbm>>
      %dma_start3A_52 = tpu.memref_squeeze %dma_start3A_51 : memref<1x40x128xi32, #tpu.memory_space<hbm>> -> memref<40x128xi32, #tpu.memory_space<hbm>>
      %dma_start3A_53 = arith.constant 40 : i32
      %dma_start3A_54 = arith.constant 0 : i32
      %dma_start3A_55 = tpu.memref_slice %arg4[%arg1, %dma_start3A_53, %dma_start3A_54] : memref<16x80x128xi32, #tpu.memory_space<hbm>> -> memref<1x40x128xi32, #tpu.memory_space<hbm>>
      %dma_start3A_56 = tpu.memref_squeeze %dma_start3A_55 : memref<1x40x128xi32, #tpu.memory_space<hbm>> -> memref<40x128xi32, #tpu.memory_space<hbm>>
      tpu.enqueue_dma source(%dma_start3A_56 : memref<40x128xi32, #tpu.memory_space<hbm>>) target(%arg7 : memref<40x128xi32, #tpu.memory_space<vmem>>) target_semaphore(%run_scoped3A : memref<!tpu.dma_semaphore, #tpu.memory_space<semaphore_mem>>)
      %dma_wait3A = arith.constant 40 : i32
      %dma_wait3A_57 = arith.constant 0 : i32
      %dma_wait3A_58 = tpu.memref_slice %arg4[%arg1, %dma_wait3A, %dma_wait3A_57] : memref<16x80x128xi32, #tpu.memory_space<hbm>> -> memref<1x40x128xi32, #tpu.memory_space<hbm>>
      %dma_wait3A_59 = tpu.memref_squeeze %dma_wait3A_58 : memref<1x40x128xi32, #tpu.memory_space<hbm>> -> memref<40x128xi32, #tpu.memory_space<hbm>>
      %dma_wait3A_60 = arith.constant 40 : i32
      %dma_wait3A_61 = arith.constant 0 : i32
      %dma_wait3A_62 = tpu.memref_slice %arg4[%arg1, %dma_wait3A_60, %dma_wait3A_61] : memref<16x80x128xi32, #tpu.memory_space<hbm>> -> memref<1x40x128xi32, #tpu.memory_space<hbm>>
      %dma_wait3A_63 = tpu.memref_squeeze %dma_wait3A_62 : memref<1x40x128xi32, #tpu.memory_space<hbm>> -> memref<40x128xi32, #tpu.memory_space<hbm>>
      tpu.wait_dma2 semaphore(%run_scoped3A : memref<!tpu.dma_semaphore, #tpu.memory_space<semaphore_mem>>) src(%dma_wait3A_63 : memref<40x128xi32, #tpu.memory_space<hbm>>) dst(%arg7 : memref<40x128xi32, #tpu.memory_space<vmem>>)
      tpu.yield
    }) : () -> ()
    %dma_start3A_23 = arith.constant 0 : i32
    %dma_start3A_24 = arith.constant 0 : i32
    %dma_start3A_25 = tpu.memref_slice %arg6[%dma_start3A_23, %dma_start3A_24] : memref<40x128xi32, #tpu.memory_space<vmem>> -> memref<1x128xi32, #tpu.memory_space<vmem>>
    %dma_start3A_26 = tpu.memref_squeeze %dma_start3A_25 : memref<1x128xi32, #tpu.memory_space<vmem>> -> memref<128xi32, #tpu.memory_space<vmem>>
    %dma_start3A_27 = arith.constant 0 : i32
    %dma_start3A_28 = arith.constant 0 : i32
    %dma_start3A_29 = tpu.memref_slice %arg2[%dma_start3A_27, %dma_start3A_28] : memref<20480x128xf32, #tpu.memory_space<hbm>> -> memref<20480x128xf32, #tpu.memory_space<hbm>>
    tpu.enqueue_indirect_dma source(%dma_start3A_29 : memref<20480x128xf32, #tpu.memory_space<hbm>>) target(%arg8 : memref<128x128xf32, #tpu.memory_space<vmem>>) offsets(%dma_start3A_26 : memref<128xi32, #tpu.memory_space<vmem>>) semaphore(%arg10 : memref<!tpu.dma_semaphore, #tpu.memory_space<semaphore_mem>>)
    %dma_start3A_30 = arith.constant 1 : i32
    %dma_start3A_31 = arith.constant 0 : i32
    %dma_start3A_32 = tpu.memref_slice %arg6[%dma_start3A_30, %dma_start3A_31] : memref<40x128xi32, #tpu.memory_space<vmem>> -> memref<1x128xi32, #tpu.memory_space<vmem>>
    %dma_start3A_33 = tpu.memref_squeeze %dma_start3A_32 : memref<1x128xi32, #tpu.memory_space<vmem>> -> memref<128xi32, #tpu.memory_space<vmem>>
    %dma_start3A_34 = arith.constant 0 : i32
    %dma_start3A_35 = arith.constant 0 : i32
    %dma_start3A_36 = tpu.memref_slice %arg2[%dma_start3A_34, %dma_start3A_35] : memref<20480x128xf32, #tpu.memory_space<hbm>> -> memref<20480x128xf32, #tpu.memory_space<hbm>>
    tpu.enqueue_indirect_dma source(%dma_start3A_36 : memref<20480x128xf32, #tpu.memory_space<hbm>>) target(%arg9 : memref<128x128xf32, #tpu.memory_space<vmem>>) offsets(%dma_start3A_33 : memref<128xi32, #tpu.memory_space<vmem>>) semaphore(%arg11 : memref<!tpu.dma_semaphore, #tpu.memory_space<semaphore_mem>>)
    %scan3A_37 = arith.constant 0 : i32
    %scan3A_38 = arith.constant 0 : i32
    %scan3A_39 = arith.constant 20 : i32
    %scan3A_40 = arith.addi %scan3A_38, %scan3A_39 : i32
    %scan3A_41 = arith.constant 1 : i32
    scf.for %scan3A_49 = %scan3A_38 to %scan3A_40 step %scan3A_41  : i32 {
      %mul3A_50 = arith.constant 2 : i32
      %mul3A_51 = arith.muli %mul3A_50, %scan3A_49 : i32
      %add3A_52 = arith.constant 0 : i32
      %add3A_53 = arith.addi %mul3A_51, %add3A_52 : i32
      %dma_wait3A = arith.constant 0 : i32
      %dma_wait3A_54 = tpu.memref_slice %arg6[%add3A_53, %dma_wait3A] : memref<40x128xi32, #tpu.memory_space<vmem>> -> memref<1x128xi32, #tpu.memory_space<vmem>>
      %dma_wait3A_55 = tpu.memref_squeeze %dma_wait3A_54 : memref<1x128xi32, #tpu.memory_space<vmem>> -> memref<128xi32, #tpu.memory_space<vmem>>
      %dma_wait3A_56 = arith.constant 0 : i32
      %dma_wait3A_57 = arith.constant 0 : i32
      %dma_wait3A_58 = tpu.memref_slice %arg2[%dma_wait3A_56, %dma_wait3A_57] : memref<20480x128xf32, #tpu.memory_space<hbm>> -> memref<20480x128xf32, #tpu.memory_space<hbm>>
      tpu.wait_indirect_dma semaphore(%arg10 : memref<!tpu.dma_semaphore, #tpu.memory_space<semaphore_mem>>) src(%dma_wait3A_58 : memref<20480x128xf32, #tpu.memory_space<hbm>>) dst(%arg8 : memref<128x128xf32, #tpu.memory_space<vmem>>)
      "tpu.region"() ({
        %run_scoped3A = tpu.sem_alloc : memref<!tpu.dma_semaphore, #tpu.memory_space<semaphore_mem>>
        %dma_start3A_78 = arith.constant 0 : i32
        %dma_start3A_79 = tpu.memref_slice %arg7[%add3A_53, %dma_start3A_78] : memref<40x128xi32, #tpu.memory_space<vmem>> -> memref<1x128xi32, #tpu.memory_space<vmem>>
        %dma_start3A_80 = tpu.memref_squeeze %dma_start3A_79 : memref<1x128xi32, #tpu.memory_space<vmem>> -> memref<128xi32, #tpu.memory_space<vmem>>
        %dma_start3A_81 = arith.constant 0 : i32
        %dma_start3A_82 = arith.constant 0 : i32
        %dma_start3A_83 = tpu.memref_slice %arg12[%dma_start3A_81, %dma_start3A_82] : memref<10240x128xf32, #tpu.memory_space<vmem_shared>> -> memref<10240x128xf32, #tpu.memory_space<vmem_shared>>
        tpu.enqueue_indirect_dma source(%arg8 : memref<128x128xf32, #tpu.memory_space<vmem>>) target(%dma_start3A_83 : memref<10240x128xf32, #tpu.memory_space<vmem_shared>>) offsets(%dma_start3A_80 : memref<128xi32, #tpu.memory_space<vmem>>) semaphore(%run_scoped3A : memref<!tpu.dma_semaphore, #tpu.memory_space<semaphore_mem>>) {add = true}
        %dma_wait3A_84 = arith.constant 0 : i32
        %dma_wait3A_85 = tpu.memref_slice %arg7[%add3A_53, %dma_wait3A_84] : memref<40x128xi32, #tpu.memory_space<vmem>> -> memref<1x128xi32, #tpu.memory_space<vmem>>
        %dma_wait3A_86 = tpu.memref_squeeze %dma_wait3A_85 : memref<1x128xi32, #tpu.memory_space<vmem>> -> memref<128xi32, #tpu.memory_space<vmem>>
        %dma_wait3A_87 = arith.constant 0 : i32
        %dma_wait3A_88 = arith.constant 0 : i32
        %dma_wait3A_89 = tpu.memref_slice %arg12[%dma_wait3A_87, %dma_wait3A_88] : memref<10240x128xf32, #tpu.memory_space<vmem_shared>> -> memref<10240x128xf32, #tpu.memory_space<vmem_shared>>
        tpu.wait_indirect_dma semaphore(%run_scoped3A : memref<!tpu.dma_semaphore, #tpu.memory_space<semaphore_mem>>) src(%arg8 : memref<128x128xf32, #tpu.memory_space<vmem>>) dst(%dma_wait3A_89 : memref<10240x128xf32, #tpu.memory_space<vmem_shared>>)
        tpu.yield
      }) : () -> ()
      %add3A_59 = arith.constant 2 : i32
      %add3A_60 = arith.addi %add3A_53, %add3A_59 : i32
      %lt3A = arith.constant 40 : i32
      %lt3A_61 = arith.cmpi slt, %add3A_60, %lt3A : i32
      %convert_element_type3A = arith.extui %lt3A_61 : i1 to i32
      %cond3A = arith.constant 0 : i32
      %cond3A_62 = arith.cmpi ne, %convert_element_type3A, %cond3A : i32
      scf.if %cond3A_62 {
        %add3A_78 = arith.constant 2 : i32
        %add3A_79 = arith.addi %add3A_53, %add3A_78 : i32
        %dma_start3A_80 = arith.constant 0 : i32
        %dma_start3A_81 = tpu.memref_slice %arg6[%add3A_79, %dma_start3A_80] : memref<40x128xi32, #tpu.memory_space<vmem>> -> memref<1x128xi32, #tpu.memory_space<vmem>>
        %dma_start3A_82 = tpu.memref_squeeze %dma_start3A_81 : memref<1x128xi32, #tpu.memory_space<vmem>> -> memref<128xi32, #tpu.memory_space<vmem>>
        %dma_start3A_83 = arith.constant 0 : i32
        %dma_start3A_84 = arith.constant 0 : i32
        %dma_start3A_85 = tpu.memref_slice %arg2[%dma_start3A_83, %dma_start3A_84] : memref<20480x128xf32, #tpu.memory_space<hbm>> -> memref<20480x128xf32, #tpu.memory_space<hbm>>
        tpu.enqueue_indirect_dma source(%dma_start3A_85 : memref<20480x128xf32, #tpu.memory_space<hbm>>) target(%arg8 : memref<128x128xf32, #tpu.memory_space<vmem>>) offsets(%dma_start3A_82 : memref<128xi32, #tpu.memory_space<vmem>>) semaphore(%arg10 : memref<!tpu.dma_semaphore, #tpu.memory_space<semaphore_mem>>)
      } else {
      }
      %add3A_63 = arith.constant 1 : i32
      %add3A_64 = arith.addi %mul3A_51, %add3A_63 : i32
      %dma_wait3A_65 = arith.constant 0 : i32
      %dma_wait3A_66 = tpu.memref_slice %arg6[%add3A_64, %dma_wait3A_65] : memref<40x128xi32, #tpu.memory_space<vmem>> -> memref<1x128xi32, #tpu.memory_space<vmem>>
      %dma_wait3A_67 = tpu.memref_squeeze %dma_wait3A_66 : memref<1x128xi32, #tpu.memory_space<vmem>> -> memref<128xi32, #tpu.memory_space<vmem>>
      %dma_wait3A_68 = arith.constant 0 : i32
      %dma_wait3A_69 = arith.constant 0 : i32
      %dma_wait3A_70 = tpu.memref_slice %arg2[%dma_wait3A_68, %dma_wait3A_69] : memref<20480x128xf32, #tpu.memory_space<hbm>> -> memref<20480x128xf32, #tpu.memory_space<hbm>>
      tpu.wait_indirect_dma semaphore(%arg11 : memref<!tpu.dma_semaphore, #tpu.memory_space<semaphore_mem>>) src(%dma_wait3A_70 : memref<20480x128xf32, #tpu.memory_space<hbm>>) dst(%arg9 : memref<128x128xf32, #tpu.memory_space<vmem>>)
      "tpu.region"() ({
        %run_scoped3A = tpu.sem_alloc : memref<!tpu.dma_semaphore, #tpu.memory_space<semaphore_mem>>
        %dma_start3A_78 = arith.constant 0 : i32
        %dma_start3A_79 = tpu.memref_slice %arg7[%add3A_64, %dma_start3A_78] : memref<40x128xi32, #tpu.memory_space<vmem>> -> memref<1x128xi32, #tpu.memory_space<vmem>>
        %dma_start3A_80 = tpu.memref_squeeze %dma_start3A_79 : memref<1x128xi32, #tpu.memory_space<vmem>> -> memref<128xi32, #tpu.memory_space<vmem>>
        %dma_start3A_81 = arith.constant 0 : i32
        %dma_start3A_82 = arith.constant 0 : i32
        %dma_start3A_83 = tpu.memref_slice %arg12[%dma_start3A_81, %dma_start3A_82] : memref<10240x128xf32, #tpu.memory_space<vmem_shared>> -> memref<10240x128xf32, #tpu.memory_space<vmem_shared>>
        tpu.enqueue_indirect_dma source(%arg9 : memref<128x128xf32, #tpu.memory_space<vmem>>) target(%dma_start3A_83 : memref<10240x128xf32, #tpu.memory_space<vmem_shared>>) offsets(%dma_start3A_80 : memref<128xi32, #tpu.memory_space<vmem>>) semaphore(%run_scoped3A : memref<!tpu.dma_semaphore, #tpu.memory_space<semaphore_mem>>) {add = true}
        %dma_wait3A_84 = arith.constant 0 : i32
        %dma_wait3A_85 = tpu.memref_slice %arg7[%add3A_64, %dma_wait3A_84] : memref<40x128xi32, #tpu.memory_space<vmem>> -> memref<1x128xi32, #tpu.memory_space<vmem>>
        %dma_wait3A_86 = tpu.memref_squeeze %dma_wait3A_85 : memref<1x128xi32, #tpu.memory_space<vmem>> -> memref<128xi32, #tpu.memory_space<vmem>>
        %dma_wait3A_87 = arith.constant 0 : i32
        %dma_wait3A_88 = arith.constant 0 : i32
        %dma_wait3A_89 = tpu.memref_slice %arg12[%dma_wait3A_87, %dma_wait3A_88] : memref<10240x128xf32, #tpu.memory_space<vmem_shared>> -> memref<10240x128xf32, #tpu.memory_space<vmem_shared>>
        tpu.wait_indirect_dma semaphore(%run_scoped3A : memref<!tpu.dma_semaphore, #tpu.memory_space<semaphore_mem>>) src(%arg9 : memref<128x128xf32, #tpu.memory_space<vmem>>) dst(%dma_wait3A_89 : memref<10240x128xf32, #tpu.memory_space<vmem_shared>>)
        tpu.yield
      }) : () -> ()
      %add3A_71 = arith.constant 2 : i32
      %add3A_72 = arith.addi %add3A_64, %add3A_71 : i32
      %lt3A_73 = arith.constant 40 : i32
      %lt3A_74 = arith.cmpi slt, %add3A_72, %lt3A_73 : i32
      %convert_element_type3A_75 = arith.extui %lt3A_74 : i1 to i32
      %cond3A_76 = arith.constant 0 : i32
      %cond3A_77 = arith.cmpi ne, %convert_element_type3A_75, %cond3A_76 : i32
      scf.if %cond3A_77 {
        %add3A_78 = arith.constant 2 : i32
        %add3A_79 = arith.addi %add3A_64, %add3A_78 : i32
        %dma_start3A_80 = arith.constant 0 : i32
        %dma_start3A_81 = tpu.memref_slice %arg6[%add3A_79, %dma_start3A_80] : memref<40x128xi32, #tpu.memory_space<vmem>> -> memref<1x128xi32, #tpu.memory_space<vmem>>
        %dma_start3A_82 = tpu.memref_squeeze %dma_start3A_81 : memref<1x128xi32, #tpu.memory_space<vmem>> -> memref<128xi32, #tpu.memory_space<vmem>>
        %dma_start3A_83 = arith.constant 0 : i32
        %dma_start3A_84 = arith.constant 0 : i32
        %dma_start3A_85 = tpu.memref_slice %arg2[%dma_start3A_83, %dma_start3A_84] : memref<20480x128xf32, #tpu.memory_space<hbm>> -> memref<20480x128xf32, #tpu.memory_space<hbm>>
        tpu.enqueue_indirect_dma source(%dma_start3A_85 : memref<20480x128xf32, #tpu.memory_space<hbm>>) target(%arg9 : memref<128x128xf32, #tpu.memory_space<vmem>>) offsets(%dma_start3A_82 : memref<128xi32, #tpu.memory_space<vmem>>) semaphore(%arg11 : memref<!tpu.dma_semaphore, #tpu.memory_space<semaphore_mem>>)
      } else {
      }
    }
    %scan3A_42 = arith.constant 20 : i32
    %barrier3A_43 = arith.constant 0 : index
    tpu.barrier barrier_id(%barrier3A_43)
    %mul3A_44 = arith.constant 640 : i32
    %mul3A_45 = arith.muli %arg1, %mul3A_44 : i32
    %mul3A_46 = arith.constant 640 : i32
    %mul3A_47 = arith.muli %arg1, %mul3A_46 : i32
    %add3A_48 = arith.addi %mul3A_0, %mul3A_47 : i32
    "tpu.region"() ({
      %run_scoped3A = tpu.sem_alloc : memref<!tpu.dma_semaphore, #tpu.memory_space<semaphore_mem>>
      %dma_start3A_49 = arith.constant 0 : i32
      %dma_start3A_50 = tpu.memref_slice %arg5[%add3A_48, %dma_start3A_49] : memref<20480x128xf32, #tpu.memory_space<hbm>> -> memref<640x128xf32, #tpu.memory_space<hbm>>
      %dma_start3A_51 = arith.constant 0 : i32
      %dma_start3A_52 = tpu.memref_slice %arg12[%mul3A_45, %dma_start3A_51] : memref<10240x128xf32, #tpu.memory_space<vmem_shared>> -> memref<640x128xf32, #tpu.memory_space<vmem_shared>>
      tpu.enqueue_dma source(%dma_start3A_52 : memref<640x128xf32, #tpu.memory_space<vmem_shared>>) target(%dma_start3A_50 : memref<640x128xf32, #tpu.memory_space<hbm>>) target_semaphore(%run_scoped3A : memref<!tpu.dma_semaphore, #tpu.memory_space<semaphore_mem>>)
      %dma_wait3A = arith.constant 0 : i32
      %dma_wait3A_53 = tpu.memref_slice %arg5[%add3A_48, %dma_wait3A] : memref<20480x128xf32, #tpu.memory_space<hbm>> -> memref<640x128xf32, #tpu.memory_space<hbm>>
      %dma_wait3A_54 = arith.constant 0 : i32
      %dma_wait3A_55 = tpu.memref_slice %arg12[%mul3A_45, %dma_wait3A_54] : memref<10240x128xf32, #tpu.memory_space<vmem_shared>> -> memref<640x128xf32, #tpu.memory_space<vmem_shared>>
      tpu.wait_dma2 semaphore(%run_scoped3A : memref<!tpu.dma_semaphore, #tpu.memory_space<semaphore_mem>>) src(%dma_wait3A_55 : memref<640x128xf32, #tpu.memory_space<vmem_shared>>) dst(%dma_wait3A_53 : memref<640x128xf32, #tpu.memory_space<hbm>>)
      tpu.yield
    }) : () -> ()
    return
  }
}

module attributes {stable_mosaic.version = 14 : i64} {
  func.func @_mm_first_body(%arg0: i32, %arg1: memref<1024x256xf32, #tpu.memory_space<vmem>>, %arg2: memref<256x256xf32, #tpu.memory_space<vmem>>, %arg3: memref<2x1024x128xf32, #tpu.memory_space<vmem>>, %arg4: memref<2x1024x128xf32, #tpu.memory_space<vmem>>) attributes {dimension_semantics = [#tpu.dimension_semantics<arbitrary>], iteration_bounds = array<i64: 10>, scalar_prefetch = 0 : i64, scratch_operands = 0 : i64, tpu.core_type = #tpu.core_type<tc>, window_params = [{transform_indices = @transform_0, window_bounds = array<i64: 1024, 256>}, {pipeline_mode = #tpu.pipeline_mode<synchronous>, transform_indices = @transform_1, window_bounds = array<i64: 256, 256>}, {transform_indices = @transform_2, window_bounds = array<i64: 2, 1024, 128>}, {transform_indices = @transform_3, window_bounds = array<i64: 2, 1024, 128>}]} {
    %get3A = arith.constant 0 : index
    %get3A_0 = arith.constant 0 : index
    %get3A_1 = arith.constant 0 : index
    %get3A_2 = vector.load %arg3[%get3A, %get3A_0, %get3A_1] : memref<2x1024x128xf32, #tpu.memory_space<vmem>>, vector<1x1024x1xf32>
    %get3A_3 = vector.shape_cast %get3A_2 : vector<1x1024x1xf32> to vector<1024x1xf32>
    %get3A_4 = arith.constant 1 : index
    %get3A_5 = arith.constant 0 : index
    %get3A_6 = arith.constant 0 : index
    %get3A_7 = vector.load %arg3[%get3A_4, %get3A_5, %get3A_6] : memref<2x1024x128xf32, #tpu.memory_space<vmem>>, vector<1x1024x1xf32>
    %get3A_8 = vector.shape_cast %get3A_7 : vector<1x1024x1xf32> to vector<1024x1xf32>
    %add3A = arith.addf %get3A_3, %get3A_8 : vector<1024x1xf32>
    %add3A_9 = arith.constant 1.000000e+00 : f32
    %add3A_10 = vector.broadcast %add3A_9 : f32 to vector<1024x1xf32>
    %add3A_11 = arith.addf %add3A, %add3A_10 : vector<1024x1xf32>
    %rsqrt3A = math.rsqrt %add3A_11 : vector<1024x1xf32>
    %get3A_12 = arith.constant 0 : index
    %get3A_13 = arith.constant 0 : index
    %get3A_14 = vector.load %arg1[%get3A_12, %get3A_13] : memref<1024x256xf32, #tpu.memory_space<vmem>>, vector<1024x256xf32>
    %get3A_15 = arith.constant 0 : index
    %get3A_16 = arith.constant 0 : index
    %get3A_17 = vector.load %arg2[%get3A_15, %get3A_16] : memref<256x256xf32, #tpu.memory_space<vmem>>, vector<256x256xf32>
    %dot_general3A = arith.constant dense<0.000000e+00> : vector<1024x256xf32>
    %dot_general3A_18 = tpu.matmul %get3A_14, %get3A_17, %dot_general3A {dimension_numbers = #tpu.dot_dimension_numbers<[1], [0], [0], [1], [0, 0, 1, 1], [], []>, transpose_lhs_hint = false} : vector<1024x256xf32>, vector<256x256xf32>, vector<1024x256xf32> -> vector<1024x256xf32>
    %mul3A = vector.broadcast %rsqrt3A : vector<1024x1xf32> to vector<1024x256xf32>
    %mul3A_19 = arith.mulf %dot_general3A_18, %mul3A : vector<1024x256xf32>
    %slice3A = vector.extract_strided_slice %mul3A_19 {offsets = [0, 0], sizes = [1024, 128], strides = [1, 1]} : vector<1024x256xf32> to vector<1024x128xf32>
    %swap3A = arith.constant 0 : index
    %swap3A_20 = arith.constant 0 : index
    %swap3A_21 = arith.constant 0 : index
    %swap3A_22 = vector.load %arg4[%swap3A, %swap3A_20, %swap3A_21] : memref<2x1024x128xf32, #tpu.memory_space<vmem>>, vector<1x1024x128xf32>
    %swap3A_23 = vector.shape_cast %swap3A_22 : vector<1x1024x128xf32> to vector<1024x128xf32>
    %swap3A_24 = vector.shape_cast %slice3A : vector<1024x128xf32> to vector<1x1024x128xf32>
    tpu.vector_store %arg4[%swap3A, %swap3A_20, %swap3A_21], %swap3A_24 {strides = array<i32>} : memref<2x1024x128xf32, #tpu.memory_space<vmem>>, vector<1x1024x128xf32>,
    %slice3A_25 = vector.extract_strided_slice %mul3A_19 {offsets = [0, 128], sizes = [1024, 128], strides = [1, 1]} : vector<1024x256xf32> to vector<1024x128xf32>
    %swap3A_26 = arith.constant 1 : index
    %swap3A_27 = arith.constant 0 : index
    %swap3A_28 = arith.constant 0 : index
    %swap3A_29 = vector.load %arg4[%swap3A_26, %swap3A_27, %swap3A_28] : memref<2x1024x128xf32, #tpu.memory_space<vmem>>, vector<1x1024x128xf32>
    %swap3A_30 = vector.shape_cast %swap3A_29 : vector<1x1024x128xf32> to vector<1024x128xf32>
    %swap3A_31 = vector.shape_cast %slice3A_25 : vector<1024x128xf32> to vector<1x1024x128xf32>
    tpu.vector_store %arg4[%swap3A_26, %swap3A_27, %swap3A_28], %swap3A_31 {strides = array<i32>} : memref<2x1024x128xf32, #tpu.memory_space<vmem>>, vector<1x1024x128xf32>,
    return
  }
  func.func @transform_0(%arg0: i32) -> (i32, i32) {
    %c0_i32 = arith.constant 0 : i32
    %c0_i32_0 = arith.constant 0 : i32
    return %arg0, %c0_i32 : i32, i32
  }
  func.func @transform_1(%arg0: i32) -> (i32, i32) {
    %c0_i32 = arith.constant 0 : i32
    %c0_i32_0 = arith.constant 0 : i32
    %c0_i32_1 = arith.constant 0 : i32
    return %c0_i32, %c0_i32_0 : i32, i32
  }
  func.func @transform_2(%arg0: i32) -> (i32, i32, i32) {
    %c0_i32 = arith.constant 0 : i32
    %c0_i32_0 = arith.constant 0 : i32
    %c0_i32_1 = arith.constant 0 : i32
    return %c0_i32, %arg0, %c0_i32_0 : i32, i32, i32
  }
  func.func @transform_3(%arg0: i32) -> (i32, i32, i32) {
    %c0_i32 = arith.constant 0 : i32
    %c0_i32_0 = arith.constant 0 : i32
    %c0_i32_1 = arith.constant 0 : i32
    return %c0_i32, %arg0, %c0_i32_0 : i32, i32, i32
  }
}

module attributes {stable_mosaic.version = 14 : i64} {
  func.func @_mm_mid_body(%arg0: i32, %arg1: memref<2x1024x128xf32, #tpu.memory_space<vmem>>, %arg2: memref<2x1024x128xf32, #tpu.memory_space<vmem>>, %arg3: memref<1x256xf32, #tpu.memory_space<vmem>>, %arg4: memref<256x256xf32, #tpu.memory_space<vmem>>, %arg5: memref<2x1024x128xf32, #tpu.memory_space<vmem>>) attributes {dimension_semantics = [#tpu.dimension_semantics<arbitrary>], iteration_bounds = array<i64: 10>, scalar_prefetch = 0 : i64, scratch_operands = 0 : i64, tpu.core_type = #tpu.core_type<tc>, window_params = [{transform_indices = @transform_0, window_bounds = array<i64: 2, 1024, 128>}, {transform_indices = @transform_1, window_bounds = array<i64: 2, 1024, 128>}, {pipeline_mode = #tpu.pipeline_mode<synchronous>, transform_indices = @transform_2, window_bounds = array<i64: 1, 256>}, {pipeline_mode = #tpu.pipeline_mode<synchronous>, transform_indices = @transform_3, window_bounds = array<i64: 256, 256>}, {transform_indices = @transform_4, window_bounds = array<i64: 2, 1024, 128>}]} {
    %get3A = arith.constant 0 : index
    %get3A_0 = arith.constant 0 : index
    %get3A_1 = arith.constant 0 : index
    %get3A_2 = vector.load %arg2[%get3A, %get3A_0, %get3A_1] : memref<2x1024x128xf32, #tpu.memory_space<vmem>>, vector<1x1024x1xf32>
    %get3A_3 = vector.shape_cast %get3A_2 : vector<1x1024x1xf32> to vector<1024x1xf32>
    %get3A_4 = arith.constant 1 : index
    %get3A_5 = arith.constant 0 : index
    %get3A_6 = arith.constant 0 : index
    %get3A_7 = vector.load %arg2[%get3A_4, %get3A_5, %get3A_6] : memref<2x1024x128xf32, #tpu.memory_space<vmem>>, vector<1x1024x1xf32>
    %get3A_8 = vector.shape_cast %get3A_7 : vector<1x1024x1xf32> to vector<1024x1xf32>
    %add3A = arith.addf %get3A_3, %get3A_8 : vector<1024x1xf32>
    %add3A_9 = arith.constant 1.000000e+00 : f32
    %add3A_10 = vector.broadcast %add3A_9 : f32 to vector<1024x1xf32>
    %add3A_11 = arith.addf %add3A, %add3A_10 : vector<1024x1xf32>
    %rsqrt3A = math.rsqrt %add3A_11 : vector<1024x1xf32>
    %get3A_12 = arith.constant 0 : index
    %get3A_13 = arith.constant 0 : index
    %get3A_14 = arith.constant 0 : index
    %get3A_15 = vector.load %arg1[%get3A_12, %get3A_13, %get3A_14] : memref<2x1024x128xf32, #tpu.memory_space<vmem>>, vector<1x1024x128xf32>
    %get3A_16 = vector.shape_cast %get3A_15 : vector<1x1024x128xf32> to vector<1024x128xf32>
    %get3A_17 = arith.constant 1 : index
    %get3A_18 = arith.constant 0 : index
    %get3A_19 = arith.constant 0 : index
    %get3A_20 = vector.load %arg1[%get3A_17, %get3A_18, %get3A_19] : memref<2x1024x128xf32, #tpu.memory_space<vmem>>, vector<1x1024x128xf32>
    %get3A_21 = vector.shape_cast %get3A_20 : vector<1x1024x128xf32> to vector<1024x128xf32>
    %concatenate3A = tpu.concatenate %get3A_16, %get3A_21 in 1 : vector<1024x128xf32>, vector<1024x128xf32> -> vector<1024x256xf32>
    %mul3A = vector.broadcast %rsqrt3A : vector<1024x1xf32> to vector<1024x256xf32>
    %mul3A_22 = arith.mulf %concatenate3A, %mul3A : vector<1024x256xf32>
    %get3A_23 = arith.constant 0 : index
    %get3A_24 = arith.constant 0 : index
    %get3A_25 = vector.load %arg3[%get3A_23, %get3A_24] : memref<1x256xf32, #tpu.memory_space<vmem>>, vector<1x256xf32>
    %add3A_26 = vector.broadcast %get3A_25 : vector<1x256xf32> to vector<1024x256xf32>
    %add3A_27 = arith.addf %mul3A_22, %add3A_26 : vector<1024x256xf32>
    %max3A = arith.constant 0.000000e+00 : f32
    %max3A_28 = vector.broadcast %max3A : f32 to vector<1024x256xf32>
    %max3A_29 = arith.maximumf %add3A_27, %max3A_28 : vector<1024x256xf32>
    %get3A_30 = arith.constant 0 : index
    %get3A_31 = arith.constant 0 : index
    %get3A_32 = vector.load %arg4[%get3A_30, %get3A_31] : memref<256x256xf32, #tpu.memory_space<vmem>>, vector<256x256xf32>
    %dot_general3A = arith.constant dense<0.000000e+00> : vector<1024x256xf32>
    %dot_general3A_33 = tpu.matmul %max3A_29, %get3A_32, %dot_general3A {dimension_numbers = #tpu.dot_dimension_numbers<[1], [0], [0], [1], [0, 0, 1, 1], [], []>, transpose_lhs_hint = false} : vector<1024x256xf32>, vector<256x256xf32>, vector<1024x256xf32> -> vector<1024x256xf32>
    %mul3A_34 = vector.broadcast %rsqrt3A : vector<1024x1xf32> to vector<1024x256xf32>
    %mul3A_35 = arith.mulf %dot_general3A_33, %mul3A_34 : vector<1024x256xf32>
    %slice3A = vector.extract_strided_slice %mul3A_35 {offsets = [0, 0], sizes = [1024, 128], strides = [1, 1]} : vector<1024x256xf32> to vector<1024x128xf32>
    %swap3A = arith.constant 0 : index
    %swap3A_36 = arith.constant 0 : index
    %swap3A_37 = arith.constant 0 : index
    %swap3A_38 = vector.load %arg5[%swap3A, %swap3A_36, %swap3A_37] : memref<2x1024x128xf32, #tpu.memory_space<vmem>>, vector<1x1024x128xf32>
    %swap3A_39 = vector.shape_cast %swap3A_38 : vector<1x1024x128xf32> to vector<1024x128xf32>
    %swap3A_40 = vector.shape_cast %slice3A : vector<1024x128xf32> to vector<1x1024x128xf32>
    tpu.vector_store %arg5[%swap3A, %swap3A_36, %swap3A_37], %swap3A_40 {strides = array<i32>} : memref<2x1024x128xf32, #tpu.memory_space<vmem>>, vector<1x1024x128xf32>,
    %slice3A_41 = vector.extract_strided_slice %mul3A_35 {offsets = [0, 128], sizes = [1024, 128], strides = [1, 1]} : vector<1024x256xf32> to vector<1024x128xf32>
    %swap3A_42 = arith.constant 1 : index
    %swap3A_43 = arith.constant 0 : index
    %swap3A_44 = arith.constant 0 : index
    %swap3A_45 = vector.load %arg5[%swap3A_42, %swap3A_43, %swap3A_44] : memref<2x1024x128xf32, #tpu.memory_space<vmem>>, vector<1x1024x128xf32>
    %swap3A_46 = vector.shape_cast %swap3A_45 : vector<1x1024x128xf32> to vector<1024x128xf32>
    %swap3A_47 = vector.shape_cast %slice3A_41 : vector<1024x128xf32> to vector<1x1024x128xf32>
    tpu.vector_store %arg5[%swap3A_42, %swap3A_43, %swap3A_44], %swap3A_47 {strides = array<i32>} : memref<2x1024x128xf32, #tpu.memory_space<vmem>>, vector<1x1024x128xf32>,
    return
  }
  func.func @transform_0(%arg0: i32) -> (i32, i32, i32) {
    %c0_i32 = arith.constant 0 : i32
    %c0_i32_0 = arith.constant 0 : i32
    %c0_i32_1 = arith.constant 0 : i32
    return %c0_i32, %arg0, %c0_i32_0 : i32, i32, i32
  }
  func.func @transform_1(%arg0: i32) -> (i32, i32, i32) {
    %c0_i32 = arith.constant 0 : i32
    %c0_i32_0 = arith.constant 0 : i32
    %c0_i32_1 = arith.constant 0 : i32
    return %c0_i32, %arg0, %c0_i32_0 : i32, i32, i32
  }
  func.func @transform_2(%arg0: i32) -> (i32, i32) {
    %c0_i32 = arith.constant 0 : i32
    %c0_i32_0 = arith.constant 0 : i32
    %c0_i32_1 = arith.constant 0 : i32
    return %c0_i32, %c0_i32_0 : i32, i32
  }
  func.func @transform_3(%arg0: i32) -> (i32, i32) {
    %c0_i32 = arith.constant 0 : i32
    %c0_i32_0 = arith.constant 0 : i32
    %c0_i32_1 = arith.constant 0 : i32
    return %c0_i32, %c0_i32_0 : i32, i32
  }
  func.func @transform_4(%arg0: i32) -> (i32, i32, i32) {
    %c0_i32 = arith.constant 0 : i32
    %c0_i32_0 = arith.constant 0 : i32
    %c0_i32_1 = arith.constant 0 : i32
    return %c0_i32, %arg0, %c0_i32_0 : i32, i32, i32
  }
}

module attributes {stable_mosaic.version = 14 : i64} {
  func.func @_mm_final_body(%arg0: i32, %arg1: memref<2x1024x128xf32, #tpu.memory_space<vmem>>, %arg2: memref<2x1024x128xf32, #tpu.memory_space<vmem>>, %arg3: memref<1x256xf32, #tpu.memory_space<vmem>>, %arg4: memref<1024x256xf32, #tpu.memory_space<vmem>>) attributes {dimension_semantics = [#tpu.dimension_semantics<arbitrary>], iteration_bounds = array<i64: 10>, scalar_prefetch = 0 : i64, scratch_operands = 0 : i64, tpu.core_type = #tpu.core_type<tc>, window_params = [{transform_indices = @transform_0, window_bounds = array<i64: 2, 1024, 128>}, {transform_indices = @transform_1, window_bounds = array<i64: 2, 1024, 128>}, {pipeline_mode = #tpu.pipeline_mode<synchronous>, transform_indices = @transform_2, window_bounds = array<i64: 1, 256>}, {transform_indices = @transform_3, window_bounds = array<i64: 1024, 256>}]} {
    %get3A = arith.constant 0 : index
    %get3A_0 = arith.constant 0 : index
    %get3A_1 = arith.constant 0 : index
    %get3A_2 = vector.load %arg2[%get3A, %get3A_0, %get3A_1] : memref<2x1024x128xf32, #tpu.memory_space<vmem>>, vector<1x1024x1xf32>
    %get3A_3 = vector.shape_cast %get3A_2 : vector<1x1024x1xf32> to vector<1024x1xf32>
    %get3A_4 = arith.constant 1 : index
    %get3A_5 = arith.constant 0 : index
    %get3A_6 = arith.constant 0 : index
    %get3A_7 = vector.load %arg2[%get3A_4, %get3A_5, %get3A_6] : memref<2x1024x128xf32, #tpu.memory_space<vmem>>, vector<1x1024x1xf32>
    %get3A_8 = vector.shape_cast %get3A_7 : vector<1x1024x1xf32> to vector<1024x1xf32>
    %add3A = arith.addf %get3A_3, %get3A_8 : vector<1024x1xf32>
    %add3A_9 = arith.constant 1.000000e+00 : f32
    %add3A_10 = vector.broadcast %add3A_9 : f32 to vector<1024x1xf32>
    %add3A_11 = arith.addf %add3A, %add3A_10 : vector<1024x1xf32>
    %rsqrt3A = math.rsqrt %add3A_11 : vector<1024x1xf32>
    %get3A_12 = arith.constant 0 : index
    %get3A_13 = arith.constant 0 : index
    %get3A_14 = arith.constant 0 : index
    %get3A_15 = vector.load %arg1[%get3A_12, %get3A_13, %get3A_14] : memref<2x1024x128xf32, #tpu.memory_space<vmem>>, vector<1x1024x128xf32>
    %get3A_16 = vector.shape_cast %get3A_15 : vector<1x1024x128xf32> to vector<1024x128xf32>
    %get3A_17 = arith.constant 1 : index
    %get3A_18 = arith.constant 0 : index
    %get3A_19 = arith.constant 0 : index
    %get3A_20 = vector.load %arg1[%get3A_17, %get3A_18, %get3A_19] : memref<2x1024x128xf32, #tpu.memory_space<vmem>>, vector<1x1024x128xf32>
    %get3A_21 = vector.shape_cast %get3A_20 : vector<1x1024x128xf32> to vector<1024x128xf32>
    %concatenate3A = tpu.concatenate %get3A_16, %get3A_21 in 1 : vector<1024x128xf32>, vector<1024x128xf32> -> vector<1024x256xf32>
    %mul3A = vector.broadcast %rsqrt3A : vector<1024x1xf32> to vector<1024x256xf32>
    %mul3A_22 = arith.mulf %concatenate3A, %mul3A : vector<1024x256xf32>
    %get3A_23 = arith.constant 0 : index
    %get3A_24 = arith.constant 0 : index
    %get3A_25 = vector.load %arg3[%get3A_23, %get3A_24] : memref<1x256xf32, #tpu.memory_space<vmem>>, vector<1x256xf32>
    %add3A_26 = vector.broadcast %get3A_25 : vector<1x256xf32> to vector<1024x256xf32>
    %add3A_27 = arith.addf %mul3A_22, %add3A_26 : vector<1024x256xf32>
    %swap3A = arith.constant 0 : index
    %swap3A_28 = arith.constant 0 : index
    %swap3A_29 = vector.load %arg4[%swap3A, %swap3A_28] : memref<1024x256xf32, #tpu.memory_space<vmem>>, vector<1024x256xf32>
    tpu.vector_store %arg4[%swap3A, %swap3A_28], %add3A_27 {strides = array<i32>} : memref<1024x256xf32, #tpu.memory_space<vmem>>, vector<1024x256xf32>,
    return
  }
  func.func @transform_0(%arg0: i32) -> (i32, i32, i32) {
    %c0_i32 = arith.constant 0 : i32
    %c0_i32_0 = arith.constant 0 : i32
    %c0_i32_1 = arith.constant 0 : i32
    return %c0_i32, %arg0, %c0_i32_0 : i32, i32, i32
  }
  func.func @transform_1(%arg0: i32) -> (i32, i32, i32) {
    %c0_i32 = arith.constant 0 : i32
    %c0_i32_0 = arith.constant 0 : i32
    %c0_i32_1 = arith.constant 0 : i32
    return %c0_i32, %arg0, %c0_i32_0 : i32, i32, i32
  }
  func.func @transform_2(%arg0: i32) -> (i32, i32) {
    %c0_i32 = arith.constant 0 : i32
    %c0_i32_0 = arith.constant 0 : i32
    %c0_i32_1 = arith.constant 0 : i32
    return %c0_i32, %c0_i32_0 : i32, i32
  }
  func.func @transform_3(%arg0: i32) -> (i32, i32) {
    %c0_i32 = arith.constant 0 : i32
    %c0_i32_0 = arith.constant 0 : i32
    return %arg0, %c0_i32 : i32, i32
  }
}

</mosaic_0001>

<sc_bundles>
// kernel: kernel.10.cloned.1.call-start
scs
__scs_entry_jumppad:
0x0: {  	(pc) =	sbr.rel $0x88, $3  }
0x1: {  	(tag) =	ssettag $0x0;
	lr =	simm.s32 $0x1  }
0x2: {  	[smem:$0x3F99] =	sst lr;
	_ =	strace $0xD0000000  }
0x3: {  	_ = 	snop  }
0x4: {  	_ = 	snop  }
0x5: {  	_ = 	snop  }
0x6: {  	_ = 	snop  }
0x7: {  	_ = 	snop  }
__scs_overlays_trampoline_lowered:
0x8: {  	[smem:$0x3FA8] =	sst s0  }
0x9: {  	[smem:$0x3FA9] =	sst s1  }
0xa: {  	[smem:$0x3FAA] =	sst s2  }
0xb: {  	[smem:$0x3FAB] =	sst s3  }
0xc: {  	[smem:$0x3FAC] =	sst s4  }
0xd: {  	[smem:$0x3FAD] =	sst s5  }
0xe: {  	[smem:$0x3FAE] =	sst s6  }
0xf: {  	[smem:$0x3FAF] =	sst s7  }
0x10: {  	[smem:$0x3FB0] =	sst s8  }
0x11: {  	[smem:$0x3FB1] =	sst s9;
	s0 =	simm.s32 @!p0 $0x0  }
0x12: {  	s1 =	sld [smem:$0x3F97];
	s0 =	simm.s32 @p0 $0x1  }
0x13: {  	[smem:$0x3FB2] =	sst s0;
	s0 =	simm.s32 @!p1 $0x0  }
0x14: {  	s2 =	sld [smem:$0x3F96];
	s0 =	simm.s32 @p1 $0x1  }
0x15: {  	[smem:$0x3FB3] =	sst s0;
	s0 =	simm.s32 @!p2 $0x0  }
0x16: {  	s3 =	sld [smem:$0x3FDB];
	s0 =	simm.s32 @p2 $0x1  }
0x17: {  	s4 =	simm.s32 $0x1BF5;
	[smem:$0x3FB5] =	sst s0  }
0x18: {  	s0 =	sld [smem:$0x3F98];
	_ =	swait.ge [sflag:s4], $0x0  }
0x19: {  	s7 =	sld [smem:$0x3F99]  }
0x1a: {  	s8 =	sadd.s32 $0xFFFFE003, lr  }
0x1b: {  	s9 =	sadd.s32 $0xFFFFFEF7, lr;
	s5 =	simm.s32 $0xFFFFFFFF;
	p2 =	slt.u32 s8, $0xFFFFF086  }
0x1c: {  	p1 =	slt.u32 s9, $0xF7A;
	s5 =	simm.s32 @!p2 $0x0  }
0x1d: {  	s5 =	simm.s32 @p1 $0x1;
	p0 =	seq.s32 s7, s2  }
0x1e: {  	s7 =	smul.u32 @!p0 $0xF7A, s2;
	p2 =	seq.s32 @!p0 s5, $0x0  }
0x1f: {  	s9 =	smul.u32 $0xF7A, s1;
	s8 =	simm.s32 @!p0 $0x1BF5;
	p2 =	por !p2, p0  }
0x20: {  	[sflag:s8] =	ssyncset.s32 @!p0 $0xFFFFF086;
	s6 =	sadd.s32 @!p0 s3, s7;
	s7 =	simm.s32 @!p0 $0x108  }
0x21: {  	s3 =	sadd.s32 s3, s9;
	s6 =	sadd.s32 @!p0 $0x88, s6;
	s7 =	simm.s32 @p2 $0x1082  }
0x22: {  	[simem:s7], [sflag:s8] =	dma.local @!p0 [hbm:s6], $0xF7A  }
0x23: {  	s9 =	sor.u32 $0xD0000000, s2;
	s6 =	simm.s32 $0x108;
	_ =	swait.ge @!p0 [sflag:s8], $0x0  }
0x24: {  	s3 =	sadd.s32 $0x88, s3;
	s6 =	simm.s32 @!p1 $0x1082;
	[sflag:s4] =	ssyncset.s32 $0xFFFFF086  }
0x25: {  	[simem:s6], [sflag:s4] =	dma.local [hbm:s3], $0xF7A  }
0x26: {  	[smem:$0x3F99] =	sst s1;
	(tag) =	ssettag s2;
	_ =	strace s9  }
0x27: {  	s1 =	sld [smem:$0x3FA9]  }
0x28: {  	s2 =	sld [smem:$0x3FAA]  }
0x29: {  	s4 =	sld [smem:$0x3FAC]  }
0x2a: {  	p0 =	seq.s32 s5, $0x0;
	s5 =	sld [smem:$0x3FAD]  }
0x2b: {  	s6 =	sld [smem:$0x3FAE]  }
0x2c: {  	s7 =	sld [smem:$0x3FAF]  }
0x2d: {  	s3 =	simm.s32 $0x108;
	s8 =	sld [smem:$0x3FB0]  }
0x2e: {  	s3 =	simm.s32 @!p0 $0x1082;
	s9 =	sld [smem:$0x3FB1]  }
0x2f: {  	lr =	sadd.s32 s0, s3;
	s0 =	sld [smem:$0x3FA8]  }
0x30: {  	s3 =	sld [smem:$0x3FAB]  }
0x31: {  	[smem:$0x3FB4] =	sst s10  }
0x32: {  	s10 =	sld [smem:$0x3FB2];
	_ =	sdelay $0x3  }
0x33: {  	p0 =	seq.s32 s10, $0x1;
	s10 =	sld [smem:$0x3FB4];
	_ =	sdelay $0x3  }
0x34: {  	[smem:$0x3FB4] =	sst s10  }
0x35: {  	s10 =	sld [smem:$0x3FB3];
	_ =	sdelay $0x3  }
0x36: {  	p1 =	seq.s32 s10, $0x1;
	s10 =	sld [smem:$0x3FB4];
	_ =	sdelay $0x3  }
0x37: {  	[smem:$0x3FB4] =	sst s10  }
0x38: {  	s10 =	sld [smem:$0x3FB5]  }
0x39: {  	_ = 	snop;
	(pc) =	sbr.ind lr, $3  }
0x3a: {  	_ = 	snop  }
0x3b: {  	_ = 	snop  }
0x3c: {  	p2 =	seq.s32 s10, $0x1;
	s10 =	sld [smem:$0x3FB4]  }
0x3d: {  	_ =	shalt  }
0x3e: {  	_ =	shalt  }
0x3f: {  	_ =	shalt  }
0x40: {  	_ =	shalt  }
0x41: {  	_ =	shalt  }
0x42: {  	_ =	shalt  }
0x43: {  	_ =	shalt  }
0x44: {  	_ =	shalt  }
0x45: {  	_ =	shalt  }
0x46: {  	_ =	shalt  }
0x47: {  	_ =	shalt  }
0x48: {  	_ =	shalt  }
0x49: {  	_ =	shalt  }
0x4a: {  	_ =	shalt  }
0x4b: {  	_ =	shalt  }
0x4c: {  	_ =	shalt  }
0x4d: {  	_ =	shalt  }
0x4e: {  	_ =	shalt  }
0x4f: {  	_ =	shalt  }
0x50: {  	_ =	shalt  }
0x51: {  	_ =	shalt  }
0x52: {  	_ =	shalt  }
0x53: {  	_ =	shalt  }
0x54: {  	_ =	shalt  }
0x55: {  	_ =	shalt  }
0x56: {  	_ =	shalt  }
0x57: {  	_ =	shalt  }
0x58: {  	_ =	shalt  }
0x59: {  	_ =	shalt  }
0x5a: {  	_ =	shalt  }
0x5b: {  	_ =	shalt  }
0x5c: {  	_ =	shalt  }
0x5d: {  	_ =	shalt  }
0x5e: {  	_ =	shalt  }
0x5f: {  	_ =	shalt  }
0x60: {  	_ =	shalt  }
0x61: {  	_ =	shalt  }
0x62: {  	_ =	shalt  }
0x63: {  	_ =	shalt  }
0x64: {  	_ =	shalt  }
0x65: {  	_ =	shalt  }
0x66: {  	_ =	shalt  }
0x67: {  	_ =	shalt  }
0x68: {  	_ =	shalt  }
0x69: {  	_ =	shalt  }
0x6a: {  	_ =	shalt  }
0x6b: {  	_ =	shalt  }
0x6c: {  	_ =	shalt  }
0x6d: {  	_ =	shalt  }
0x6e: {  	_ =	shalt  }
0x6f: {  	_ =	shalt  }
0x70: {  	_ =	shalt  }
0x71: {  	_ =	shalt  }
0x72: {  	_ =	shalt  }
0x73: {  	_ =	shalt  }
0x74: {  	_ =	shalt  }
0x75: {  	_ =	shalt  }
0x76: {  	_ =	shalt  }
0x77: {  	_ =	shalt  }
0x78: {  	_ =	shalt  }
0x79: {  	_ =	shalt  }
0x7a: {  	_ =	shalt  }
0x7b: {  	_ =	shalt  }
0x7c: {  	_ =	shalt  }
0x7d: {  	_ =	shalt  }
0x7e: {  	_ =	shalt  }
0x7f: {  	_ =	shalt  }
0x80: {  	_ =	shalt  }
0x81: {  	_ =	shalt  }
0x82: {  	_ =	shalt  }
0x83: {  	_ =	shalt  }
0x84: {  	_ =	shalt  }
0x85: {  	_ =	shalt  }
0x86: {  	_ =	shalt  }
0x87: {  	_ =	shalt  }
.Lfunc_end0:
.L_simem_size_0:
called_computation_lowered:
.L_overlay_start_0:
0x88: {  	s2 =	sld [smem:$0x3FD9]  }
0x89: {  	s3 =	sld [smem:$0x3FFE];
	_ =	sdelay $0x1  }
0x8a: {  	s1 =	srdreg.scid  }
0x8b: {  	s0 =	sand.u32 $0x1, s1  }
0x8c: {  	s17 =	sshll.u32 s0, $0xA;
	s2 =	sadd.s32 s3, s2  }
0x8d: {  	s2 =	sadd.s32 s2, s17  }
0x8e: {  	[smem:$0x3FC0] =	sst s2  }
0x8f: {  	_ = 	snop  }
0x90: {  	s2 =	sld [smem:$0x3FD0];
	(tm) =	ssettm $0x1  }
0x91: {  	s18 =	sld [smem:$0x3FFB];
	_ =	sdelay $0x3  }
0x92: {  	_ =	strace s18  }
0x93: {  	s3 =	sld [smem:$0x3FFC];
	_ =	sdelay $0x3  }
0x94: {  	_ =	strace s3  }
0x95: {  	s3 =	sld [smem:$0x3FFD];
	_ =	sdelay $0x3  }
0x96: {  	_ =	strace s3  }
0x97: {  	_ =	strace $0x8FFFFFFF  }
0x98: {  	s19 =	sld [smem:$0x3FDB];
	_ =	sdelay $0x1  }
0x99: {  	s4 =	simm.s32 $_scs_section_size  }
0x9a: {  	s5 =	simm.s32 $_size__tile_overlayer_lowered;
	s6 =	simm.s32 $_tile_overlayer_lowered  }
0x9b: {  	s22 =	simm.s32 $0x1BFF;
	s21 =	sshll.u32 s6, $0x1;
	s3 =	sadd.s32 s4, s19  }
0x9c: {  	s7 =	simm.s32 $0x0;
	s20 =	sshll.u32 s5, $0x1;
	s5 =	sadd.s32 s21, s3  }
0x9d: {  	[timem:s7], [sflag:s22] =	dma.local [hbm:s5], s20  }
0x9e: {  	_ =	swait.ge [sflag:s22], s20  }
0x9f: {  	s4 =	ssub.s32 $0x0, s20;
	[sflag:s22] =	ssyncset.done $0x0  }
0xa0: {  	[sflag:s22] =	ssyncadd.s32 s4;
	_ =	sdelay $0x1  }
0xa1: {  	s23 =	simm.s32 $0x1B8B  }
0xa2: {  	_ =	swait.ge [sflag:s23], $0x1  }
0xa3: {  	[sflag:s23] =	ssyncset.done $0x0  }
0xa4: {  	s25 =	simm.s32 $0x1B8E;
	s24 =	sld [smem:$0x3FFE];
	[sflag:s23] =	ssyncadd.s32 $0xFFFFFFFF  }
0xa5: {  	s26 =	simm.s32 $execute0_lowered;
	[smem:$0x3FD2] =	sst s25  }
0xa6: {  	s5 =	sshll.u32 s26, $0x1;
	_ =	strace $0x80000046;
	[dreg:$0x1] =	wrdreg $0xFFFFFFFF  }
0xa7: {  	s28 =	simm.s32 $_size_execute0_lowered;
	s3 =	sadd.s32 s3, s5;
	[dreg:$0x0] =	wrdreg $0x0  }
0xa8: {  	s5 =	sshll.u32 s28, $0x1;
	[dreg:$0x2] =	wrdreg s3  }
0xa9: {  	[dreg:$0x3] =	wrdreg s5  }
0xaa: {  	[dreg:$0x4] =	wrdreg $0xC0  }
0xab: {  	_ =	task [dreg:s7], $0x5FFFF  }
0xac: {  	[dreg:$0x1] =	wrdreg $0xFFFFFFFF  }
0xad: {  	[dreg:$0x0] =	wrdreg $0x60  }
0xae: {  	[dreg:$0x2] =	wrdreg s24  }
0xaf: {  	[dreg:$0x3] =	wrdreg s2  }
0xb0: {  	[dreg:$0x4] =	wrdreg $0x54000  }
0xb1: {  	[dreg:$0x5] =	wrdreg $0x9  }
0xb2: {  	_ =	task.clear_ibuf [dreg:s7], $0x6FFFF;
	_ =	strace $0x90000046  }
0xb3: {  	s29 =	simm.s32 $0x9;
	_ =	strace $0x80000048  }
0xb4: {  	_ =	swait.ge [sflag:s29], $0x1  }
0xb5: {  	[sflag:s29] =	ssyncadd.s32 $0xFFFFFFFF  }
0xb6: {  	_ =	strace $0x90000048  }
0xb7: {  	_ =	sfence  }
0xb8: {  	s30 =	sld [smem:$0x0];
	_ =	sdelay $0x2  }
0xb9: {  	s31 =	sshll.u32 s1, $0xD;
	s1 =	sshrl.u32 s1, $0x2  }
0xba: {  	s3 =	sand.u32 $0x4000, s31;
	s1 =	sadd.s32 s1, s30  }
0xbb: {  	s0 =	sor.u32 s3, s0;
	s1 =	sshll.u32 s1, $0x11  }
0xbc: {  	s0 =	sor.u32 s1, s0  }
0xbd: {  	s0 =	sadd.s32 $0x8F2B, s0  }
0xbe: {  	[sflag:s0] =	ssyncadd.remote.s32 $0x1  }
0xbf: {  	_ =	sfence.sel $0xFFFF  }
0xc0: {  	[dreg:$0x0] =	wrdreg $0xFFFFFFFF;
	(pc) =	sbr.abs _section_cstart, $3  }
0xc1: {  	[dreg:$0x1] =	wrdreg $0xFFFFFFFF  }
0xc2: {  	_ =	task.clear_ibuf [dreg:s7], $0x2FFFF;
	_ =	strace $0x9FFFFFFF  }
0xc3: {  	(tm) =	ssettm $0x7FFFFFFF  }
tec
execute0_lowered:
.L_overlay_start_1:
0x0: {  	(tag) =	ssettag $0x1  }
0x1: {  	s5 =	rddreg [dreg:$0x0]  }
0x2: {  	s6 =	rddreg [dreg:$0x1]  }
0x3: {  	s0 =	srdreg.scid;
	s2 =	rddreg [dreg:$0x2];
	s3 =	simm.s32 $0x0  }
0x4: {  	s12 =	simm.s32 $0x1400;
	s4 =	sand.u32 $0x1, s0;
	s0 =	stileid.u32  }
0x5: {  	s13 =	simm.s32 $0x80;
	s14 =	simm.s32 $0x0;
	s8 =	smul.u32 $0x14000, s0  }
0x6: {  	[smem:$0x7FF] =	sst s3;
	s1 =	sshll.u32 s4, $0x4;
	s9 =	smul.u32 $0x140000, s4  }
0x7: {  	s10 =	ssub.s32 $0x2, s4;
	s11 =	smul.u32 $0x50000, s0;
	s4 =	sadd.s32 $0x7C00, s5  }
0x8: {  	s31 =	sshll.u32 s0, $0x6;
	s1 =	sor.u32 s0, s1;
	s29 =	sshrl.u32 s10, $0x1  }
0x9: {  	s7 =	smul.u32 $0x280, s1;
	s1 =	rddreg [dreg:$0x3];
	_ =	strace $0x80000047  }
0xa: {  	s9 =	sadd.s32 s8, s9;
	s10 =	ssub.s32 s10, s29;
	s30 =	sshrl.u32 s11, $0x2  }
0xb: {  	s8 =	sshrl.u32 s8, $0x3;
	s9 =	sshrl.u32 s9, $0x3;
	s11 =	sadd.s32 s30, s2  }
0xc: {  	s7 =	sadd.s32 s7, s5;
	s9 =	sadd.s32 s9, s5;
	s5 =	sadd.s32 s6, s8  }
0xd: {  	s6 =	sor.u32 $0x1C01, s31;
	s7 =	sadd.s32 $0x2C00, s7;
	s8 =	sadd.s32 $0x8400, s9  }
0xe: {  	s9 =	smax.u32 s10, $0x1;
	s10 =	sshrl.u32 s11, $0x3;
	s11 =	simm.s32 $0x1  }
.LBB2_1:
0xf: {  	[spmem:s10], [sflag:s6] =	dma.local [hbm:s5], $0x2800  }
0x10: {  	_ =	swait.ge [sflag:s11], $0x2800  }
0x11: {  	[sflag:s11] =	ssyncset.done $0x0  }
0x12: {  	[sflag:s11] =	ssyncadd.s32 $0xFFFFD800  }
0x13: {  	[tilespmem:s12], [sflag:$0x1] =	stream.linear.gather [hbm4b:s4+s3], $0x4000, $0x38;
	[tilespmem:$0x19400] =	vst v63  }
0x14: {  	_ =	swait.ge [sflag:s11], $0x4000  }
0x15: {  	[sflag:s11] =	ssyncset.done $0x0  }
0x16: {  	[sflag:s11] =	ssyncadd.s32 $0xFFFFC000  }
0x17: {  	[tilespmem:s3], [sflag:$0x1] =	stream.linear.gather [hbm4b:s7+s3], $0x1400, $0x38;
	[tilespmem:$0x19400] =	vst v63  }
0x18: {  	_ =	swait.ge [sflag:s11], $0x1400  }
0x19: {  	[sflag:s11] =	ssyncset.done $0x0  }
0x1a: {  	[sflag:s11] =	ssyncadd.s32 $0xFFFFEC00  }
0x1b: {  	s15 =	simm.s32 $0x0;
	[bflag:$0x0] =	sbarrier.arrive $0xFFFF  }
0x1c: {  	[spmem:s2] =	stream.indirect.scatter.add.f32 [tilespmem:s12], [sflag:$0x1], $0x80, s15, s13, $0xb8;
	[tilespmem:$0x19400] =	vst v63  }
0x1d: {  	_ =	swait.ge [sflag:s11], $0x4000  }
0x1e: {  	s15 =	simm.s32 $0x200;
	[sflag:s11] =	ssyncset.done $0x0  }
.LBB2_2:
0x1f: {  	s16 =	sshra.s32 s15, $0x2;
	[sflag:s11] =	ssyncadd.s32 $0xFFFFC000;
	p0 =	sne.s32 s15, $0x4E00  }
0x20: {  	[spmem:s2] =	stream.indirect.scatter.add.f32 [tilespmem:s12], [sflag:$0x1], $0x80, s16, s13, $0xb8;
	[tilespmem:$0x19400] =	vst v63  }
.Ltmp0:
0x21: {  	_ = 	snop;
	(pc) =	sbr.rel @p0 .LBB2_2-.Ltmp0, $4  }
0x22: {  	_ = 	snop  }
0x23: {  	s15 =	sadd.s32 $0x200, s15  }
0x24: {  	_ =	swait.ge [sflag:s11], $0x4000  }
0x25: {  	[sflag:s11] =	ssyncset.done $0x0  }
0x26: {  	s14 =	sadd.s32 $0x1, s14  }
0x27: {  	[sflag:s11] =	ssyncadd.s32 $0xFFFFC000;
	p0 =	sne.s32 s14, s9  }
.Ltmp1:
0x28: {  	[bflag:$0x0] =	sbarrier.arrive $0xFFFF;
	(pc) =	sbr.rel @p0 .LBB2_1-.Ltmp1, $4  }
0x29: {  	[hbm:s8], [sflag:s6] =	dma.local [spmem:s10], $0x2800  }
0x2a: {  	_ =	swait.ge [sflag:s11], $0x2800  }
0x2b: {  	[sflag:s11] =	ssyncset.done $0x0  }
0x2c: {  	[sflag:s11] =	ssyncadd.s32 $0xFFFFD800  }
0x2d: {  	_ =	sfence.sel $0x180000  }
0x2e: {  	[bflag:$0x0] =	sbarrier.arrive $0xFFFF  }
0x2f: {  	p0 =	sne.s32 s0, $0x0;
	_ =	strace $0x90000047  }
0x30: {  	s0 =	sadd.s32 @!p0 $0x100000, s1;
	[bflag:$0x2] =	sbarrier.arrive $0xFFFF  }
0x31: {  	[sflag:s0] =	ssyncadd.tile.s32 @!p0 $0x1;
	_ =	shalt  }
.Lfunc_end2:
_tile_overlayer_lowered:
.L_overlay_start_2:
0x32: {  	(tag) =	ssettag $0x2  }
0x33: {  	s0 =	rddreg [dreg:$0x0];
	s2 =	stileid.u32  }
0x34: {  	s1 =	rddreg [dreg:$0x1];
	p0 =	sne.s32 s2, $0x0  }
0x35: {  	s3 =	rddreg [dreg:$0x2];
	[bflag:$0x3] =	sbarrier.arrive $0xFFFF;
	s2 =	simm.s32 @!p0 $0x1C01  }
0x36: {  	[timem:s3], [sflag:s2] =	dma.local @!p0 [hbm:s0], s1  }
0x37: {  	s0 =	simm.s32 @!p0 $0x1  }
0x38: {  	_ =	swait.ge @!p0 [sflag:s0], s1  }
0x39: {  	s1 =	ssub.s32 @!p0 $0x0, s1;
	[sflag:s0] =	ssyncset.done @!p0 $0x0  }
0x3a: {  	[sflag:s0] =	ssyncadd.s32 @!p0 s1  }
0x3b: {  	[bflag:$0x3] =	sbarrier.arrive $0xFFFF  }
0x3c: {  	_ =	shalt  }

// kernel: kernel.13.cloned.1.call-start
scs
__scs_entry_jumppad:
0x0: {  	(pc) =	sbr.rel $0x88, $3  }
0x1: {  	(tag) =	ssettag $0x0;
	lr =	simm.s32 $0x1  }
0x2: {  	[smem:$0x3F99] =	sst lr;
	_ =	strace $0xD0000000  }
0x3: {  	_ = 	snop  }
0x4: {  	_ = 	snop  }
0x5: {  	_ = 	snop  }
0x6: {  	_ = 	snop  }
0x7: {  	_ = 	snop  }
__scs_overlays_trampoline_lowered:
0x8: {  	[smem:$0x3FA8] =	sst s0  }
0x9: {  	[smem:$0x3FA9] =	sst s1  }
0xa: {  	[smem:$0x3FAA] =	sst s2  }
0xb: {  	[smem:$0x3FAB] =	sst s3  }
0xc: {  	[smem:$0x3FAC] =	sst s4  }
0xd: {  	[smem:$0x3FAD] =	sst s5  }
0xe: {  	[smem:$0x3FAE] =	sst s6  }
0xf: {  	[smem:$0x3FAF] =	sst s7  }
0x10: {  	[smem:$0x3FB0] =	sst s8  }
0x11: {  	[smem:$0x3FB1] =	sst s9;
	s0 =	simm.s32 @!p0 $0x0  }
0x12: {  	s1 =	sld [smem:$0x3F97];
	s0 =	simm.s32 @p0 $0x1  }
0x13: {  	[smem:$0x3FB2] =	sst s0;
	s0 =	simm.s32 @!p1 $0x0  }
0x14: {  	s2 =	sld [smem:$0x3F96];
	s0 =	simm.s32 @p1 $0x1  }
0x15: {  	[smem:$0x3FB3] =	sst s0;
	s0 =	simm.s32 @!p2 $0x0  }
0x16: {  	s3 =	sld [smem:$0x3FDB];
	s0 =	simm.s32 @p2 $0x1  }
0x17: {  	s4 =	simm.s32 $0x1BF5;
	[smem:$0x3FB5] =	sst s0  }
0x18: {  	s0 =	sld [smem:$0x3F98];
	_ =	swait.ge [sflag:s4], $0x0  }
0x19: {  	s7 =	sld [smem:$0x3F99]  }
0x1a: {  	s8 =	sadd.s32 $0xFFFFE003, lr  }
0x1b: {  	s9 =	sadd.s32 $0xFFFFFEF7, lr;
	s5 =	simm.s32 $0xFFFFFFFF;
	p2 =	slt.u32 s8, $0xFFFFF086  }
0x1c: {  	p1 =	slt.u32 s9, $0xF7A;
	s5 =	simm.s32 @!p2 $0x0  }
0x1d: {  	s5 =	simm.s32 @p1 $0x1;
	p0 =	seq.s32 s7, s2  }
0x1e: {  	s7 =	smul.u32 @!p0 $0xF7A, s2;
	p2 =	seq.s32 @!p0 s5, $0x0  }
0x1f: {  	s9 =	smul.u32 $0xF7A, s1;
	s8 =	simm.s32 @!p0 $0x1BF5;
	p2 =	por !p2, p0  }
0x20: {  	[sflag:s8] =	ssyncset.s32 @!p0 $0xFFFFF086;
	s6 =	sadd.s32 @!p0 s3, s7;
	s7 =	simm.s32 @!p0 $0x108  }
0x21: {  	s3 =	sadd.s32 s3, s9;
	s6 =	sadd.s32 @!p0 $0x88, s6;
	s7 =	simm.s32 @p2 $0x1082  }
0x22: {  	[simem:s7], [sflag:s8] =	dma.local @!p0 [hbm:s6], $0xF7A  }
0x23: {  	s9 =	sor.u32 $0xD0000000, s2;
	s6 =	simm.s32 $0x108;
	_ =	swait.ge @!p0 [sflag:s8], $0x0  }
0x24: {  	s3 =	sadd.s32 $0x88, s3;
	s6 =	simm.s32 @!p1 $0x1082;
	[sflag:s4] =	ssyncset.s32 $0xFFFFF086  }
0x25: {  	[simem:s6], [sflag:s4] =	dma.local [hbm:s3], $0xF7A  }
0x26: {  	[smem:$0x3F99] =	sst s1;
	(tag) =	ssettag s2;
	_ =	strace s9  }
0x27: {  	s1 =	sld [smem:$0x3FA9]  }
0x28: {  	s2 =	sld [smem:$0x3FAA]  }
0x29: {  	s4 =	sld [smem:$0x3FAC]  }
0x2a: {  	p0 =	seq.s32 s5, $0x0;
	s5 =	sld [smem:$0x3FAD]  }
0x2b: {  	s6 =	sld [smem:$0x3FAE]  }
0x2c: {  	s7 =	sld [smem:$0x3FAF]  }
0x2d: {  	s3 =	simm.s32 $0x108;
	s8 =	sld [smem:$0x3FB0]  }
0x2e: {  	s3 =	simm.s32 @!p0 $0x1082;
	s9 =	sld [smem:$0x3FB1]  }
0x2f: {  	lr =	sadd.s32 s0, s3;
	s0 =	sld [smem:$0x3FA8]  }
0x30: {  	s3 =	sld [smem:$0x3FAB]  }
0x31: {  	[smem:$0x3FB4] =	sst s10  }
0x32: {  	s10 =	sld [smem:$0x3FB2];
	_ =	sdelay $0x3  }
0x33: {  	p0 =	seq.s32 s10, $0x1;
	s10 =	sld [smem:$0x3FB4];
	_ =	sdelay $0x3  }
0x34: {  	[smem:$0x3FB4] =	sst s10  }
0x35: {  	s10 =	sld [smem:$0x3FB3];
	_ =	sdelay $0x3  }
0x36: {  	p1 =	seq.s32 s10, $0x1;
	s10 =	sld [smem:$0x3FB4];
	_ =	sdelay $0x3  }
0x37: {  	[smem:$0x3FB4] =	sst s10  }
0x38: {  	s10 =	sld [smem:$0x3FB5]  }
0x39: {  	_ = 	snop;
	(pc) =	sbr.ind lr, $3  }
0x3a: {  	_ = 	snop  }
0x3b: {  	_ = 	snop  }
0x3c: {  	p2 =	seq.s32 s10, $0x1;
	s10 =	sld [smem:$0x3FB4]  }
0x3d: {  	_ =	shalt  }
0x3e: {  	_ =	shalt  }
0x3f: {  	_ =	shalt  }
0x40: {  	_ =	shalt  }
0x41: {  	_ =	shalt  }
0x42: {  	_ =	shalt  }
0x43: {  	_ =	shalt  }
0x44: {  	_ =	shalt  }
0x45: {  	_ =	shalt  }
0x46: {  	_ =	shalt  }
0x47: {  	_ =	shalt  }
0x48: {  	_ =	shalt  }
0x49: {  	_ =	shalt  }
0x4a: {  	_ =	shalt  }
0x4b: {  	_ =	shalt  }
0x4c: {  	_ =	shalt  }
0x4d: {  	_ =	shalt  }
0x4e: {  	_ =	shalt  }
0x4f: {  	_ =	shalt  }
0x50: {  	_ =	shalt  }
0x51: {  	_ =	shalt  }
0x52: {  	_ =	shalt  }
0x53: {  	_ =	shalt  }
0x54: {  	_ =	shalt  }
0x55: {  	_ =	shalt  }
0x56: {  	_ =	shalt  }
0x57: {  	_ =	shalt  }
0x58: {  	_ =	shalt  }
0x59: {  	_ =	shalt  }
0x5a: {  	_ =	shalt  }
0x5b: {  	_ =	shalt  }
0x5c: {  	_ =	shalt  }
0x5d: {  	_ =	shalt  }
0x5e: {  	_ =	shalt  }
0x5f: {  	_ =	shalt  }
0x60: {  	_ =	shalt  }
0x61: {  	_ =	shalt  }
0x62: {  	_ =	shalt  }
0x63: {  	_ =	shalt  }
0x64: {  	_ =	shalt  }
0x65: {  	_ =	shalt  }
0x66: {  	_ =	shalt  }
0x67: {  	_ =	shalt  }
0x68: {  	_ =	shalt  }
0x69: {  	_ =	shalt  }
0x6a: {  	_ =	shalt  }
0x6b: {  	_ =	shalt  }
0x6c: {  	_ =	shalt  }
0x6d: {  	_ =	shalt  }
0x6e: {  	_ =	shalt  }
0x6f: {  	_ =	shalt  }
0x70: {  	_ =	shalt  }
0x71: {  	_ =	shalt  }
0x72: {  	_ =	shalt  }
0x73: {  	_ =	shalt  }
0x74: {  	_ =	shalt  }
0x75: {  	_ =	shalt  }
0x76: {  	_ =	shalt  }
0x77: {  	_ =	shalt  }
0x78: {  	_ =	shalt  }
0x79: {  	_ =	shalt  }
0x7a: {  	_ =	shalt  }
0x7b: {  	_ =	shalt  }
0x7c: {  	_ =	shalt  }
0x7d: {  	_ =	shalt  }
0x7e: {  	_ =	shalt  }
0x7f: {  	_ =	shalt  }
0x80: {  	_ =	shalt  }
0x81: {  	_ =	shalt  }
0x82: {  	_ =	shalt  }
0x83: {  	_ =	shalt  }
0x84: {  	_ =	shalt  }
0x85: {  	_ =	shalt  }
0x86: {  	_ =	shalt  }
0x87: {  	_ =	shalt  }
.Lfunc_end0:
.L_simem_size_0:
called_computation.1_lowered:
.L_overlay_start_0:
0x88: {  	s2 =	sld [smem:$0x3FD9]  }
0x89: {  	s3 =	sld [smem:$0x3FFE];
	_ =	sdelay $0x1  }
0x8a: {  	s1 =	srdreg.scid  }
0x8b: {  	s0 =	sand.u32 $0x1, s1  }
0x8c: {  	s16 =	sshll.u32 s0, $0xA;
	s2 =	sadd.s32 s3, s2  }
0x8d: {  	s2 =	sadd.s32 s2, s16  }
0x8e: {  	[smem:$0x3FC0] =	sst s2  }
0x8f: {  	_ = 	snop  }
0x90: {  	(tm) =	ssettm $0x1  }
0x91: {  	s17 =	sld [smem:$0x3FFB];
	_ =	sdelay $0x3  }
0x92: {  	_ =	strace s17  }
0x93: {  	s2 =	sld [smem:$0x3FFC];
	_ =	sdelay $0x3  }
0x94: {  	_ =	strace s2  }
0x95: {  	s2 =	sld [smem:$0x3FFD];
	_ =	sdelay $0x3  }
0x96: {  	_ =	strace s2  }
0x97: {  	_ =	strace $0x8FFFFFFF  }
0x98: {  	s18 =	sld [smem:$0x3FDB];
	_ =	sdelay $0x1  }
0x99: {  	s19 =	simm.s32 $_scs_section_size  }
0x9a: {  	s4 =	simm.s32 $_size__tile_overlayer_lowered;
	s5 =	simm.s32 $_tile_overlayer_lowered  }
0x9b: {  	s22 =	simm.s32 $0x1BFF;
	s21 =	sshll.u32 s5, $0x1;
	s2 =	sadd.s32 s19, s18  }
0x9c: {  	s6 =	simm.s32 $0x0;
	s20 =	sshll.u32 s4, $0x1;
	s4 =	sadd.s32 s21, s2  }
0x9d: {  	[timem:s6], [sflag:s22] =	dma.local [hbm:s4], s20  }
0x9e: {  	_ =	swait.ge [sflag:s22], s20  }
0x9f: {  	s3 =	ssub.s32 $0x0, s20;
	[sflag:s22] =	ssyncset.done $0x0  }
0xa0: {  	[sflag:s22] =	ssyncadd.s32 s3;
	_ =	sdelay $0x1  }
0xa1: {  	s23 =	simm.s32 $0x1B8B  }
0xa2: {  	_ =	swait.ge [sflag:s23], $0x1  }
0xa3: {  	[sflag:s23] =	ssyncset.done $0x0  }
0xa4: {  	s25 =	simm.s32 $0x1B8E;
	s24 =	sld [smem:$0x3FFE];
	[sflag:s23] =	ssyncadd.s32 $0xFFFFFFFF  }
0xa5: {  	s26 =	simm.s32 $execute0_lowered;
	[smem:$0x3FD2] =	sst s25  }
0xa6: {  	s4 =	sshll.u32 s26, $0x1;
	_ =	strace $0x80000049;
	[dreg:$0x1] =	wrdreg $0xFFFFFFFF  }
0xa7: {  	s28 =	simm.s32 $_size_execute0_lowered;
	s2 =	sadd.s32 s2, s4;
	[dreg:$0x0] =	wrdreg $0x0  }
0xa8: {  	s4 =	sshll.u32 s28, $0x1;
	[dreg:$0x2] =	wrdreg s2  }
0xa9: {  	[dreg:$0x3] =	wrdreg s4  }
0xaa: {  	[dreg:$0x4] =	wrdreg $0xC0  }
0xab: {  	_ =	task [dreg:s6], $0x5FFFF  }
0xac: {  	[dreg:$0x1] =	wrdreg $0xFFFFFFFF  }
0xad: {  	[dreg:$0x0] =	wrdreg $0x60  }
0xae: {  	[dreg:$0x2] =	wrdreg s24  }
0xaf: {  	[dreg:$0x3] =	wrdreg $0xA8000  }
0xb0: {  	[dreg:$0x4] =	wrdreg $0x9  }
0xb1: {  	_ =	task.clear_ibuf [dreg:s6], $0x5FFFF;
	_ =	strace $0x90000049  }
0xb2: {  	s29 =	simm.s32 $0x9;
	_ =	strace $0x8000004B  }
0xb3: {  	_ =	swait.ge [sflag:s29], $0x1  }
0xb4: {  	[sflag:s29] =	ssyncadd.s32 $0xFFFFFFFF  }
0xb5: {  	_ =	strace $0x9000004B  }
0xb6: {  	_ =	sfence  }
0xb7: {  	s30 =	sld [smem:$0x0];
	_ =	sdelay $0x2  }
0xb8: {  	s31 =	sshll.u32 s1, $0xD;
	s1 =	sshrl.u32 s1, $0x2  }
0xb9: {  	s3 =	sand.u32 $0x4000, s31;
	s1 =	sadd.s32 s1, s30  }
0xba: {  	s0 =	sor.u32 s3, s0;
	s1 =	sshll.u32 s1, $0x11  }
0xbb: {  	s0 =	sor.u32 s1, s0  }
0xbc: {  	s0 =	sadd.s32 $0x8F2B, s0  }
0xbd: {  	[sflag:s0] =	ssyncadd.remote.s32 $0x1  }
0xbe: {  	_ =	sfence.sel $0xFFFF  }
0xbf: {  	[dreg:$0x0] =	wrdreg $0xFFFFFFFF;
	(pc) =	sbr.abs _section_cstart, $3  }
0xc0: {  	[dreg:$0x1] =	wrdreg $0xFFFFFFFF  }
0xc1: {  	_ =	task.clear_ibuf [dreg:s6], $0x2FFFF;
	_ =	strace $0x9FFFFFFF  }
0xc2: {  	(tm) =	ssettm $0x7FFFFFFF  }
0xc3: {  	_ =	shalt  }
tec
execute0_lowered:
.L_overlay_start_1:
0x0: {  	(tag) =	ssettag $0x1  }
0x1: {  	s5 =	rddreg [dreg:$0x0]  }
0x2: {  	s0 =	srdreg.scid;
	s2 =	rddreg [dreg:$0x1]  }
0x3: {  	s1 =	rddreg [dreg:$0x2];
	s3 =	simm.s32 $0x0;
	s15 =	simm.s32 $0x1400  }
0x4: {  	s16 =	simm.s32 $0x80;
	s17 =	simm.s32 $0x2800;
	s6 =	sand.u32 $0x1, s0  }
0x5: {  	s18 =	simm.s32 $0x6800;
	s0 =	stileid.u32;
	s4 =	smul.u32 $0x28000, s6  }
0x6: {  	s19 =	simm.s32 $0x1;
	s20 =	simm.s32 $0x2;
	s7 =	smul.u32 $0x2800, s0  }
0x7: {  	s21 =	simm.s32 $0x2700;
	s22 =	simm.s32 $0x2780;
	s8 =	smul.u32 $0x2800, s6  }
0x8: {  	s23 =	simm.s32 $0x0;
	[smem:$0x7FF] =	sst s3;
	s10 =	smul.u32 $0x280, s0  }
0x9: {  	_ =	strace $0x8000004A;
	s6 =	ssub.s32 $0x2, s6;
	s26 =	smul.u32 $0x50000, s0  }
0xa: {  	s31 =	sshll.u32 s0, $0x6;
	s29 =	sshrl.u32 s6, $0x1;
	s4 =	sadd.s32 s7, s4  }
0xb: {  	s7 =	sshrl.u32 s7, $0x3;
	s8 =	sadd.s32 s10, s8;
	s13 =	ssub.s32 s6, s29  }
0xc: {  	s30 =	sshrl.u32 s26, $0x2;
	s6 =	sor.u32 $0x1C03, s31;
	s9 =	sshrl.u32 s4, $0x3  }
0xd: {  	s4 =	sadd.s32 $0x62400, s5;
	s11 =	sadd.s32 s7, s5;
	s28 =	sshll.u32 s8, $0x4  }
0xe: {  	s14 =	sadd.s32 s30, s2;
	s9 =	sadd.s32 s9, s5;
	s12 =	sadd.s32 s28, s5  }
0xf: {  	s5 =	sadd.s32 s4, s28;
	s8 =	sadd.s32 $0x2C00, s11;
	s10 =	sadd.s32 $0x2E80, s11  }
0x10: {  	s7 =	sadd.s32 $0x58400, s9;
	s9 =	sadd.s32 $0x58680, s9;
	s11 =	sadd.s32 $0xB2400, s12  }
0x11: {  	s12 =	smax.u32 s13, $0x1;
	s13 =	sshrl.u32 s14, $0x3;
	s14 =	simm.s32 $0x3  }
.LBB2_1:
0x12: {  	[spmem:s13], [sflag:s6] =	dma.local [hbm:s5], $0x2800  }
0x13: {  	_ =	swait.ge [sflag:s14], $0x2800  }
0x14: {  	[sflag:s14] =	ssyncset.done $0x0  }
0x15: {  	[sflag:s14] =	ssyncadd.s32 $0xFFFFD800  }
0x16: {  	[bflag:$0x0] =	sbarrier.arrive $0xFFFF  }
0x17: {  	[tilespmem:s3], [sflag:$0x3] =	stream.linear.gather [hbm4b:s7+s3], $0x1400, $0x38;
	[tilespmem:$0x1E800] =	vst v63  }
0x18: {  	_ =	swait.ge [sflag:s14], $0x1400  }
0x19: {  	[sflag:s14] =	ssyncset.done $0x0  }
0x1a: {  	[sflag:s14] =	ssyncadd.s32 $0xFFFFEC00  }
0x1b: {  	[tilespmem:s15], [sflag:$0x3] =	stream.linear.gather [hbm4b:s8+s3], $0x1400, $0x38;
	[tilespmem:$0x1E800] =	vst v63  }
0x1c: {  	_ =	swait.ge [sflag:s14], $0x1400  }
0x1d: {  	[sflag:s14] =	ssyncset.done $0x0  }
0x1e: {  	[sflag:s14] =	ssyncadd.s32 $0xFFFFEC00  }
0x1f: {  	[tilespmem:s17], [sflag:$0x1] =	stream.indirect.gather [hbm4b:s4+s16], $0x80, s3, s16, $0xb8;
	[tilespmem:$0x1E800] =	vst v63  }
0x20: {  	_ = 	snop  }
0x21: {  	[tilespmem:s18], [sflag:$0x2] =	stream.indirect.gather [hbm4b:s4+s16], $0x80, s16, s16, $0xb8;
	[tilespmem:$0x1E800] =	vst v63  }
0x22: {  	_ =	swait.ge [sflag:s19], $0x4000  }
0x23: {  	[sflag:s19] =	ssyncset.done $0x0  }
0x24: {  	s24 =	simm.s32 $0x1400;
	[sflag:s19] =	ssyncadd.s32 $0xFFFFC000  }
0x25: {  	[spmem:s2] =	stream.indirect.scatter.add.f32 [tilespmem:s17], [sflag:$0x3], $0x80, s24, s16, $0xb8;
	[tilespmem:$0x1E800] =	vst v63  }
0x26: {  	_ =	swait.ge [sflag:s14], $0x4000  }
0x27: {  	[sflag:s14] =	ssyncset.done $0x0  }
0x28: {  	s30 =	simm.s32 $0x100;
	[sflag:s14] =	ssyncadd.s32 $0xFFFFC000  }
0x29: {  	[tilespmem:s17], [sflag:$0x1] =	stream.indirect.gather [hbm4b:s4+s16], $0x80, s30, s16, $0xb8;
	[tilespmem:$0x1E800] =	vst v63  }
0x2a: {  	_ =	swait.ge [sflag:s20], $0x4000  }
0x2b: {  	[sflag:s20] =	ssyncset.done $0x0  }
0x2c: {  	s31 =	simm.s32 $0x1480;
	[sflag:s20] =	ssyncadd.s32 $0xFFFFC000  }
0x2d: {  	[spmem:s2] =	stream.indirect.scatter.add.f32 [tilespmem:s18], [sflag:$0x3], $0x80, s31, s16, $0xb8;
	[tilespmem:$0x1E800] =	vst v63  }
0x2e: {  	_ =	swait.ge [sflag:s14], $0x4000  }
0x2f: {  	[sflag:s14] =	ssyncset.done $0x0  }
0x30: {  	s25 =	simm.s32 $0x180;
	s24 =	simm.s32 $0x400;
	[sflag:s14] =	ssyncadd.s32 $0xFFFFC000  }
.LBB2_2:
0x31: {  	[tilespmem:s18], [sflag:$0x2] =	stream.indirect.gather [hbm4b:s4+s16], $0x80, s25, s16, $0xb8;
	[tilespmem:$0x1E800] =	vst v63  }
0x32: {  	s25 =	smov.u32 s24  }
0x33: {  	p0 =	sne.s32 s24, $0x4800;
	s24 =	sadd.s32 $0x400, s24;
	_ =	swait.ge [sflag:s19], $0x4000  }
0x34: {  	s25 =	sshra.s32 s25, $0x2;
	[sflag:s19] =	ssyncset.done $0x0  }
0x35: {  	s26 =	sadd.s32 $0x1400, s25;
	[sflag:s19] =	ssyncadd.s32 $0xFFFFC000  }
0x36: {  	[spmem:s2] =	stream.indirect.scatter.add.f32 [tilespmem:s17], [sflag:$0x3], $0x80, s26, s16, $0xb8;
	[tilespmem:$0x1E800] =	vst v63  }
0x37: {  	_ =	swait.ge [sflag:s14], $0x4000  }
0x38: {  	[sflag:s14] =	ssyncset.done $0x0  }
0x39: {  	s26 =	sadd.s32 $0x100, s25;
	[sflag:s14] =	ssyncadd.s32 $0xFFFFC000  }
0x3a: {  	[tilespmem:s17], [sflag:$0x1] =	stream.indirect.gather [hbm4b:s4+s16], $0x80, s26, s16, $0xb8;
	[tilespmem:$0x1E800] =	vst v63  }
0x3b: {  	_ =	swait.ge [sflag:s20], $0x4000  }
0x3c: {  	[sflag:s20] =	ssyncset.done $0x0  }
.Ltmp0:
0x3d: {  	s26 =	sadd.s32 $0x1480, s25;
	[sflag:s20] =	ssyncadd.s32 $0xFFFFC000;
	(pc) =	sbr.rel @p0 .LBB2_2-.Ltmp0, $4  }
0x3e: {  	[spmem:s2] =	stream.indirect.scatter.add.f32 [tilespmem:s18], [sflag:$0x3], $0x80, s26, s16, $0xb8;
	[tilespmem:$0x1E800] =	vst v63  }
0x3f: {  	_ =	swait.ge [sflag:s14], $0x4000  }
0x40: {  	[sflag:s14] =	ssyncset.done $0x0  }
0x41: {  	s25 =	sadd.s32 $0x180, s25;
	[sflag:s14] =	ssyncadd.s32 $0xFFFFC000  }
0x42: {  	[tilespmem:s18], [sflag:$0x2] =	stream.indirect.gather [hbm4b:s4+s16], $0x80, s25, s16, $0xb8;
	[tilespmem:$0x1E800] =	vst v63  }
0x43: {  	_ =	swait.ge [sflag:s19], $0x4000  }
0x44: {  	[sflag:s19] =	ssyncset.done $0x0  }
0x45: {  	[sflag:s19] =	ssyncadd.s32 $0xFFFFC000  }
0x46: {  	[spmem:s2] =	stream.indirect.scatter.add.f32 [tilespmem:s17], [sflag:$0x3], $0x80, s21, s16, $0xb8;
	[tilespmem:$0x1E800] =	vst v63  }
0x47: {  	_ =	swait.ge [sflag:s14], $0x4000  }
0x48: {  	[sflag:s14] =	ssyncset.done $0x0  }
0x49: {  	[sflag:s14] =	ssyncadd.s32 $0xFFFFC000  }
0x4a: {  	_ =	swait.ge [sflag:s20], $0x4000  }
0x4b: {  	[sflag:s20] =	ssyncset.done $0x0  }
0x4c: {  	[sflag:s20] =	ssyncadd.s32 $0xFFFFC000  }
0x4d: {  	[spmem:s2] =	stream.indirect.scatter.add.f32 [tilespmem:s18], [sflag:$0x3], $0x80, s22, s16, $0xb8;
	[tilespmem:$0x1E800] =	vst v63  }
0x4e: {  	_ =	swait.ge [sflag:s14], $0x4000  }
0x4f: {  	[sflag:s14] =	ssyncset.done $0x0  }
0x50: {  	s24 =	simm.s32 $0x0;
	[sflag:s14] =	ssyncadd.s32 $0xFFFFC000  }
0x51: {  	[tilespmem:s24], [sflag:$0x3] =	stream.linear.gather [hbm4b:s9+s24], $0x1400, $0x38;
	[tilespmem:$0x1E800] =	vst v63  }
0x52: {  	_ =	swait.ge [sflag:s14], $0x1400  }
0x53: {  	[sflag:s14] =	ssyncset.done $0x0  }
0x54: {  	[sflag:s14] =	ssyncadd.s32 $0xFFFFEC00  }
0x55: {  	[tilespmem:s15], [sflag:$0x3] =	stream.linear.gather [hbm4b:s10+s24], $0x1400, $0x38;
	[tilespmem:$0x1E800] =	vst v63  }
0x56: {  	_ =	swait.ge [sflag:s14], $0x1400  }
0x57: {  	[sflag:s14] =	ssyncset.done $0x0  }
0x58: {  	[sflag:s14] =	ssyncadd.s32 $0xFFFFEC00  }
0x59: {  	[tilespmem:s17], [sflag:$0x1] =	stream.indirect.gather [hbm4b:s4+s16], $0x80, s24, s16, $0xb8;
	[tilespmem:$0x1E800] =	vst v63  }
0x5a: {  	_ = 	snop  }
0x5b: {  	[tilespmem:s18], [sflag:$0x2] =	stream.indirect.gather [hbm4b:s4+s16], $0x80, s16, s16, $0xb8;
	[tilespmem:$0x1E800] =	vst v63  }
0x5c: {  	_ =	swait.ge [sflag:s19], $0x4000  }
0x5d: {  	[sflag:s19] =	ssyncset.done $0x0  }
0x5e: {  	s29 =	simm.s32 $0x1400;
	[sflag:s19] =	ssyncadd.s32 $0xFFFFC000  }
0x5f: {  	[spmem:s2] =	stream.indirect.scatter.add.f32 [tilespmem:s17], [sflag:$0x3], $0x80, s29, s16, $0xb8;
	[tilespmem:$0x1E800] =	vst v63  }
0x60: {  	_ =	swait.ge [sflag:s14], $0x4000  }
0x61: {  	[sflag:s14] =	ssyncset.done $0x0  }
0x62: {  	s30 =	simm.s32 $0x100;
	[sflag:s14] =	ssyncadd.s32 $0xFFFFC000  }
0x63: {  	[tilespmem:s17], [sflag:$0x1] =	stream.indirect.gather [hbm4b:s4+s16], $0x80, s30, s16, $0xb8;
	[tilespmem:$0x1E800] =	vst v63  }
0x64: {  	_ =	swait.ge [sflag:s20], $0x4000  }
0x65: {  	[sflag:s20] =	ssyncset.done $0x0  }
0x66: {  	s31 =	simm.s32 $0x1480;
	[sflag:s20] =	ssyncadd.s32 $0xFFFFC000  }
0x67: {  	[spmem:s2] =	stream.indirect.scatter.add.f32 [tilespmem:s18], [sflag:$0x3], $0x80, s31, s16, $0xb8;
	[tilespmem:$0x1E800] =	vst v63  }
0x68: {  	_ =	swait.ge [sflag:s14], $0x4000  }
0x69: {  	[sflag:s14] =	ssyncset.done $0x0  }
0x6a: {  	s25 =	simm.s32 $0x180;
	s24 =	simm.s32 $0x400;
	[sflag:s14] =	ssyncadd.s32 $0xFFFFC000  }
.LBB2_4:
0x6b: {  	[tilespmem:s18], [sflag:$0x2] =	stream.indirect.gather [hbm4b:s4+s16], $0x80, s25, s16, $0xb8;
	[tilespmem:$0x1E800] =	vst v63  }
0x6c: {  	s25 =	smov.u32 s24  }
0x6d: {  	p0 =	sne.s32 s24, $0x4800;
	s24 =	sadd.s32 $0x400, s24;
	_ =	swait.ge [sflag:s19], $0x4000  }
0x6e: {  	s25 =	sshra.s32 s25, $0x2;
	[sflag:s19] =	ssyncset.done $0x0  }
0x6f: {  	s26 =	sadd.s32 $0x1400, s25;
	[sflag:s19] =	ssyncadd.s32 $0xFFFFC000  }
0x70: {  	[spmem:s2] =	stream.indirect.scatter.add.f32 [tilespmem:s17], [sflag:$0x3], $0x80, s26, s16, $0xb8;
	[tilespmem:$0x1E800] =	vst v63  }
0x71: {  	_ =	swait.ge [sflag:s14], $0x4000  }
0x72: {  	[sflag:s14] =	ssyncset.done $0x0  }
0x73: {  	s26 =	sadd.s32 $0x100, s25;
	[sflag:s14] =	ssyncadd.s32 $0xFFFFC000  }
0x74: {  	[tilespmem:s17], [sflag:$0x1] =	stream.indirect.gather [hbm4b:s4+s16], $0x80, s26, s16, $0xb8;
	[tilespmem:$0x1E800] =	vst v63  }
0x75: {  	_ =	swait.ge [sflag:s20], $0x4000  }
0x76: {  	[sflag:s20] =	ssyncset.done $0x0  }
.Ltmp1:
0x77: {  	s26 =	sadd.s32 $0x1480, s25;
	[sflag:s20] =	ssyncadd.s32 $0xFFFFC000;
	(pc) =	sbr.rel @p0 .LBB2_4-.Ltmp1, $4  }
0x78: {  	[spmem:s2] =	stream.indirect.scatter.add.f32 [tilespmem:s18], [sflag:$0x3], $0x80, s26, s16, $0xb8;
	[tilespmem:$0x1E800] =	vst v63  }
0x79: {  	_ =	swait.ge [sflag:s14], $0x4000  }
0x7a: {  	[sflag:s14] =	ssyncset.done $0x0  }
0x7b: {  	s25 =	sadd.s32 $0x180, s25;
	[sflag:s14] =	ssyncadd.s32 $0xFFFFC000  }
0x7c: {  	[tilespmem:s18], [sflag:$0x2] =	stream.indirect.gather [hbm4b:s4+s16], $0x80, s25, s16, $0xb8;
	[tilespmem:$0x1E800] =	vst v63  }
0x7d: {  	_ =	swait.ge [sflag:s19], $0x4000  }
0x7e: {  	[sflag:s19] =	ssyncset.done $0x0  }
0x7f: {  	[sflag:s19] =	ssyncadd.s32 $0xFFFFC000  }
0x80: {  	[spmem:s2] =	stream.indirect.scatter.add.f32 [tilespmem:s17], [sflag:$0x3], $0x80, s21, s16, $0xb8;
	[tilespmem:$0x1E800] =	vst v63  }
0x81: {  	_ =	swait.ge [sflag:s14], $0x4000  }
0x82: {  	[sflag:s14] =	ssyncset.done $0x0  }
0x83: {  	[sflag:s14] =	ssyncadd.s32 $0xFFFFC000  }
0x84: {  	_ =	swait.ge [sflag:s20], $0x4000  }
0x85: {  	[sflag:s20] =	ssyncset.done $0x0  }
0x86: {  	[sflag:s20] =	ssyncadd.s32 $0xFFFFC000  }
0x87: {  	[spmem:s2] =	stream.indirect.scatter.add.f32 [tilespmem:s18], [sflag:$0x3], $0x80, s22, s16, $0xb8;
	[tilespmem:$0x1E800] =	vst v63  }
0x88: {  	_ =	swait.ge [sflag:s14], $0x4000  }
0x89: {  	s23 =	sadd.s32 $0x1, s23;
	[sflag:s14] =	ssyncset.done $0x0  }
0x8a: {  	p0 =	sne.s32 s23, s12;
	[sflag:s14] =	ssyncadd.s32 $0xFFFFC000  }
.Ltmp2:
0x8b: {  	[bflag:$0x0] =	sbarrier.arrive $0xFFFF;
	(pc) =	sbr.rel @p0 .LBB2_1-.Ltmp2, $4  }
0x8c: {  	[hbm:s11], [sflag:s6] =	dma.local [spmem:s13], $0x2800  }
0x8d: {  	_ =	swait.ge [sflag:s14], $0x2800  }
0x8e: {  	[sflag:s14] =	ssyncset.done $0x0  }
0x8f: {  	[sflag:s14] =	ssyncadd.s32 $0xFFFFD800  }
0x90: {  	_ =	sfence.sel $0x180000  }
0x91: {  	[bflag:$0x0] =	sbarrier.arrive $0xFFFF  }
0x92: {  	p0 =	sne.s32 s0, $0x0;
	_ =	strace $0x9000004A  }
0x93: {  	s0 =	sadd.s32 @!p0 $0x100000, s1;
	[bflag:$0x2] =	sbarrier.arrive $0xFFFF  }
0x94: {  	[sflag:s0] =	ssyncadd.tile.s32 @!p0 $0x1;
	_ =	shalt  }
.Lfunc_end2:
_tile_overlayer_lowered:
.L_overlay_start_2:
0x95: {  	(tag) =	ssettag $0x2  }
0x96: {  	s0 =	rddreg [dreg:$0x0];
	s2 =	stileid.u32  }
0x97: {  	s1 =	rddreg [dreg:$0x1];
	p0 =	sne.s32 s2, $0x0  }
0x98: {  	s3 =	rddreg [dreg:$0x2];
	[bflag:$0x3] =	sbarrier.arrive $0xFFFF;
	s2 =	simm.s32 @!p0 $0x1C03  }
0x99: {  	[timem:s3], [sflag:s2] =	dma.local @!p0 [hbm:s0], s1  }
0x9a: {  	s0 =	simm.s32 @!p0 $0x3  }
0x9b: {  	_ =	swait.ge @!p0 [sflag:s0], s1  }
0x9c: {  	s1 =	ssub.s32 @!p0 $0x0, s1;
	[sflag:s0] =	ssyncset.done @!p0 $0x0  }
0x9d: {  	[sflag:s0] =	ssyncadd.s32 @!p0 s1  }
0x9e: {  	[bflag:$0x3] =	sbarrier.arrive $0xFFFF  }
0x9f: {  	_ =	shalt  }

// kernel: kernel.16.cloned.1.call-start
scs
__scs_entry_jumppad:
0x0: {  	(pc) =	sbr.rel $0x88, $3  }
0x1: {  	(tag) =	ssettag $0x0;
	lr =	simm.s32 $0x1  }
0x2: {  	[smem:$0x3F99] =	sst lr;
	_ =	strace $0xD0000000  }
0x3: {  	_ = 	snop  }
0x4: {  	_ = 	snop  }
0x5: {  	_ = 	snop  }
0x6: {  	_ = 	snop  }
0x7: {  	_ = 	snop  }
__scs_overlays_trampoline_lowered:
0x8: {  	[smem:$0x3FA8] =	sst s0  }
0x9: {  	[smem:$0x3FA9] =	sst s1  }
0xa: {  	[smem:$0x3FAA] =	sst s2  }
0xb: {  	[smem:$0x3FAB] =	sst s3  }
0xc: {  	[smem:$0x3FAC] =	sst s4  }
0xd: {  	[smem:$0x3FAD] =	sst s5  }
0xe: {  	[smem:$0x3FAE] =	sst s6  }
0xf: {  	[smem:$0x3FAF] =	sst s7  }
0x10: {  	[smem:$0x3FB0] =	sst s8  }
0x11: {  	[smem:$0x3FB1] =	sst s9;
	s0 =	simm.s32 @!p0 $0x0  }
0x12: {  	s1 =	sld [smem:$0x3F97];
	s0 =	simm.s32 @p0 $0x1  }
0x13: {  	[smem:$0x3FB2] =	sst s0;
	s0 =	simm.s32 @!p1 $0x0  }
0x14: {  	s2 =	sld [smem:$0x3F96];
	s0 =	simm.s32 @p1 $0x1  }
0x15: {  	[smem:$0x3FB3] =	sst s0;
	s0 =	simm.s32 @!p2 $0x0  }
0x16: {  	s3 =	sld [smem:$0x3FDB];
	s0 =	simm.s32 @p2 $0x1  }
0x17: {  	s4 =	simm.s32 $0x1BF5;
	[smem:$0x3FB5] =	sst s0  }
0x18: {  	s0 =	sld [smem:$0x3F98];
	_ =	swait.ge [sflag:s4], $0x0  }
0x19: {  	s7 =	sld [smem:$0x3F99]  }
0x1a: {  	s8 =	sadd.s32 $0xFFFFE003, lr  }
0x1b: {  	s9 =	sadd.s32 $0xFFFFFEF7, lr;
	s5 =	simm.s32 $0xFFFFFFFF;
	p2 =	slt.u32 s8, $0xFFFFF086  }
0x1c: {  	p1 =	slt.u32 s9, $0xF7A;
	s5 =	simm.s32 @!p2 $0x0  }
0x1d: {  	s5 =	simm.s32 @p1 $0x1;
	p0 =	seq.s32 s7, s2  }
0x1e: {  	s7 =	smul.u32 @!p0 $0xF7A, s2;
	p2 =	seq.s32 @!p0 s5, $0x0  }
0x1f: {  	s9 =	smul.u32 $0xF7A, s1;
	s8 =	simm.s32 @!p0 $0x1BF5;
	p2 =	por !p2, p0  }
0x20: {  	[sflag:s8] =	ssyncset.s32 @!p0 $0xFFFFF086;
	s6 =	sadd.s32 @!p0 s3, s7;
	s7 =	simm.s32 @!p0 $0x108  }
0x21: {  	s3 =	sadd.s32 s3, s9;
	s6 =	sadd.s32 @!p0 $0x88, s6;
	s7 =	simm.s32 @p2 $0x1082  }
0x22: {  	[simem:s7], [sflag:s8] =	dma.local @!p0 [hbm:s6], $0xF7A  }
0x23: {  	s9 =	sor.u32 $0xD0000000, s2;
	s6 =	simm.s32 $0x108;
	_ =	swait.ge @!p0 [sflag:s8], $0x0  }
0x24: {  	s3 =	sadd.s32 $0x88, s3;
	s6 =	simm.s32 @!p1 $0x1082;
	[sflag:s4] =	ssyncset.s32 $0xFFFFF086  }
0x25: {  	[simem:s6], [sflag:s4] =	dma.local [hbm:s3], $0xF7A  }
0x26: {  	[smem:$0x3F99] =	sst s1;
	(tag) =	ssettag s2;
	_ =	strace s9  }
0x27: {  	s1 =	sld [smem:$0x3FA9]  }
0x28: {  	s2 =	sld [smem:$0x3FAA]  }
0x29: {  	s4 =	sld [smem:$0x3FAC]  }
0x2a: {  	p0 =	seq.s32 s5, $0x0;
	s5 =	sld [smem:$0x3FAD]  }
0x2b: {  	s6 =	sld [smem:$0x3FAE]  }
0x2c: {  	s7 =	sld [smem:$0x3FAF]  }
0x2d: {  	s3 =	simm.s32 $0x108;
	s8 =	sld [smem:$0x3FB0]  }
0x2e: {  	s3 =	simm.s32 @!p0 $0x1082;
	s9 =	sld [smem:$0x3FB1]  }
0x2f: {  	lr =	sadd.s32 s0, s3;
	s0 =	sld [smem:$0x3FA8]  }
0x30: {  	s3 =	sld [smem:$0x3FAB]  }
0x31: {  	[smem:$0x3FB4] =	sst s10  }
0x32: {  	s10 =	sld [smem:$0x3FB2];
	_ =	sdelay $0x3  }
0x33: {  	p0 =	seq.s32 s10, $0x1;
	s10 =	sld [smem:$0x3FB4];
	_ =	sdelay $0x3  }
0x34: {  	[smem:$0x3FB4] =	sst s10  }
0x35: {  	s10 =	sld [smem:$0x3FB3];
	_ =	sdelay $0x3  }
0x36: {  	p1 =	seq.s32 s10, $0x1;
	s10 =	sld [smem:$0x3FB4];
	_ =	sdelay $0x3  }
0x37: {  	[smem:$0x3FB4] =	sst s10  }
0x38: {  	s10 =	sld [smem:$0x3FB5]  }
0x39: {  	_ = 	snop;
	(pc) =	sbr.ind lr, $3  }
0x3a: {  	_ = 	snop  }
0x3b: {  	_ = 	snop  }
0x3c: {  	p2 =	seq.s32 s10, $0x1;
	s10 =	sld [smem:$0x3FB4]  }
0x3d: {  	_ =	shalt  }
0x3e: {  	_ =	shalt  }
0x3f: {  	_ =	shalt  }
0x40: {  	_ =	shalt  }
0x41: {  	_ =	shalt  }
0x42: {  	_ =	shalt  }
0x43: {  	_ =	shalt  }
0x44: {  	_ =	shalt  }
0x45: {  	_ =	shalt  }
0x46: {  	_ =	shalt  }
0x47: {  	_ =	shalt  }
0x48: {  	_ =	shalt  }
0x49: {  	_ =	shalt  }
0x4a: {  	_ =	shalt  }
0x4b: {  	_ =	shalt  }
0x4c: {  	_ =	shalt  }
0x4d: {  	_ =	shalt  }
0x4e: {  	_ =	shalt  }
0x4f: {  	_ =	shalt  }
0x50: {  	_ =	shalt  }
0x51: {  	_ =	shalt  }
0x52: {  	_ =	shalt  }
0x53: {  	_ =	shalt  }
0x54: {  	_ =	shalt  }
0x55: {  	_ =	shalt  }
0x56: {  	_ =	shalt  }
0x57: {  	_ =	shalt  }
0x58: {  	_ =	shalt  }
0x59: {  	_ =	shalt  }
0x5a: {  	_ =	shalt  }
0x5b: {  	_ =	shalt  }
0x5c: {  	_ =	shalt  }
0x5d: {  	_ =	shalt  }
0x5e: {  	_ =	shalt  }
0x5f: {  	_ =	shalt  }
0x60: {  	_ =	shalt  }
0x61: {  	_ =	shalt  }
0x62: {  	_ =	shalt  }
0x63: {  	_ =	shalt  }
0x64: {  	_ =	shalt  }
0x65: {  	_ =	shalt  }
0x66: {  	_ =	shalt  }
0x67: {  	_ =	shalt  }
0x68: {  	_ =	shalt  }
0x69: {  	_ =	shalt  }
0x6a: {  	_ =	shalt  }
0x6b: {  	_ =	shalt  }
0x6c: {  	_ =	shalt  }
0x6d: {  	_ =	shalt  }
0x6e: {  	_ =	shalt  }
0x6f: {  	_ =	shalt  }
0x70: {  	_ =	shalt  }
0x71: {  	_ =	shalt  }
0x72: {  	_ =	shalt  }
0x73: {  	_ =	shalt  }
0x74: {  	_ =	shalt  }
0x75: {  	_ =	shalt  }
0x76: {  	_ =	shalt  }
0x77: {  	_ =	shalt  }
0x78: {  	_ =	shalt  }
0x79: {  	_ =	shalt  }
0x7a: {  	_ =	shalt  }
0x7b: {  	_ =	shalt  }
0x7c: {  	_ =	shalt  }
0x7d: {  	_ =	shalt  }
0x7e: {  	_ =	shalt  }
0x7f: {  	_ =	shalt  }
0x80: {  	_ =	shalt  }
0x81: {  	_ =	shalt  }
0x82: {  	_ =	shalt  }
0x83: {  	_ =	shalt  }
0x84: {  	_ =	shalt  }
0x85: {  	_ =	shalt  }
0x86: {  	_ =	shalt  }
0x87: {  	_ =	shalt  }
.Lfunc_end0:
.L_simem_size_0:
called_computation.2_lowered:
.L_overlay_start_0:
0x88: {  	s2 =	sld [smem:$0x3FD9]  }
0x89: {  	s3 =	sld [smem:$0x3FFE];
	_ =	sdelay $0x1  }
0x8a: {  	s1 =	srdreg.scid  }
0x8b: {  	s0 =	sand.u32 $0x1, s1  }
0x8c: {  	s16 =	sshll.u32 s0, $0xA;
	s2 =	sadd.s32 s3, s2  }
0x8d: {  	s2 =	sadd.s32 s2, s16  }
0x8e: {  	[smem:$0x3FC0] =	sst s2  }
0x8f: {  	_ = 	snop  }
0x90: {  	(tm) =	ssettm $0x1  }
0x91: {  	s17 =	sld [smem:$0x3FFB];
	_ =	sdelay $0x3  }
0x92: {  	_ =	strace s17  }
0x93: {  	s2 =	sld [smem:$0x3FFC];
	_ =	sdelay $0x3  }
0x94: {  	_ =	strace s2  }
0x95: {  	s2 =	sld [smem:$0x3FFD];
	_ =	sdelay $0x3  }
0x96: {  	_ =	strace s2  }
0x97: {  	_ =	strace $0x8FFFFFFF  }
0x98: {  	s18 =	sld [smem:$0x3FDB];
	_ =	sdelay $0x1  }
0x99: {  	s19 =	simm.s32 $_scs_section_size  }
0x9a: {  	s4 =	simm.s32 $_size__tile_overlayer_lowered;
	s5 =	simm.s32 $_tile_overlayer_lowered  }
0x9b: {  	s22 =	simm.s32 $0x1BFF;
	s21 =	sshll.u32 s5, $0x1;
	s2 =	sadd.s32 s19, s18  }
0x9c: {  	s6 =	simm.s32 $0x0;
	s20 =	sshll.u32 s4, $0x1;
	s4 =	sadd.s32 s21, s2  }
0x9d: {  	[timem:s6], [sflag:s22] =	dma.local [hbm:s4], s20  }
0x9e: {  	_ =	swait.ge [sflag:s22], s20  }
0x9f: {  	s3 =	ssub.s32 $0x0, s20;
	[sflag:s22] =	ssyncset.done $0x0  }
0xa0: {  	[sflag:s22] =	ssyncadd.s32 s3;
	_ =	sdelay $0x1  }
0xa1: {  	s23 =	simm.s32 $0x1B8B  }
0xa2: {  	_ =	swait.ge [sflag:s23], $0x1  }
0xa3: {  	[sflag:s23] =	ssyncset.done $0x0  }
0xa4: {  	s25 =	simm.s32 $0x1B8E;
	s24 =	sld [smem:$0x3FFE];
	[sflag:s23] =	ssyncadd.s32 $0xFFFFFFFF  }
0xa5: {  	s26 =	simm.s32 $execute0_lowered;
	[smem:$0x3FD2] =	sst s25  }
0xa6: {  	s4 =	sshll.u32 s26, $0x1;
	_ =	strace $0x8000004C;
	[dreg:$0x1] =	wrdreg $0xFFFFFFFF  }
0xa7: {  	s28 =	simm.s32 $_size_execute0_lowered;
	s2 =	sadd.s32 s2, s4;
	[dreg:$0x0] =	wrdreg $0x0  }
0xa8: {  	s4 =	sshll.u32 s28, $0x1;
	[dreg:$0x2] =	wrdreg s2  }
0xa9: {  	[dreg:$0x3] =	wrdreg s4  }
0xaa: {  	[dreg:$0x4] =	wrdreg $0xC0  }
0xab: {  	_ =	task [dreg:s6], $0x5FFFF  }
0xac: {  	[dreg:$0x1] =	wrdreg $0xFFFFFFFF  }
0xad: {  	[dreg:$0x0] =	wrdreg $0x60  }
0xae: {  	[dreg:$0x2] =	wrdreg s24  }
0xaf: {  	[dreg:$0x3] =	wrdreg $0xA8000  }
0xb0: {  	[dreg:$0x4] =	wrdreg $0x9  }
0xb1: {  	_ =	task.clear_ibuf [dreg:s6], $0x5FFFF;
	_ =	strace $0x9000004C  }
0xb2: {  	s29 =	simm.s32 $0x9;
	_ =	strace $0x8000004E  }
0xb3: {  	_ =	swait.ge [sflag:s29], $0x1  }
0xb4: {  	[sflag:s29] =	ssyncadd.s32 $0xFFFFFFFF  }
0xb5: {  	_ =	strace $0x9000004E  }
0xb6: {  	_ =	sfence  }
0xb7: {  	s30 =	sld [smem:$0x0];
	_ =	sdelay $0x2  }
0xb8: {  	s31 =	sshll.u32 s1, $0xD;
	s1 =	sshrl.u32 s1, $0x2  }
0xb9: {  	s3 =	sand.u32 $0x4000, s31;
	s1 =	sadd.s32 s1, s30  }
0xba: {  	s0 =	sor.u32 s3, s0;
	s1 =	sshll.u32 s1, $0x11  }
0xbb: {  	s0 =	sor.u32 s1, s0  }
0xbc: {  	s0 =	sadd.s32 $0x8F2B, s0  }
0xbd: {  	[sflag:s0] =	ssyncadd.remote.s32 $0x1  }
0xbe: {  	_ =	sfence.sel $0xFFFF  }
0xbf: {  	[dreg:$0x0] =	wrdreg $0xFFFFFFFF;
	(pc) =	sbr.abs _section_cstart, $3  }
0xc0: {  	[dreg:$0x1] =	wrdreg $0xFFFFFFFF  }
0xc1: {  	_ =	task.clear_ibuf [dreg:s6], $0x2FFFF;
	_ =	strace $0x9FFFFFFF  }
0xc2: {  	(tm) =	ssettm $0x7FFFFFFF  }
0xc3: {  	_ =	shalt  }
tec
execute0_lowered:
.L_overlay_start_1:
0x0: {  	(tag) =	ssettag $0x1  }
0x1: {  	s5 =	rddreg [dreg:$0x0]  }
0x2: {  	s0 =	srdreg.scid;
	s2 =	rddreg [dreg:$0x1]  }
0x3: {  	s1 =	rddreg [dreg:$0x2];
	s3 =	simm.s32 $0x0;
	s15 =	simm.s32 $0x1400  }
0x4: {  	s16 =	simm.s32 $0x80;
	s17 =	simm.s32 $0x2800;
	s6 =	sand.u32 $0x1, s0  }
0x5: {  	s18 =	simm.s32 $0x6800;
	s0 =	stileid.u32;
	s4 =	smul.u32 $0x28000, s6  }
0x6: {  	s19 =	simm.s32 $0x1;
	s20 =	simm.s32 $0x2;
	s7 =	smul.u32 $0x2800, s0  }
0x7: {  	s21 =	simm.s32 $0x2700;
	s22 =	simm.s32 $0x2780;
	s8 =	smul.u32 $0x2800, s6  }
0x8: {  	s23 =	simm.s32 $0x0;
	[smem:$0x7FF] =	sst s3;
	s10 =	smul.u32 $0x280, s0  }
0x9: {  	_ =	strace $0x8000004D;
	s6 =	ssub.s32 $0x2, s6;
	s26 =	smul.u32 $0x50000, s0  }
0xa: {  	s31 =	sshll.u32 s0, $0x6;
	s29 =	sshrl.u32 s6, $0x1;
	s4 =	sadd.s32 s7, s4  }
0xb: {  	s7 =	sshrl.u32 s7, $0x3;
	s8 =	sadd.s32 s10, s8;
	s13 =	ssub.s32 s6, s29  }
0xc: {  	s30 =	sshrl.u32 s26, $0x2;
	s6 =	sor.u32 $0x1C03, s31;
	s9 =	sshrl.u32 s4, $0x3  }
0xd: {  	s4 =	sadd.s32 $0x62400, s5;
	s11 =	sadd.s32 s7, s5;
	s28 =	sshll.u32 s8, $0x4  }
0xe: {  	s14 =	sadd.s32 s30, s2;
	s9 =	sadd.s32 s9, s5;
	s12 =	sadd.s32 s28, s5  }
0xf: {  	s5 =	sadd.s32 s4, s28;
	s8 =	sadd.s32 $0x2C00, s11;
	s10 =	sadd.s32 $0x2E80, s11  }
0x10: {  	s7 =	sadd.s32 $0x58400, s9;
	s9 =	sadd.s32 $0x58680, s9;
	s11 =	sadd.s32 $0xB2400, s12  }
0x11: {  	s12 =	smax.u32 s13, $0x1;
	s13 =	sshrl.u32 s14, $0x3;
	s14 =	simm.s32 $0x3  }
.LBB2_1:
0x12: {  	[spmem:s13], [sflag:s6] =	dma.local [hbm:s5], $0x2800  }
0x13: {  	_ =	swait.ge [sflag:s14], $0x2800  }
0x14: {  	[sflag:s14] =	ssyncset.done $0x0  }
0x15: {  	[sflag:s14] =	ssyncadd.s32 $0xFFFFD800  }
0x16: {  	[bflag:$0x0] =	sbarrier.arrive $0xFFFF  }
0x17: {  	[tilespmem:s3], [sflag:$0x3] =	stream.linear.gather [hbm4b:s7+s3], $0x1400, $0x38;
	[tilespmem:$0x1E800] =	vst v63  }
0x18: {  	_ =	swait.ge [sflag:s14], $0x1400  }
0x19: {  	[sflag:s14] =	ssyncset.done $0x0  }
0x1a: {  	[sflag:s14] =	ssyncadd.s32 $0xFFFFEC00  }
0x1b: {  	[tilespmem:s15], [sflag:$0x3] =	stream.linear.gather [hbm4b:s8+s3], $0x1400, $0x38;
	[tilespmem:$0x1E800] =	vst v63  }
0x1c: {  	_ =	swait.ge [sflag:s14], $0x1400  }
0x1d: {  	[sflag:s14] =	ssyncset.done $0x0  }
0x1e: {  	[sflag:s14] =	ssyncadd.s32 $0xFFFFEC00  }
0x1f: {  	[tilespmem:s17], [sflag:$0x1] =	stream.indirect.gather [hbm4b:s4+s16], $0x80, s3, s16, $0xb8;
	[tilespmem:$0x1E800] =	vst v63  }
0x20: {  	_ = 	snop  }
0x21: {  	[tilespmem:s18], [sflag:$0x2] =	stream.indirect.gather [hbm4b:s4+s16], $0x80, s16, s16, $0xb8;
	[tilespmem:$0x1E800] =	vst v63  }
0x22: {  	_ =	swait.ge [sflag:s19], $0x4000  }
0x23: {  	[sflag:s19] =	ssyncset.done $0x0  }
0x24: {  	s24 =	simm.s32 $0x1400;
	[sflag:s19] =	ssyncadd.s32 $0xFFFFC000  }
0x25: {  	[spmem:s2] =	stream.indirect.scatter.add.f32 [tilespmem:s17], [sflag:$0x3], $0x80, s24, s16, $0xb8;
	[tilespmem:$0x1E800] =	vst v63  }
0x26: {  	_ =	swait.ge [sflag:s14], $0x4000  }
0x27: {  	[sflag:s14] =	ssyncset.done $0x0  }
0x28: {  	s30 =	simm.s32 $0x100;
	[sflag:s14] =	ssyncadd.s32 $0xFFFFC000  }
0x29: {  	[tilespmem:s17], [sflag:$0x1] =	stream.indirect.gather [hbm4b:s4+s16], $0x80, s30, s16, $0xb8;
	[tilespmem:$0x1E800] =	vst v63  }
0x2a: {  	_ =	swait.ge [sflag:s20], $0x4000  }
0x2b: {  	[sflag:s20] =	ssyncset.done $0x0  }
0x2c: {  	s31 =	simm.s32 $0x1480;
	[sflag:s20] =	ssyncadd.s32 $0xFFFFC000  }
0x2d: {  	[spmem:s2] =	stream.indirect.scatter.add.f32 [tilespmem:s18], [sflag:$0x3], $0x80, s31, s16, $0xb8;
	[tilespmem:$0x1E800] =	vst v63  }
0x2e: {  	_ =	swait.ge [sflag:s14], $0x4000  }
0x2f: {  	[sflag:s14] =	ssyncset.done $0x0  }
0x30: {  	s25 =	simm.s32 $0x180;
	s24 =	simm.s32 $0x400;
	[sflag:s14] =	ssyncadd.s32 $0xFFFFC000  }
.LBB2_2:
0x31: {  	[tilespmem:s18], [sflag:$0x2] =	stream.indirect.gather [hbm4b:s4+s16], $0x80, s25, s16, $0xb8;
	[tilespmem:$0x1E800] =	vst v63  }
0x32: {  	s25 =	smov.u32 s24  }
0x33: {  	p0 =	sne.s32 s24, $0x4800;
	s24 =	sadd.s32 $0x400, s24;
	_ =	swait.ge [sflag:s19], $0x4000  }
0x34: {  	s25 =	sshra.s32 s25, $0x2;
	[sflag:s19] =	ssyncset.done $0x0  }
0x35: {  	s26 =	sadd.s32 $0x1400, s25;
	[sflag:s19] =	ssyncadd.s32 $0xFFFFC000  }
0x36: {  	[spmem:s2] =	stream.indirect.scatter.add.f32 [tilespmem:s17], [sflag:$0x3], $0x80, s26, s16, $0xb8;
	[tilespmem:$0x1E800] =	vst v63  }
0x37: {  	_ =	swait.ge [sflag:s14], $0x4000  }
0x38: {  	[sflag:s14] =	ssyncset.done $0x0  }
0x39: {  	s26 =	sadd.s32 $0x100, s25;
	[sflag:s14] =	ssyncadd.s32 $0xFFFFC000  }
0x3a: {  	[tilespmem:s17], [sflag:$0x1] =	stream.indirect.gather [hbm4b:s4+s16], $0x80, s26, s16, $0xb8;
	[tilespmem:$0x1E800] =	vst v63  }
0x3b: {  	_ =	swait.ge [sflag:s20], $0x4000  }
0x3c: {  	[sflag:s20] =	ssyncset.done $0x0  }
.Ltmp0:
0x3d: {  	s26 =	sadd.s32 $0x1480, s25;
	[sflag:s20] =	ssyncadd.s32 $0xFFFFC000;
	(pc) =	sbr.rel @p0 .LBB2_2-.Ltmp0, $4  }
0x3e: {  	[spmem:s2] =	stream.indirect.scatter.add.f32 [tilespmem:s18], [sflag:$0x3], $0x80, s26, s16, $0xb8;
	[tilespmem:$0x1E800] =	vst v63  }
0x3f: {  	_ =	swait.ge [sflag:s14], $0x4000  }
0x40: {  	[sflag:s14] =	ssyncset.done $0x0  }
0x41: {  	s25 =	sadd.s32 $0x180, s25;
	[sflag:s14] =	ssyncadd.s32 $0xFFFFC000  }
0x42: {  	[tilespmem:s18], [sflag:$0x2] =	stream.indirect.gather [hbm4b:s4+s16], $0x80, s25, s16, $0xb8;
	[tilespmem:$0x1E800] =	vst v63  }
0x43: {  	_ =	swait.ge [sflag:s19], $0x4000  }
0x44: {  	[sflag:s19] =	ssyncset.done $0x0  }
0x45: {  	[sflag:s19] =	ssyncadd.s32 $0xFFFFC000  }
0x46: {  	[spmem:s2] =	stream.indirect.scatter.add.f32 [tilespmem:s17], [sflag:$0x3], $0x80, s21, s16, $0xb8;
	[tilespmem:$0x1E800] =	vst v63  }
0x47: {  	_ =	swait.ge [sflag:s14], $0x4000  }
0x48: {  	[sflag:s14] =	ssyncset.done $0x0  }
0x49: {  	[sflag:s14] =	ssyncadd.s32 $0xFFFFC000  }
0x4a: {  	_ =	swait.ge [sflag:s20], $0x4000  }
0x4b: {  	[sflag:s20] =	ssyncset.done $0x0  }
0x4c: {  	[sflag:s20] =	ssyncadd.s32 $0xFFFFC000  }
0x4d: {  	[spmem:s2] =	stream.indirect.scatter.add.f32 [tilespmem:s18], [sflag:$0x3], $0x80, s22, s16, $0xb8;
	[tilespmem:$0x1E800] =	vst v63  }
0x4e: {  	_ =	swait.ge [sflag:s14], $0x4000  }
0x4f: {  	[sflag:s14] =	ssyncset.done $0x0  }
0x50: {  	s24 =	simm.s32 $0x0;
	[sflag:s14] =	ssyncadd.s32 $0xFFFFC000  }
0x51: {  	[tilespmem:s24], [sflag:$0x3] =	stream.linear.gather [hbm4b:s9+s24], $0x1400, $0x38;
	[tilespmem:$0x1E800] =	vst v63  }
0x52: {  	_ =	swait.ge [sflag:s14], $0x1400  }
0x53: {  	[sflag:s14] =	ssyncset.done $0x0  }
0x54: {  	[sflag:s14] =	ssyncadd.s32 $0xFFFFEC00  }
0x55: {  	[tilespmem:s15], [sflag:$0x3] =	stream.linear.gather [hbm4b:s10+s24], $0x1400, $0x38;
	[tilespmem:$0x1E800] =	vst v63  }
0x56: {  	_ =	swait.ge [sflag:s14], $0x1400  }
0x57: {  	[sflag:s14] =	ssyncset.done $0x0  }
0x58: {  	[sflag:s14] =	ssyncadd.s32 $0xFFFFEC00  }
0x59: {  	[tilespmem:s17], [sflag:$0x1] =	stream.indirect.gather [hbm4b:s4+s16], $0x80, s24, s16, $0xb8;
	[tilespmem:$0x1E800] =	vst v63  }
0x5a: {  	_ = 	snop  }
0x5b: {  	[tilespmem:s18], [sflag:$0x2] =	stream.indirect.gather [hbm4b:s4+s16], $0x80, s16, s16, $0xb8;
	[tilespmem:$0x1E800] =	vst v63  }
0x5c: {  	_ =	swait.ge [sflag:s19], $0x4000  }
0x5d: {  	[sflag:s19] =	ssyncset.done $0x0  }
0x5e: {  	s29 =	simm.s32 $0x1400;
	[sflag:s19] =	ssyncadd.s32 $0xFFFFC000  }
0x5f: {  	[spmem:s2] =	stream.indirect.scatter.add.f32 [tilespmem:s17], [sflag:$0x3], $0x80, s29, s16, $0xb8;
	[tilespmem:$0x1E800] =	vst v63  }
0x60: {  	_ =	swait.ge [sflag:s14], $0x4000  }
0x61: {  	[sflag:s14] =	ssyncset.done $0x0  }
0x62: {  	s30 =	simm.s32 $0x100;
	[sflag:s14] =	ssyncadd.s32 $0xFFFFC000  }
0x63: {  	[tilespmem:s17], [sflag:$0x1] =	stream.indirect.gather [hbm4b:s4+s16], $0x80, s30, s16, $0xb8;
	[tilespmem:$0x1E800] =	vst v63  }
0x64: {  	_ =	swait.ge [sflag:s20], $0x4000  }
0x65: {  	[sflag:s20] =	ssyncset.done $0x0  }
0x66: {  	s31 =	simm.s32 $0x1480;
	[sflag:s20] =	ssyncadd.s32 $0xFFFFC000  }
0x67: {  	[spmem:s2] =	stream.indirect.scatter.add.f32 [tilespmem:s18], [sflag:$0x3], $0x80, s31, s16, $0xb8;
	[tilespmem:$0x1E800] =	vst v63  }
0x68: {  	_ =	swait.ge [sflag:s14], $0x4000  }
0x69: {  	[sflag:s14] =	ssyncset.done $0x0  }
0x6a: {  	s25 =	simm.s32 $0x180;
	s24 =	simm.s32 $0x400;
	[sflag:s14] =	ssyncadd.s32 $0xFFFFC000  }
.LBB2_4:
0x6b: {  	[tilespmem:s18], [sflag:$0x2] =	stream.indirect.gather [hbm4b:s4+s16], $0x80, s25, s16, $0xb8;
	[tilespmem:$0x1E800] =	vst v63  }
0x6c: {  	s25 =	smov.u32 s24  }
0x6d: {  	p0 =	sne.s32 s24, $0x4800;
	s24 =	sadd.s32 $0x400, s24;
	_ =	swait.ge [sflag:s19], $0x4000  }
0x6e: {  	s25 =	sshra.s32 s25, $0x2;
	[sflag:s19] =	ssyncset.done $0x0  }
0x6f: {  	s26 =	sadd.s32 $0x1400, s25;
	[sflag:s19] =	ssyncadd.s32 $0xFFFFC000  }
0x70: {  	[spmem:s2] =	stream.indirect.scatter.add.f32 [tilespmem:s17], [sflag:$0x3], $0x80, s26, s16, $0xb8;
	[tilespmem:$0x1E800] =	vst v63  }
0x71: {  	_ =	swait.ge [sflag:s14], $0x4000  }
0x72: {  	[sflag:s14] =	ssyncset.done $0x0  }
0x73: {  	s26 =	sadd.s32 $0x100, s25;
	[sflag:s14] =	ssyncadd.s32 $0xFFFFC000  }
0x74: {  	[tilespmem:s17], [sflag:$0x1] =	stream.indirect.gather [hbm4b:s4+s16], $0x80, s26, s16, $0xb8;
	[tilespmem:$0x1E800] =	vst v63  }
0x75: {  	_ =	swait.ge [sflag:s20], $0x4000  }
0x76: {  	[sflag:s20] =	ssyncset.done $0x0  }
.Ltmp1:
0x77: {  	s26 =	sadd.s32 $0x1480, s25;
	[sflag:s20] =	ssyncadd.s32 $0xFFFFC000;
	(pc) =	sbr.rel @p0 .LBB2_4-.Ltmp1, $4  }
0x78: {  	[spmem:s2] =	stream.indirect.scatter.add.f32 [tilespmem:s18], [sflag:$0x3], $0x80, s26, s16, $0xb8;
	[tilespmem:$0x1E800] =	vst v63  }
0x79: {  	_ =	swait.ge [sflag:s14], $0x4000  }
0x7a: {  	[sflag:s14] =	ssyncset.done $0x0  }
0x7b: {  	s25 =	sadd.s32 $0x180, s25;
	[sflag:s14] =	ssyncadd.s32 $0xFFFFC000  }
0x7c: {  	[tilespmem:s18], [sflag:$0x2] =	stream.indirect.gather [hbm4b:s4+s16], $0x80, s25, s16, $0xb8;
	[tilespmem:$0x1E800] =	vst v63  }
0x7d: {  	_ =	swait.ge [sflag:s19], $0x4000  }
0x7e: {  	[sflag:s19] =	ssyncset.done $0x0  }
0x7f: {  	[sflag:s19] =	ssyncadd.s32 $0xFFFFC000  }
0x80: {  	[spmem:s2] =	stream.indirect.scatter.add.f32 [tilespmem:s17], [sflag:$0x3], $0x80, s21, s16, $0xb8;
	[tilespmem:$0x1E800] =	vst v63  }
0x81: {  	_ =	swait.ge [sflag:s14], $0x4000  }
0x82: {  	[sflag:s14] =	ssyncset.done $0x0  }
0x83: {  	[sflag:s14] =	ssyncadd.s32 $0xFFFFC000  }
0x84: {  	_ =	swait.ge [sflag:s20], $0x4000  }
0x85: {  	[sflag:s20] =	ssyncset.done $0x0  }
0x86: {  	[sflag:s20] =	ssyncadd.s32 $0xFFFFC000  }
0x87: {  	[spmem:s2] =	stream.indirect.scatter.add.f32 [tilespmem:s18], [sflag:$0x3], $0x80, s22, s16, $0xb8;
	[tilespmem:$0x1E800] =	vst v63  }
0x88: {  	_ =	swait.ge [sflag:s14], $0x4000  }
0x89: {  	s23 =	sadd.s32 $0x1, s23;
	[sflag:s14] =	ssyncset.done $0x0  }
0x8a: {  	p0 =	sne.s32 s23, s12;
	[sflag:s14] =	ssyncadd.s32 $0xFFFFC000  }
.Ltmp2:
0x8b: {  	[bflag:$0x0] =	sbarrier.arrive $0xFFFF;
	(pc) =	sbr.rel @p0 .LBB2_1-.Ltmp2, $4  }
0x8c: {  	[hbm:s11], [sflag:s6] =	dma.local [spmem:s13], $0x2800  }
0x8d: {  	_ =	swait.ge [sflag:s14], $0x2800  }
0x8e: {  	[sflag:s14] =	ssyncset.done $0x0  }
0x8f: {  	[sflag:s14] =	ssyncadd.s32 $0xFFFFD800  }
0x90: {  	_ =	sfence.sel $0x180000  }
0x91: {  	[bflag:$0x0] =	sbarrier.arrive $0xFFFF  }
0x92: {  	p0 =	sne.s32 s0, $0x0;
	_ =	strace $0x9000004D  }
0x93: {  	s0 =	sadd.s32 @!p0 $0x100000, s1;
	[bflag:$0x2] =	sbarrier.arrive $0xFFFF  }
0x94: {  	[sflag:s0] =	ssyncadd.tile.s32 @!p0 $0x1;
	_ =	shalt  }
.Lfunc_end2:
_tile_overlayer_lowered:
.L_overlay_start_2:
0x95: {  	(tag) =	ssettag $0x2  }
0x96: {  	s0 =	rddreg [dreg:$0x0];
	s2 =	stileid.u32  }
0x97: {  	s1 =	rddreg [dreg:$0x1];
	p0 =	sne.s32 s2, $0x0  }
0x98: {  	s3 =	rddreg [dreg:$0x2];
	[bflag:$0x3] =	sbarrier.arrive $0xFFFF;
	s2 =	simm.s32 @!p0 $0x1C03  }
0x99: {  	[timem:s3], [sflag:s2] =	dma.local @!p0 [hbm:s0], s1  }
0x9a: {  	s0 =	simm.s32 @!p0 $0x3  }
0x9b: {  	_ =	swait.ge @!p0 [sflag:s0], s1  }
0x9c: {  	s1 =	ssub.s32 @!p0 $0x0, s1;
	[sflag:s0] =	ssyncset.done @!p0 $0x0  }
0x9d: {  	[sflag:s0] =	ssyncadd.s32 @!p0 s1  }
0x9e: {  	[bflag:$0x3] =	sbarrier.arrive $0xFFFF  }
0x9f: {  	_ =	shalt  }

// kernel: kernel.19.cloned.1.call-start
scs
__scs_entry_jumppad:
0x0: {  	(pc) =	sbr.rel $0x88, $3  }
0x1: {  	(tag) =	ssettag $0x0;
	lr =	simm.s32 $0x1  }
0x2: {  	[smem:$0x3F99] =	sst lr;
	_ =	strace $0xD0000000  }
0x3: {  	_ = 	snop  }
0x4: {  	_ = 	snop  }
0x5: {  	_ = 	snop  }
0x6: {  	_ = 	snop  }
0x7: {  	_ = 	snop  }
__scs_overlays_trampoline_lowered:
0x8: {  	[smem:$0x3FA8] =	sst s0  }
0x9: {  	[smem:$0x3FA9] =	sst s1  }
0xa: {  	[smem:$0x3FAA] =	sst s2  }
0xb: {  	[smem:$0x3FAB] =	sst s3  }
0xc: {  	[smem:$0x3FAC] =	sst s4  }
0xd: {  	[smem:$0x3FAD] =	sst s5  }
0xe: {  	[smem:$0x3FAE] =	sst s6  }
0xf: {  	[smem:$0x3FAF] =	sst s7  }
0x10: {  	[smem:$0x3FB0] =	sst s8  }
0x11: {  	[smem:$0x3FB1] =	sst s9;
	s0 =	simm.s32 @!p0 $0x0  }
0x12: {  	s1 =	sld [smem:$0x3F97];
	s0 =	simm.s32 @p0 $0x1  }
0x13: {  	[smem:$0x3FB2] =	sst s0;
	s0 =	simm.s32 @!p1 $0x0  }
0x14: {  	s2 =	sld [smem:$0x3F96];
	s0 =	simm.s32 @p1 $0x1  }
0x15: {  	[smem:$0x3FB3] =	sst s0;
	s0 =	simm.s32 @!p2 $0x0  }
0x16: {  	s3 =	sld [smem:$0x3FDB];
	s0 =	simm.s32 @p2 $0x1  }
0x17: {  	s4 =	simm.s32 $0x1BF5;
	[smem:$0x3FB5] =	sst s0  }
0x18: {  	s0 =	sld [smem:$0x3F98];
	_ =	swait.ge [sflag:s4], $0x0  }
0x19: {  	s7 =	sld [smem:$0x3F99]  }
0x1a: {  	s8 =	sadd.s32 $0xFFFFE003, lr  }
0x1b: {  	s9 =	sadd.s32 $0xFFFFFEF7, lr;
	s5 =	simm.s32 $0xFFFFFFFF;
	p2 =	slt.u32 s8, $0xFFFFF086  }
0x1c: {  	p1 =	slt.u32 s9, $0xF7A;
	s5 =	simm.s32 @!p2 $0x0  }
0x1d: {  	s5 =	simm.s32 @p1 $0x1;
	p0 =	seq.s32 s7, s2  }
0x1e: {  	s7 =	smul.u32 @!p0 $0xF7A, s2;
	p2 =	seq.s32 @!p0 s5, $0x0  }
0x1f: {  	s9 =	smul.u32 $0xF7A, s1;
	s8 =	simm.s32 @!p0 $0x1BF5;
	p2 =	por !p2, p0  }
0x20: {  	[sflag:s8] =	ssyncset.s32 @!p0 $0xFFFFF086;
	s6 =	sadd.s32 @!p0 s3, s7;
	s7 =	simm.s32 @!p0 $0x108  }
0x21: {  	s3 =	sadd.s32 s3, s9;
	s6 =	sadd.s32 @!p0 $0x88, s6;
	s7 =	simm.s32 @p2 $0x1082  }
0x22: {  	[simem:s7], [sflag:s8] =	dma.local @!p0 [hbm:s6], $0xF7A  }
0x23: {  	s9 =	sor.u32 $0xD0000000, s2;
	s6 =	simm.s32 $0x108;
	_ =	swait.ge @!p0 [sflag:s8], $0x0  }
0x24: {  	s3 =	sadd.s32 $0x88, s3;
	s6 =	simm.s32 @!p1 $0x1082;
	[sflag:s4] =	ssyncset.s32 $0xFFFFF086  }
0x25: {  	[simem:s6], [sflag:s4] =	dma.local [hbm:s3], $0xF7A  }
0x26: {  	[smem:$0x3F99] =	sst s1;
	(tag) =	ssettag s2;
	_ =	strace s9  }
0x27: {  	s1 =	sld [smem:$0x3FA9]  }
0x28: {  	s2 =	sld [smem:$0x3FAA]  }
0x29: {  	s4 =	sld [smem:$0x3FAC]  }
0x2a: {  	p0 =	seq.s32 s5, $0x0;
	s5 =	sld [smem:$0x3FAD]  }
0x2b: {  	s6 =	sld [smem:$0x3FAE]  }
0x2c: {  	s7 =	sld [smem:$0x3FAF]  }
0x2d: {  	s3 =	simm.s32 $0x108;
	s8 =	sld [smem:$0x3FB0]  }
0x2e: {  	s3 =	simm.s32 @!p0 $0x1082;
	s9 =	sld [smem:$0x3FB1]  }
0x2f: {  	lr =	sadd.s32 s0, s3;
	s0 =	sld [smem:$0x3FA8]  }
0x30: {  	s3 =	sld [smem:$0x3FAB]  }
0x31: {  	[smem:$0x3FB4] =	sst s10  }
0x32: {  	s10 =	sld [smem:$0x3FB2];
	_ =	sdelay $0x3  }
0x33: {  	p0 =	seq.s32 s10, $0x1;
	s10 =	sld [smem:$0x3FB4];
	_ =	sdelay $0x3  }
0x34: {  	[smem:$0x3FB4] =	sst s10  }
0x35: {  	s10 =	sld [smem:$0x3FB3];
	_ =	sdelay $0x3  }
0x36: {  	p1 =	seq.s32 s10, $0x1;
	s10 =	sld [smem:$0x3FB4];
	_ =	sdelay $0x3  }
0x37: {  	[smem:$0x3FB4] =	sst s10  }
0x38: {  	s10 =	sld [smem:$0x3FB5]  }
0x39: {  	_ = 	snop;
	(pc) =	sbr.ind lr, $3  }
0x3a: {  	_ = 	snop  }
0x3b: {  	_ = 	snop  }
0x3c: {  	p2 =	seq.s32 s10, $0x1;
	s10 =	sld [smem:$0x3FB4]  }
0x3d: {  	_ =	shalt  }
0x3e: {  	_ =	shalt  }
0x3f: {  	_ =	shalt  }
0x40: {  	_ =	shalt  }
0x41: {  	_ =	shalt  }
0x42: {  	_ =	shalt  }
0x43: {  	_ =	shalt  }
0x44: {  	_ =	shalt  }
0x45: {  	_ =	shalt  }
0x46: {  	_ =	shalt  }
0x47: {  	_ =	shalt  }
0x48: {  	_ =	shalt  }
0x49: {  	_ =	shalt  }
0x4a: {  	_ =	shalt  }
0x4b: {  	_ =	shalt  }
0x4c: {  	_ =	shalt  }
0x4d: {  	_ =	shalt  }
0x4e: {  	_ =	shalt  }
0x4f: {  	_ =	shalt  }
0x50: {  	_ =	shalt  }
0x51: {  	_ =	shalt  }
0x52: {  	_ =	shalt  }
0x53: {  	_ =	shalt  }
0x54: {  	_ =	shalt  }
0x55: {  	_ =	shalt  }
0x56: {  	_ =	shalt  }
0x57: {  	_ =	shalt  }
0x58: {  	_ =	shalt  }
0x59: {  	_ =	shalt  }
0x5a: {  	_ =	shalt  }
0x5b: {  	_ =	shalt  }
0x5c: {  	_ =	shalt  }
0x5d: {  	_ =	shalt  }
0x5e: {  	_ =	shalt  }
0x5f: {  	_ =	shalt  }
0x60: {  	_ =	shalt  }
0x61: {  	_ =	shalt  }
0x62: {  	_ =	shalt  }
0x63: {  	_ =	shalt  }
0x64: {  	_ =	shalt  }
0x65: {  	_ =	shalt  }
0x66: {  	_ =	shalt  }
0x67: {  	_ =	shalt  }
0x68: {  	_ =	shalt  }
0x69: {  	_ =	shalt  }
0x6a: {  	_ =	shalt  }
0x6b: {  	_ =	shalt  }
0x6c: {  	_ =	shalt  }
0x6d: {  	_ =	shalt  }
0x6e: {  	_ =	shalt  }
0x6f: {  	_ =	shalt  }
0x70: {  	_ =	shalt  }
0x71: {  	_ =	shalt  }
0x72: {  	_ =	shalt  }
0x73: {  	_ =	shalt  }
0x74: {  	_ =	shalt  }
0x75: {  	_ =	shalt  }
0x76: {  	_ =	shalt  }
0x77: {  	_ =	shalt  }
0x78: {  	_ =	shalt  }
0x79: {  	_ =	shalt  }
0x7a: {  	_ =	shalt  }
0x7b: {  	_ =	shalt  }
0x7c: {  	_ =	shalt  }
0x7d: {  	_ =	shalt  }
0x7e: {  	_ =	shalt  }
0x7f: {  	_ =	shalt  }
0x80: {  	_ =	shalt  }
0x81: {  	_ =	shalt  }
0x82: {  	_ =	shalt  }
0x83: {  	_ =	shalt  }
0x84: {  	_ =	shalt  }
0x85: {  	_ =	shalt  }
0x86: {  	_ =	shalt  }
0x87: {  	_ =	shalt  }
.Lfunc_end0:
.L_simem_size_0:
called_computation.3_lowered:
.L_overlay_start_0:
0x88: {  	s2 =	sld [smem:$0x3FD9]  }
0x89: {  	s3 =	sld [smem:$0x3FFE];
	_ =	sdelay $0x1  }
0x8a: {  	s1 =	srdreg.scid  }
0x8b: {  	s0 =	sand.u32 $0x1, s1  }
0x8c: {  	s16 =	sshll.u32 s0, $0xA;
	s2 =	sadd.s32 s3, s2  }
0x8d: {  	s2 =	sadd.s32 s2, s16  }
0x8e: {  	[smem:$0x3FC0] =	sst s2  }
0x8f: {  	_ = 	snop  }
0x90: {  	(tm) =	ssettm $0x1  }
0x91: {  	s17 =	sld [smem:$0x3FFB];
	_ =	sdelay $0x3  }
0x92: {  	_ =	strace s17  }
0x93: {  	s2 =	sld [smem:$0x3FFC];
	_ =	sdelay $0x3  }
0x94: {  	_ =	strace s2  }
0x95: {  	s2 =	sld [smem:$0x3FFD];
	_ =	sdelay $0x3  }
0x96: {  	_ =	strace s2  }
0x97: {  	_ =	strace $0x8FFFFFFF  }
0x98: {  	s18 =	sld [smem:$0x3FDB];
	_ =	sdelay $0x1  }
0x99: {  	s19 =	simm.s32 $_scs_section_size  }
0x9a: {  	s4 =	simm.s32 $_size__tile_overlayer_lowered;
	s5 =	simm.s32 $_tile_overlayer_lowered  }
0x9b: {  	s22 =	simm.s32 $0x1BFF;
	s21 =	sshll.u32 s5, $0x1;
	s2 =	sadd.s32 s19, s18  }
0x9c: {  	s6 =	simm.s32 $0x0;
	s20 =	sshll.u32 s4, $0x1;
	s4 =	sadd.s32 s21, s2  }
0x9d: {  	[timem:s6], [sflag:s22] =	dma.local [hbm:s4], s20  }
0x9e: {  	_ =	swait.ge [sflag:s22], s20  }
0x9f: {  	s3 =	ssub.s32 $0x0, s20;
	[sflag:s22] =	ssyncset.done $0x0  }
0xa0: {  	[sflag:s22] =	ssyncadd.s32 s3;
	_ =	sdelay $0x1  }
0xa1: {  	s23 =	simm.s32 $0x1B8B  }
0xa2: {  	_ =	swait.ge [sflag:s23], $0x1  }
0xa3: {  	[sflag:s23] =	ssyncset.done $0x0  }
0xa4: {  	s25 =	simm.s32 $0x1B8E;
	s24 =	sld [smem:$0x3FFE];
	[sflag:s23] =	ssyncadd.s32 $0xFFFFFFFF  }
0xa5: {  	s26 =	simm.s32 $execute0_lowered;
	[smem:$0x3FD2] =	sst s25  }
0xa6: {  	s4 =	sshll.u32 s26, $0x1;
	_ =	strace $0x8000004F;
	[dreg:$0x1] =	wrdreg $0xFFFFFFFF  }
0xa7: {  	s28 =	simm.s32 $_size_execute0_lowered;
	s2 =	sadd.s32 s2, s4;
	[dreg:$0x0] =	wrdreg $0x0  }
0xa8: {  	s4 =	sshll.u32 s28, $0x1;
	[dreg:$0x2] =	wrdreg s2  }
0xa9: {  	[dreg:$0x3] =	wrdreg s4  }
0xaa: {  	[dreg:$0x4] =	wrdreg $0xC0  }
0xab: {  	_ =	task [dreg:s6], $0x5FFFF  }
0xac: {  	[dreg:$0x1] =	wrdreg $0xFFFFFFFF  }
0xad: {  	[dreg:$0x0] =	wrdreg $0x60  }
0xae: {  	[dreg:$0x2] =	wrdreg s24  }
0xaf: {  	[dreg:$0x3] =	wrdreg $0xA8000  }
0xb0: {  	[dreg:$0x4] =	wrdreg $0x9  }
0xb1: {  	_ =	task.clear_ibuf [dreg:s6], $0x5FFFF;
	_ =	strace $0x9000004F  }
0xb2: {  	s29 =	simm.s32 $0x9;
	_ =	strace $0x80000051  }
0xb3: {  	_ =	swait.ge [sflag:s29], $0x1  }
0xb4: {  	[sflag:s29] =	ssyncadd.s32 $0xFFFFFFFF  }
0xb5: {  	_ =	strace $0x90000051  }
0xb6: {  	_ =	sfence  }
0xb7: {  	s30 =	sld [smem:$0x0];
	_ =	sdelay $0x2  }
0xb8: {  	s31 =	sshll.u32 s1, $0xD;
	s1 =	sshrl.u32 s1, $0x2  }
0xb9: {  	s3 =	sand.u32 $0x4000, s31;
	s1 =	sadd.s32 s1, s30  }
0xba: {  	s0 =	sor.u32 s3, s0;
	s1 =	sshll.u32 s1, $0x11  }
0xbb: {  	s0 =	sor.u32 s1, s0  }
0xbc: {  	s0 =	sadd.s32 $0x8F2B, s0  }
0xbd: {  	[sflag:s0] =	ssyncadd.remote.s32 $0x1  }
0xbe: {  	_ =	sfence.sel $0xFFFF  }
0xbf: {  	[dreg:$0x0] =	wrdreg $0xFFFFFFFF;
	(pc) =	sbr.abs _section_cstart, $3  }
0xc0: {  	[dreg:$0x1] =	wrdreg $0xFFFFFFFF  }
0xc1: {  	_ =	task.clear_ibuf [dreg:s6], $0x2FFFF;
	_ =	strace $0x9FFFFFFF  }
0xc2: {  	(tm) =	ssettm $0x7FFFFFFF  }
0xc3: {  	_ =	shalt  }
tec
execute0_lowered:
.L_overlay_start_1:
0x0: {  	(tag) =	ssettag $0x1  }
0x1: {  	s5 =	rddreg [dreg:$0x0]  }
0x2: {  	s0 =	srdreg.scid;
	s2 =	rddreg [dreg:$0x1]  }
0x3: {  	s1 =	rddreg [dreg:$0x2];
	s3 =	simm.s32 $0x0;
	s15 =	simm.s32 $0x1400  }
0x4: {  	s16 =	simm.s32 $0x80;
	s17 =	simm.s32 $0x2800;
	s6 =	sand.u32 $0x1, s0  }
0x5: {  	s18 =	simm.s32 $0x6800;
	s0 =	stileid.u32;
	s4 =	smul.u32 $0x28000, s6  }
0x6: {  	s19 =	simm.s32 $0x1;
	s20 =	simm.s32 $0x2;
	s7 =	smul.u32 $0x2800, s0  }
0x7: {  	s21 =	simm.s32 $0x2700;
	s22 =	simm.s32 $0x2780;
	s8 =	smul.u32 $0x2800, s6  }
0x8: {  	s23 =	simm.s32 $0x0;
	[smem:$0x7FF] =	sst s3;
	s10 =	smul.u32 $0x280, s0  }
0x9: {  	_ =	strace $0x80000050;
	s6 =	ssub.s32 $0x2, s6;
	s26 =	smul.u32 $0x50000, s0  }
0xa: {  	s31 =	sshll.u32 s0, $0x6;
	s29 =	sshrl.u32 s6, $0x1;
	s4 =	sadd.s32 s7, s4  }
0xb: {  	s7 =	sshrl.u32 s7, $0x3;
	s8 =	sadd.s32 s10, s8;
	s13 =	ssub.s32 s6, s29  }
0xc: {  	s30 =	sshrl.u32 s26, $0x2;
	s6 =	sor.u32 $0x1C03, s31;
	s9 =	sshrl.u32 s4, $0x3  }
0xd: {  	s4 =	sadd.s32 $0x62400, s5;
	s11 =	sadd.s32 s7, s5;
	s28 =	sshll.u32 s8, $0x4  }
0xe: {  	s14 =	sadd.s32 s30, s2;
	s9 =	sadd.s32 s9, s5;
	s12 =	sadd.s32 s28, s5  }
0xf: {  	s5 =	sadd.s32 s4, s28;
	s8 =	sadd.s32 $0x2C00, s11;
	s10 =	sadd.s32 $0x2E80, s11  }
0x10: {  	s7 =	sadd.s32 $0x58400, s9;
	s9 =	sadd.s32 $0x58680, s9;
	s11 =	sadd.s32 $0xB2400, s12  }
0x11: {  	s12 =	smax.u32 s13, $0x1;
	s13 =	sshrl.u32 s14, $0x3;
	s14 =	simm.s32 $0x3  }
.LBB2_1:
0x12: {  	[spmem:s13], [sflag:s6] =	dma.local [hbm:s5], $0x2800  }
0x13: {  	_ =	swait.ge [sflag:s14], $0x2800  }
0x14: {  	[sflag:s14] =	ssyncset.done $0x0  }
0x15: {  	[sflag:s14] =	ssyncadd.s32 $0xFFFFD800  }
0x16: {  	[bflag:$0x0] =	sbarrier.arrive $0xFFFF  }
0x17: {  	[tilespmem:s3], [sflag:$0x3] =	stream.linear.gather [hbm4b:s7+s3], $0x1400, $0x38;
	[tilespmem:$0x1E800] =	vst v63  }
0x18: {  	_ =	swait.ge [sflag:s14], $0x1400  }
0x19: {  	[sflag:s14] =	ssyncset.done $0x0  }
0x1a: {  	[sflag:s14] =	ssyncadd.s32 $0xFFFFEC00  }
0x1b: {  	[tilespmem:s15], [sflag:$0x3] =	stream.linear.gather [hbm4b:s8+s3], $0x1400, $0x38;
	[tilespmem:$0x1E800] =	vst v63  }
0x1c: {  	_ =	swait.ge [sflag:s14], $0x1400  }
0x1d: {  	[sflag:s14] =	ssyncset.done $0x0  }
0x1e: {  	[sflag:s14] =	ssyncadd.s32 $0xFFFFEC00  }
0x1f: {  	[tilespmem:s17], [sflag:$0x1] =	stream.indirect.gather [hbm4b:s4+s16], $0x80, s3, s16, $0xb8;
	[tilespmem:$0x1E800] =	vst v63  }
0x20: {  	_ = 	snop  }
0x21: {  	[tilespmem:s18], [sflag:$0x2] =	stream.indirect.gather [hbm4b:s4+s16], $0x80, s16, s16, $0xb8;
	[tilespmem:$0x1E800] =	vst v63  }
0x22: {  	_ =	swait.ge [sflag:s19], $0x4000  }
0x23: {  	[sflag:s19] =	ssyncset.done $0x0  }
0x24: {  	s24 =	simm.s32 $0x1400;
	[sflag:s19] =	ssyncadd.s32 $0xFFFFC000  }
0x25: {  	[spmem:s2] =	stream.indirect.scatter.add.f32 [tilespmem:s17], [sflag:$0x3], $0x80, s24, s16, $0xb8;
	[tilespmem:$0x1E800] =	vst v63  }
0x26: {  	_ =	swait.ge [sflag:s14], $0x4000  }
0x27: {  	[sflag:s14] =	ssyncset.done $0x0  }
0x28: {  	s30 =	simm.s32 $0x100;
	[sflag:s14] =	ssyncadd.s32 $0xFFFFC000  }
0x29: {  	[tilespmem:s17], [sflag:$0x1] =	stream.indirect.gather [hbm4b:s4+s16], $0x80, s30, s16, $0xb8;
	[tilespmem:$0x1E800] =	vst v63  }
0x2a: {  	_ =	swait.ge [sflag:s20], $0x4000  }
0x2b: {  	[sflag:s20] =	ssyncset.done $0x0  }
0x2c: {  	s31 =	simm.s32 $0x1480;
	[sflag:s20] =	ssyncadd.s32 $0xFFFFC000  }
0x2d: {  	[spmem:s2] =	stream.indirect.scatter.add.f32 [tilespmem:s18], [sflag:$0x3], $0x80, s31, s16, $0xb8;
	[tilespmem:$0x1E800] =	vst v63  }
0x2e: {  	_ =	swait.ge [sflag:s14], $0x4000  }
0x2f: {  	[sflag:s14] =	ssyncset.done $0x0  }
0x30: {  	s25 =	simm.s32 $0x180;
	s24 =	simm.s32 $0x400;
	[sflag:s14] =	ssyncadd.s32 $0xFFFFC000  }
.LBB2_2:
0x31: {  	[tilespmem:s18], [sflag:$0x2] =	stream.indirect.gather [hbm4b:s4+s16], $0x80, s25, s16, $0xb8;
	[tilespmem:$0x1E800] =	vst v63  }
0x32: {  	s25 =	smov.u32 s24  }
0x33: {  	p0 =	sne.s32 s24, $0x4800;
	s24 =	sadd.s32 $0x400, s24;
	_ =	swait.ge [sflag:s19], $0x4000  }
0x34: {  	s25 =	sshra.s32 s25, $0x2;
	[sflag:s19] =	ssyncset.done $0x0  }
0x35: {  	s26 =	sadd.s32 $0x1400, s25;
	[sflag:s19] =	ssyncadd.s32 $0xFFFFC000  }
0x36: {  	[spmem:s2] =	stream.indirect.scatter.add.f32 [tilespmem:s17], [sflag:$0x3], $0x80, s26, s16, $0xb8;
	[tilespmem:$0x1E800] =	vst v63  }
0x37: {  	_ =	swait.ge [sflag:s14], $0x4000  }
0x38: {  	[sflag:s14] =	ssyncset.done $0x0  }
0x39: {  	s26 =	sadd.s32 $0x100, s25;
	[sflag:s14] =	ssyncadd.s32 $0xFFFFC000  }
0x3a: {  	[tilespmem:s17], [sflag:$0x1] =	stream.indirect.gather [hbm4b:s4+s16], $0x80, s26, s16, $0xb8;
	[tilespmem:$0x1E800] =	vst v63  }
0x3b: {  	_ =	swait.ge [sflag:s20], $0x4000  }
0x3c: {  	[sflag:s20] =	ssyncset.done $0x0  }
.Ltmp0:
0x3d: {  	s26 =	sadd.s32 $0x1480, s25;
	[sflag:s20] =	ssyncadd.s32 $0xFFFFC000;
	(pc) =	sbr.rel @p0 .LBB2_2-.Ltmp0, $4  }
0x3e: {  	[spmem:s2] =	stream.indirect.scatter.add.f32 [tilespmem:s18], [sflag:$0x3], $0x80, s26, s16, $0xb8;
	[tilespmem:$0x1E800] =	vst v63  }
0x3f: {  	_ =	swait.ge [sflag:s14], $0x4000  }
0x40: {  	[sflag:s14] =	ssyncset.done $0x0  }
0x41: {  	s25 =	sadd.s32 $0x180, s25;
	[sflag:s14] =	ssyncadd.s32 $0xFFFFC000  }
0x42: {  	[tilespmem:s18], [sflag:$0x2] =	stream.indirect.gather [hbm4b:s4+s16], $0x80, s25, s16, $0xb8;
	[tilespmem:$0x1E800] =	vst v63  }
0x43: {  	_ =	swait.ge [sflag:s19], $0x4000  }
0x44: {  	[sflag:s19] =	ssyncset.done $0x0  }
0x45: {  	[sflag:s19] =	ssyncadd.s32 $0xFFFFC000  }
0x46: {  	[spmem:s2] =	stream.indirect.scatter.add.f32 [tilespmem:s17], [sflag:$0x3], $0x80, s21, s16, $0xb8;
	[tilespmem:$0x1E800] =	vst v63  }
0x47: {  	_ =	swait.ge [sflag:s14], $0x4000  }
0x48: {  	[sflag:s14] =	ssyncset.done $0x0  }
0x49: {  	[sflag:s14] =	ssyncadd.s32 $0xFFFFC000  }
0x4a: {  	_ =	swait.ge [sflag:s20], $0x4000  }
0x4b: {  	[sflag:s20] =	ssyncset.done $0x0  }
0x4c: {  	[sflag:s20] =	ssyncadd.s32 $0xFFFFC000  }
0x4d: {  	[spmem:s2] =	stream.indirect.scatter.add.f32 [tilespmem:s18], [sflag:$0x3], $0x80, s22, s16, $0xb8;
	[tilespmem:$0x1E800] =	vst v63  }
0x4e: {  	_ =	swait.ge [sflag:s14], $0x4000  }
0x4f: {  	[sflag:s14] =	ssyncset.done $0x0  }
0x50: {  	s24 =	simm.s32 $0x0;
	[sflag:s14] =	ssyncadd.s32 $0xFFFFC000  }
0x51: {  	[tilespmem:s24], [sflag:$0x3] =	stream.linear.gather [hbm4b:s9+s24], $0x1400, $0x38;
	[tilespmem:$0x1E800] =	vst v63  }
0x52: {  	_ =	swait.ge [sflag:s14], $0x1400  }
0x53: {  	[sflag:s14] =	ssyncset.done $0x0  }
0x54: {  	[sflag:s14] =	ssyncadd.s32 $0xFFFFEC00  }
0x55: {  	[tilespmem:s15], [sflag:$0x3] =	stream.linear.gather [hbm4b:s10+s24], $0x1400, $0x38;
	[tilespmem:$0x1E800] =	vst v63  }
0x56: {  	_ =	swait.ge [sflag:s14], $0x1400  }
0x57: {  	[sflag:s14] =	ssyncset.done $0x0  }
0x58: {  	[sflag:s14] =	ssyncadd.s32 $0xFFFFEC00  }
0x59: {  	[tilespmem:s17], [sflag:$0x1] =	stream.indirect.gather [hbm4b:s4+s16], $0x80, s24, s16, $0xb8;
	[tilespmem:$0x1E800] =	vst v63  }
0x5a: {  	_ = 	snop  }
0x5b: {  	[tilespmem:s18], [sflag:$0x2] =	stream.indirect.gather [hbm4b:s4+s16], $0x80, s16, s16, $0xb8;
	[tilespmem:$0x1E800] =	vst v63  }
0x5c: {  	_ =	swait.ge [sflag:s19], $0x4000  }
0x5d: {  	[sflag:s19] =	ssyncset.done $0x0  }
0x5e: {  	s29 =	simm.s32 $0x1400;
	[sflag:s19] =	ssyncadd.s32 $0xFFFFC000  }
0x5f: {  	[spmem:s2] =	stream.indirect.scatter.add.f32 [tilespmem:s17], [sflag:$0x3], $0x80, s29, s16, $0xb8;
	[tilespmem:$0x1E800] =	vst v63  }
0x60: {  	_ =	swait.ge [sflag:s14], $0x4000  }
0x61: {  	[sflag:s14] =	ssyncset.done $0x0  }
0x62: {  	s30 =	simm.s32 $0x100;
	[sflag:s14] =	ssyncadd.s32 $0xFFFFC000  }
0x63: {  	[tilespmem:s17], [sflag:$0x1] =	stream.indirect.gather [hbm4b:s4+s16], $0x80, s30, s16, $0xb8;
	[tilespmem:$0x1E800] =	vst v63  }
0x64: {  	_ =	swait.ge [sflag:s20], $0x4000  }
0x65: {  	[sflag:s20] =	ssyncset.done $0x0  }
0x66: {  	s31 =	simm.s32 $0x1480;
	[sflag:s20] =	ssyncadd.s32 $0xFFFFC000  }
0x67: {  	[spmem:s2] =	stream.indirect.scatter.add.f32 [tilespmem:s18], [sflag:$0x3], $0x80, s31, s16, $0xb8;
	[tilespmem:$0x1E800] =	vst v63  }
0x68: {  	_ =	swait.ge [sflag:s14], $0x4000  }
0x69: {  	[sflag:s14] =	ssyncset.done $0x0  }
0x6a: {  	s25 =	simm.s32 $0x180;
	s24 =	simm.s32 $0x400;
	[sflag:s14] =	ssyncadd.s32 $0xFFFFC000  }
.LBB2_4:
0x6b: {  	[tilespmem:s18], [sflag:$0x2] =	stream.indirect.gather [hbm4b:s4+s16], $0x80, s25, s16, $0xb8;
	[tilespmem:$0x1E800] =	vst v63  }
0x6c: {  	s25 =	smov.u32 s24  }
0x6d: {  	p0 =	sne.s32 s24, $0x4800;
	s24 =	sadd.s32 $0x400, s24;
	_ =	swait.ge [sflag:s19], $0x4000  }
0x6e: {  	s25 =	sshra.s32 s25, $0x2;
	[sflag:s19] =	ssyncset.done $0x0  }
0x6f: {  	s26 =	sadd.s32 $0x1400, s25;
	[sflag:s19] =	ssyncadd.s32 $0xFFFFC000  }
0x70: {  	[spmem:s2] =	stream.indirect.scatter.add.f32 [tilespmem:s17], [sflag:$0x3], $0x80, s26, s16, $0xb8;
	[tilespmem:$0x1E800] =	vst v63  }
0x71: {  	_ =	swait.ge [sflag:s14], $0x4000  }
0x72: {  	[sflag:s14] =	ssyncset.done $0x0  }
0x73: {  	s26 =	sadd.s32 $0x100, s25;
	[sflag:s14] =	ssyncadd.s32 $0xFFFFC000  }
0x74: {  	[tilespmem:s17], [sflag:$0x1] =	stream.indirect.gather [hbm4b:s4+s16], $0x80, s26, s16, $0xb8;
	[tilespmem:$0x1E800] =	vst v63  }
0x75: {  	_ =	swait.ge [sflag:s20], $0x4000  }
0x76: {  	[sflag:s20] =	ssyncset.done $0x0  }
.Ltmp1:
0x77: {  	s26 =	sadd.s32 $0x1480, s25;
	[sflag:s20] =	ssyncadd.s32 $0xFFFFC000;
	(pc) =	sbr.rel @p0 .LBB2_4-.Ltmp1, $4  }
0x78: {  	[spmem:s2] =	stream.indirect.scatter.add.f32 [tilespmem:s18], [sflag:$0x3], $0x80, s26, s16, $0xb8;
	[tilespmem:$0x1E800] =	vst v63  }
0x79: {  	_ =	swait.ge [sflag:s14], $0x4000  }
0x7a: {  	[sflag:s14] =	ssyncset.done $0x0  }
0x7b: {  	s25 =	sadd.s32 $0x180, s25;
	[sflag:s14] =	ssyncadd.s32 $0xFFFFC000  }
0x7c: {  	[tilespmem:s18], [sflag:$0x2] =	stream.indirect.gather [hbm4b:s4+s16], $0x80, s25, s16, $0xb8;
	[tilespmem:$0x1E800] =	vst v63  }
0x7d: {  	_ =	swait.ge [sflag:s19], $0x4000  }
0x7e: {  	[sflag:s19] =	ssyncset.done $0x0  }
0x7f: {  	[sflag:s19] =	ssyncadd.s32 $0xFFFFC000  }
0x80: {  	[spmem:s2] =	stream.indirect.scatter.add.f32 [tilespmem:s17], [sflag:$0x3], $0x80, s21, s16, $0xb8;
	[tilespmem:$0x1E800] =	vst v63  }
0x81: {  	_ =	swait.ge [sflag:s14], $0x4000  }
0x82: {  	[sflag:s14] =	ssyncset.done $0x0  }
0x83: {  	[sflag:s14] =	ssyncadd.s32 $0xFFFFC000  }
0x84: {  	_ =	swait.ge [sflag:s20], $0x4000  }
0x85: {  	[sflag:s20] =	ssyncset.done $0x0  }
0x86: {  	[sflag:s20] =	ssyncadd.s32 $0xFFFFC000  }
0x87: {  	[spmem:s2] =	stream.indirect.scatter.add.f32 [tilespmem:s18], [sflag:$0x3], $0x80, s22, s16, $0xb8;
	[tilespmem:$0x1E800] =	vst v63  }
0x88: {  	_ =	swait.ge [sflag:s14], $0x4000  }
0x89: {  	s23 =	sadd.s32 $0x1, s23;
	[sflag:s14] =	ssyncset.done $0x0  }
0x8a: {  	p0 =	sne.s32 s23, s12;
	[sflag:s14] =	ssyncadd.s32 $0xFFFFC000  }
.Ltmp2:
0x8b: {  	[bflag:$0x0] =	sbarrier.arrive $0xFFFF;
	(pc) =	sbr.rel @p0 .LBB2_1-.Ltmp2, $4  }
0x8c: {  	[hbm:s11], [sflag:s6] =	dma.local [spmem:s13], $0x2800  }
0x8d: {  	_ =	swait.ge [sflag:s14], $0x2800  }
0x8e: {  	[sflag:s14] =	ssyncset.done $0x0  }
0x8f: {  	[sflag:s14] =	ssyncadd.s32 $0xFFFFD800  }
0x90: {  	_ =	sfence.sel $0x180000  }
0x91: {  	[bflag:$0x0] =	sbarrier.arrive $0xFFFF  }
0x92: {  	p0 =	sne.s32 s0, $0x0;
	_ =	strace $0x90000050  }
0x93: {  	s0 =	sadd.s32 @!p0 $0x100000, s1;
	[bflag:$0x2] =	sbarrier.arrive $0xFFFF  }
0x94: {  	[sflag:s0] =	ssyncadd.tile.s32 @!p0 $0x1;
	_ =	shalt  }
.Lfunc_end2:
_tile_overlayer_lowered:
.L_overlay_start_2:
0x95: {  	(tag) =	ssettag $0x2  }
0x96: {  	s0 =	rddreg [dreg:$0x0];
	s2 =	stileid.u32  }
0x97: {  	s1 =	rddreg [dreg:$0x1];
	p0 =	sne.s32 s2, $0x0  }
0x98: {  	s3 =	rddreg [dreg:$0x2];
	[bflag:$0x3] =	sbarrier.arrive $0xFFFF;
	s2 =	simm.s32 @!p0 $0x1C03  }
0x99: {  	[timem:s3], [sflag:s2] =	dma.local @!p0 [hbm:s0], s1  }
0x9a: {  	s0 =	simm.s32 @!p0 $0x3  }
0x9b: {  	_ =	swait.ge @!p0 [sflag:s0], s1  }
0x9c: {  	s1 =	ssub.s32 @!p0 $0x0, s1;
	[sflag:s0] =	ssyncset.done @!p0 $0x0  }
0x9d: {  	[sflag:s0] =	ssyncadd.s32 @!p0 s1  }
0x9e: {  	[bflag:$0x3] =	sbarrier.arrive $0xFFFF  }
0x9f: {  	_ =	shalt  }

</sc_bundles>
